<compile_context>
chip_gen: v7x
topology: tpu7x:2x2x1
jax: 0.10.2.dev20260603
libtpu: 0.0.44.dev20260713+nightly
codegen_flags: <defaults>
</compile_context>

<pallas_src>
import functools

import jax
import jax.numpy as jnp
from jax import lax
from jax.experimental import pallas as pl
from jax.experimental.pallas import tpu as pltpu
from jax.experimental.pallas import tpu_sc as plsc

NUM_GPS = 1000000
EMBED_DIM = 64
BATCH = 16384
HIST = 50

NC = 2
NS = 16
NW = NC * NS
BLK = 128
NBLK_TOTAL = BATCH // BLK * HIST
BPW = NBLK_TOTAL // NW
TB_N = BATCH // BLK
C_SUB = EMBED_DIM // 8
PADC = BLK + 1

NCH_F = 7813
R_PAD = NCH_F * BLK
PADV = 133
FK = 246


def _format_body(tabt_hbm, fmt_hbm, vb0, vb1, pb0, pb1, tb0, tb1,
                 sg0, sg1, ss0, ss1):
    wid = lax.axis_index("s") * NC + lax.axis_index("c")
    sem_g = (sg0, sg1)
    sem_s = (ss0, ss1)
    vbufs = (vb0, vb1)
    pbufs = (pb0, pb1)
    tbufs = (tb0, tb1)

    iota16 = lax.iota(jnp.int32, 16)

    def chunk_of(k):
        return wid + NW * k

    def issue_read(k, b):
        c = chunk_of(k)
        pltpu.async_copy(
            tabt_hbm.at[:, pl.ds(c * BLK, BLK)], vbufs[b], sem_g[b]
        )

    def wait_read(b):
        pltpu.make_async_copy(
            tabt_hbm.at[:, pl.ds(0, BLK)], vbufs[b], sem_g[b]
        ).wait()

    def issue_store(k, b):
        c = chunk_of(k)
        pltpu.async_copy(
            tbufs[b], fmt_hbm.at[pl.ds(c * EMBED_DIM, EMBED_DIM)], sem_s[b]
        )

    def wait_store(b):
        pltpu.make_async_copy(
            tbufs[b], fmt_hbm.at[pl.ds(0, EMBED_DIM)], sem_s[b]
        ).wait()

    def transpose_chunk(b):
        vb = vbufs[b]
        pb = pbufs[b]
        tb_ref = tbufs[b]

        @plsc.parallel_loop(0, EMBED_DIM, step=1, unroll=8)
        def _(c):
            for rg in range(BLK // 16):
                pb[pl.ds(c * PADV + rg * 16, 16)] = vb[c, pl.ds(rg * 16, 16)]

        @plsc.parallel_loop(0, BLK, step=1, unroll=8)
        def _(r):
            for cg in range(EMBED_DIM // 16):
                flat_idx = (iota16 + (16 * cg)) * PADV + r
                v = plsc.load_gather(pb, [flat_idx])
                tb_ref[
                    lax.shift_right_logical(r, 1),
                    pl.ds(lax.bitwise_and(r, 1) * EMBED_DIM + cg * 16, 16),
                ] = v

    issue_read(0, 0)

    @pl.when(chunk_of(1) < NCH_F)
    def _():
        issue_read(1, 1)

    def loop_body(g, _):
        for b in range(2):
            k = 2 * g + b
            valid = chunk_of(k) < NCH_F

            @pl.when(valid)
            def _():
                wait_read(b)

                @pl.when(k >= 2)
                def _():
                    wait_store(b)

                transpose_chunk(b)
                issue_store(k, b)

            @pl.when(chunk_of(k + 2) < NCH_F)
            def _():
                issue_read(k + 2, b)

        return _

    lax.fori_loop(0, FK // 2, loop_body, None)

    for b in range(2):
        last = FK - 2 + b

        @pl.when(chunk_of(last) < NCH_F)
        def _():
            wait_store(b)


def _gather_body(idx_hbm, table_hbm, out_hbm, idx_v, rows_v, tbuf_v,
                 sg0, sg1, ss0, ss1):
    wid = lax.axis_index("s") * NC + lax.axis_index("c")
    sem_g = (sg0, sg1)
    sem_s = (ss0, ss1)

    pltpu.sync_copy(idx_hbm.at[pl.ds(wid * BPW, BPW)], idx_v)

    iota16 = lax.iota(jnp.int32, 16)

    def issue_gather(j, b):
        pltpu.async_copy(table_hbm.at[idx_v.at[j]], rows_v.at[b], sem_g[b])

    def wait_gather(b):
        pltpu.make_async_copy(
            table_hbm.at[pl.ds(0, BLK)], rows_v.at[b], sem_g[b]
        ).wait()

    def transpose_block(b):
        rows = rows_v.at[b]
        tb_ref = tbuf_v.at[b]

        @plsc.parallel_loop(0, BLK, step=1, unroll=8)
        def _(l):
            col_idx = jnp.full((16,), 0, jnp.int32) + l
            for cg in range(EMBED_DIM // 16):
                tc_idx = lax.shift_right_logical(iota16 + (16 * cg), 3)
                sc_idx = lax.bitwise_and(iota16 + (16 * cg), 7)
                v = rows[l, pl.ds(cg * 16, 16)]
                plsc.store_scatter(tb_ref, [tc_idx, sc_idx, col_idx], v)

    def issue_stores(j, b):
        g_blk = wid * BPW + j
        h = lax.shift_right_logical(g_blk, 7)
        tb = lax.bitwise_and(g_blk, TB_N - 1)
        pltpu.async_copy(
            tbuf_v.at[b].at[:, :, pl.ds(0, BLK)],
            out_hbm.at[h, :, tb],
            sem_s[b],
        )

    def wait_stores(b):
        pltpu.make_async_copy(
            tbuf_v.at[b].at[:, :, pl.ds(0, BLK)],
            out_hbm.at[0, :, 0],
            sem_s[b],
        ).wait()

    issue_gather(0, 0)
    issue_gather(1, 1)

    def loop_body(g, _):
        for b in range(2):
            j = 2 * g + b
            wait_gather(b)

            @pl.when(g >= 1)
            def _():
                wait_stores(b)

            transpose_block(b)

            @pl.when(g < BPW // 2 - 1)
            def _():
                issue_gather(j + 2, b)

            issue_stores(j, b)
        return _

    lax.fori_loop(0, BPW // 2, loop_body, None)

    wait_stores(0)
    wait_stores(1)


def kernel(gps_idx, table):
    idx_blocks = gps_idx.astype(jnp.int32).T.reshape(NBLK_TOTAL, BLK)

    mesh = plsc.VectorSubcoreMesh(core_axis_name="c", subcore_axis_name="s")

    fmt = pl.kernel(
        _format_body,
        mesh=mesh,
        out_type=jax.ShapeDtypeStruct((R_PAD // 2, 128), jnp.float32),
        scratch_types=[
            pltpu.VMEM((EMBED_DIM, BLK), jnp.float32),
            pltpu.VMEM((EMBED_DIM, BLK), jnp.float32),
            pltpu.VMEM((EMBED_DIM * PADV,), jnp.float32),
            pltpu.VMEM((EMBED_DIM * PADV,), jnp.float32),
            pltpu.VMEM((EMBED_DIM, BLK), jnp.float32),
            pltpu.VMEM((EMBED_DIM, BLK), jnp.float32),
            pltpu.SemaphoreType.DMA,
            pltpu.SemaphoreType.DMA,
            pltpu.SemaphoreType.DMA,
            pltpu.SemaphoreType.DMA,
        ],
        compiler_params=pltpu.CompilerParams(
            use_tc_tiling_on_sc=True,
            needs_layout_passes=False,
            disable_bounds_checks=True,
        ),
    )(table.T)
    table_rm = fmt.reshape(R_PAD, EMBED_DIM)

    out5 = pl.kernel(
        _gather_body,
        mesh=mesh,
        out_type=jax.ShapeDtypeStruct((HIST, C_SUB, TB_N, 8, BLK), jnp.float32),
        scratch_types=[
            pltpu.VMEM((BPW, BLK), jnp.int32),
            pltpu.VMEM((2, BLK, EMBED_DIM), jnp.float32),
            pltpu.VMEM((2, C_SUB, 8, PADC), jnp.float32),
            pltpu.SemaphoreType.DMA,
            pltpu.SemaphoreType.DMA,
            pltpu.SemaphoreType.DMA,
            pltpu.SemaphoreType.DMA,
        ],
        compiler_params=pltpu.CompilerParams(
            use_tc_tiling_on_sc=False,
            needs_layout_passes=False,
            disable_bounds_checks=True,
        ),
    )(idx_blocks, table_rm)
    return out5.transpose(2, 4, 0, 1, 3).reshape(BATCH, HIST, EMBED_DIM)

# --- scband reference (transcript-rebuilt; emitter-appended) ---
"""Pipeline reference for scband-gpsembeddings-60773787239015 (READ-ONLY COPY).

The authoritative reference and input builder live on the scoring server;
editing this copy changes nothing except your own understanding.
"""

import jax, jax.numpy as jnp
import numpy as np

NUM_GPS = 1000000
EMBED_DIM = 64
BATCH = 16384
HIST = 50

def setup_inputs(seed: int = 0) -> dict:
    key = jax.random.key(seed)
    k_idx, k_tab = jax.random.split(key)
    gps_idx = jax.random.randint(k_idx, (BATCH, HIST), 0, NUM_GPS, dtype=jnp.int64 if jax.config.jax_enable_x64 else jnp.int32)
    table = jax.random.normal(k_tab, (NUM_GPS, EMBED_DIM), dtype=jnp.float32)
    return {"gps_idx": gps_idx, "table": table}

def reference(gps_idx, table):
    # nn.Embedding lookup -> gather rows from table
    embed = jnp.take(table, gps_idx, axis=0)
    return embed

if __name__ == "__main__":
    import jax
    _d = setup_inputs()
    print(jax.jit(kernel)(*tuple(_d.values())))

</pallas_src>

<mosaic_0001>
#map = affine_map<(d0, d1) -> (0, 0)>
module attributes {stable_mosaic.version = 14 : i64} {
  func.func @_format_body(%arg0: i32, %arg1: i32, %arg2: memref<64x1000000xf32, #tpu.memory_space<hbm>>, %arg3: memref<500032x128xf32, #tpu.memory_space<hbm>>, %arg4: memref<64x128xf32, #tpu.memory_space<vmem>>, %arg5: memref<64x128xf32, #tpu.memory_space<vmem>>, %arg6: memref<8512xf32, #tpu.memory_space<vmem>>, %arg7: memref<8512xf32, #tpu.memory_space<vmem>>, %arg8: memref<64x128xf32, #tpu.memory_space<vmem>>, %arg9: memref<64x128xf32, #tpu.memory_space<vmem>>, %arg10: memref<!tpu.dma_semaphore, #tpu.memory_space<semaphore_mem>>, %arg11: memref<!tpu.dma_semaphore, #tpu.memory_space<semaphore_mem>>, %arg12: memref<!tpu.dma_semaphore, #tpu.memory_space<semaphore_mem>>, %arg13: memref<!tpu.dma_semaphore, #tpu.memory_space<semaphore_mem>>) attributes {dimension_semantics = [#tpu.dimension_semantics<core_parallel>, #tpu.dimension_semantics<subcore_parallel>], iteration_bounds = array<i64: 2, 16>, scalar_prefetch = 0 : i64, scratch_operands = 10 : i64, tpu.core_type = #tpu.core_type<sc_vector_subcore>, window_params = [{transform_indices = #map}, {transform_indices = #map}]} {
    %mul3A = arith.constant 2 : i32
    %mul3A_0 = arith.muli %arg1, %mul3A : i32
    %add3A = arith.addi %mul3A_0, %arg0 : i32
    %iota3A = tpu.iota {dimensions = array<i32: 0>} : vector<16xi32>
    %add3A_1 = arith.constant 0 : i32
    %add3A_2 = arith.addi %add3A, %add3A_1 : i32
    %mul3A_3 = arith.constant 128 : i32
    %mul3A_4 = arith.muli %add3A_2, %mul3A_3 : i32
    %dma_start3A = arith.constant 0 : i32
    %dma_start3A_5 = tpu.memref_slice %arg2[%dma_start3A, %mul3A_4] : memref<64x1000000xf32, #tpu.memory_space<hbm>> -> memref<64x128xf32, #tpu.memory_space<hbm>>
    %dma_start3A_6 = arith.constant 0 : i32
    %dma_start3A_7 = tpu.memref_slice %arg2[%dma_start3A_6, %mul3A_4] : memref<64x1000000xf32, #tpu.memory_space<hbm>> -> memref<64x128xf32, #tpu.memory_space<hbm>>
    tpu.enqueue_dma source(%dma_start3A_7 : memref<64x128xf32, #tpu.memory_space<hbm>>) target(%arg4 : memref<64x128xf32, #tpu.memory_space<vmem>>) target_semaphore(%arg10 : memref<!tpu.dma_semaphore, #tpu.memory_space<semaphore_mem>>)
    %add3A_8 = arith.constant 32 : i32
    %add3A_9 = arith.addi %add3A, %add3A_8 : i32
    %lt3A = arith.constant 7813 : i32
    %lt3A_10 = arith.cmpi slt, %add3A_9, %lt3A : i32
    %convert_element_type3A = arith.extui %lt3A_10 : i1 to i32
    %cond3A = arith.constant 0 : i32
    %cond3A_11 = arith.cmpi ne, %convert_element_type3A, %cond3A : i32
    scf.if %cond3A_11 {
      %add3A_30 = arith.constant 32 : i32
      %add3A_31 = arith.addi %add3A, %add3A_30 : i32
      %mul3A_32 = arith.constant 128 : i32
      %mul3A_33 = arith.muli %add3A_31, %mul3A_32 : i32
      %dma_start3A_34 = arith.constant 0 : i32
      %dma_start3A_35 = tpu.memref_slice %arg2[%dma_start3A_34, %mul3A_33] : memref<64x1000000xf32, #tpu.memory_space<hbm>> -> memref<64x128xf32, #tpu.memory_space<hbm>>
      %dma_start3A_36 = arith.constant 0 : i32
      %dma_start3A_37 = tpu.memref_slice %arg2[%dma_start3A_36, %mul3A_33] : memref<64x1000000xf32, #tpu.memory_space<hbm>> -> memref<64x128xf32, #tpu.memory_space<hbm>>
      tpu.enqueue_dma source(%dma_start3A_37 : memref<64x128xf32, #tpu.memory_space<hbm>>) target(%arg5 : memref<64x128xf32, #tpu.memory_space<vmem>>) target_semaphore(%arg11 : memref<!tpu.dma_semaphore, #tpu.memory_space<semaphore_mem>>)
    } else {
    }
    %scan3A = arith.constant 0 : i32
    %scan3A_12 = arith.constant 123 : i32
    %scan3A_13 = arith.addi %scan3A, %scan3A_12 : i32
    %scan3A_14 = arith.constant 1 : i32
    scf.for %scan3A_30 = %scan3A to %scan3A_13 step %scan3A_14  : i32 {
      %mul3A_31 = arith.constant 2 : i32
      %mul3A_32 = arith.muli %mul3A_31, %scan3A_30 : i32
      %add3A_33 = arith.constant 0 : i32
      %add3A_34 = arith.addi %mul3A_32, %add3A_33 : i32
      %mul3A_35 = arith.constant 32 : i32
      %mul3A_36 = arith.muli %mul3A_35, %add3A_34 : i32
      %add3A_37 = arith.addi %add3A, %mul3A_36 : i32
      %lt3A_38 = arith.constant 7813 : i32
      %lt3A_39 = arith.cmpi slt, %add3A_37, %lt3A_38 : i32
      %convert_element_type3A_40 = arith.extui %lt3A_39 : i1 to i32
      %cond3A_41 = arith.constant 0 : i32
      %cond3A_42 = arith.cmpi ne, %convert_element_type3A_40, %cond3A_41 : i32
      scf.if %cond3A_42 {
        %dma_wait3A = arith.constant 0 : i32
        %dma_wait3A_75 = arith.constant 0 : i32
        %dma_wait3A_76 = tpu.memref_slice %arg2[%dma_wait3A, %dma_wait3A_75] : memref<64x1000000xf32, #tpu.memory_space<hbm>> -> memref<64x128xf32, #tpu.memory_space<hbm>>
        %dma_wait3A_77 = arith.constant 0 : i32
        %dma_wait3A_78 = arith.constant 0 : i32
        %dma_wait3A_79 = tpu.memref_slice %arg2[%dma_wait3A_77, %dma_wait3A_78] : memref<64x1000000xf32, #tpu.memory_space<hbm>> -> memref<64x128xf32, #tpu.memory_space<hbm>>
        tpu.wait_dma2 semaphore(%arg10 : memref<!tpu.dma_semaphore, #tpu.memory_space<semaphore_mem>>) src(%dma_wait3A_79 : memref<64x128xf32, #tpu.memory_space<hbm>>) dst(%arg4 : memref<64x128xf32, #tpu.memory_space<vmem>>)
        %ge3A = arith.constant 2 : i32
        %ge3A_80 = arith.cmpi sge, %add3A_34, %ge3A : i32
        %convert_element_type3A_81 = arith.extui %ge3A_80 : i1 to i32
        %cond3A_82 = arith.constant 0 : i32
        %cond3A_83 = arith.cmpi ne, %convert_element_type3A_81, %cond3A_82 : i32
        scf.if %cond3A_83 {
          %dma_wait3A_98 = arith.constant 0 : i32
          %dma_wait3A_99 = arith.constant 0 : i32
          %dma_wait3A_100 = tpu.memref_slice %arg3[%dma_wait3A_98, %dma_wait3A_99] : memref<500032x128xf32, #tpu.memory_space<hbm>> -> memref<64x128xf32, #tpu.memory_space<hbm>>
          %dma_wait3A_101 = arith.constant 0 : i32
          %dma_wait3A_102 = arith.constant 0 : i32
          %dma_wait3A_103 = tpu.memref_slice %arg3[%dma_wait3A_101, %dma_wait3A_102] : memref<500032x128xf32, #tpu.memory_space<hbm>> -> memref<64x128xf32, #tpu.memory_space<hbm>>
          tpu.wait_dma2 semaphore(%arg12 : memref<!tpu.dma_semaphore, #tpu.memory_space<semaphore_mem>>) src(%arg8 : memref<64x128xf32, #tpu.memory_space<vmem>>) dst(%dma_wait3A_103 : memref<64x128xf32, #tpu.memory_space<hbm>>)
        } else {
        }
        %parallel_loop3A = arith.constant 0 : i32
        %parallel_loop3A_84 = arith.constant 64 : i32
        %parallel_loop3A_85 = arith.constant 1 : i32
        scf.for %parallel_loop3A_98 = %parallel_loop3A to %parallel_loop3A_84 step %parallel_loop3A_85  : i32 {
          %parallel_loop3A_99 = arith.index_cast %parallel_loop3A_98 : i32 to index
          %parallel_loop3A_100 = arith.constant 0 : index
          %parallel_loop3A_101 = tpu.vector_load %arg4[%parallel_loop3A_99, %parallel_loop3A_100] {strides = array<i32>} : memref<64x128xf32, #tpu.memory_space<vmem>>, vector<16xf32>,
          %parallel_loop3A_102 = arith.constant 133 : i32
          %parallel_loop3A_103 = arith.muli %parallel_loop3A_98, %parallel_loop3A_102 : i32
          %parallel_loop3A_104 = arith.constant 0 : i32
          %parallel_loop3A_105 = arith.addi %parallel_loop3A_103, %parallel_loop3A_104 : i32
          %parallel_loop3A_106 = arith.index_cast %parallel_loop3A_105 : i32 to index
          %parallel_loop3A_107 = tpu.vector_load %arg6[%parallel_loop3A_106] {strides = array<i32>} : memref<8512xf32, #tpu.memory_space<vmem>>, vector<16xf32>,
          tpu.vector_store %arg6[%parallel_loop3A_106], %parallel_loop3A_101 {strides = array<i32>} : memref<8512xf32, #tpu.memory_space<vmem>>, vector<16xf32>,
          %parallel_loop3A_108 = arith.index_cast %parallel_loop3A_98 : i32 to index
          %parallel_loop3A_109 = arith.constant 16 : index
          %parallel_loop3A_110 = tpu.vector_load %arg4[%parallel_loop3A_108, %parallel_loop3A_109] {strides = array<i32>} : memref<64x128xf32, #tpu.memory_space<vmem>>, vector<16xf32>,
          %parallel_loop3A_111 = arith.constant 133 : i32
          %parallel_loop3A_112 = arith.muli %parallel_loop3A_98, %parallel_loop3A_111 : i32
          %parallel_loop3A_113 = arith.constant 16 : i32
          %parallel_loop3A_114 = arith.addi %parallel_loop3A_112, %parallel_loop3A_113 : i32
          %parallel_loop3A_115 = arith.index_cast %parallel_loop3A_114 : i32 to index
          %parallel_loop3A_116 = tpu.vector_load %arg6[%parallel_loop3A_115] {strides = array<i32>} : memref<8512xf32, #tpu.memory_space<vmem>>, vector<16xf32>,
          tpu.vector_store %arg6[%parallel_loop3A_115], %parallel_loop3A_110 {strides = array<i32>} : memref<8512xf32, #tpu.memory_space<vmem>>, vector<16xf32>,
          %parallel_loop3A_117 = arith.index_cast %parallel_loop3A_98 : i32 to index
          %parallel_loop3A_118 = arith.constant 32 : index
          %parallel_loop3A_119 = tpu.vector_load %arg4[%parallel_loop3A_117, %parallel_loop3A_118] {strides = array<i32>} : memref<64x128xf32, #tpu.memory_space<vmem>>, vector<16xf32>,
          %parallel_loop3A_120 = arith.constant 133 : i32
          %parallel_loop3A_121 = arith.muli %parallel_loop3A_98, %parallel_loop3A_120 : i32
          %parallel_loop3A_122 = arith.constant 32 : i32
          %parallel_loop3A_123 = arith.addi %parallel_loop3A_121, %parallel_loop3A_122 : i32
          %parallel_loop3A_124 = arith.index_cast %parallel_loop3A_123 : i32 to index
          %parallel_loop3A_125 = tpu.vector_load %arg6[%parallel_loop3A_124] {strides = array<i32>} : memref<8512xf32, #tpu.memory_space<vmem>>, vector<16xf32>,
          tpu.vector_store %arg6[%parallel_loop3A_124], %parallel_loop3A_119 {strides = array<i32>} : memref<8512xf32, #tpu.memory_space<vmem>>, vector<16xf32>,
          %parallel_loop3A_126 = arith.index_cast %parallel_loop3A_98 : i32 to index
          %parallel_loop3A_127 = arith.constant 48 : index
          %parallel_loop3A_128 = tpu.vector_load %arg4[%parallel_loop3A_126, %parallel_loop3A_127] {strides = array<i32>} : memref<64x128xf32, #tpu.memory_space<vmem>>, vector<16xf32>,
          %parallel_loop3A_129 = arith.constant 133 : i32
          %parallel_loop3A_130 = arith.muli %parallel_loop3A_98, %parallel_loop3A_129 : i32
          %parallel_loop3A_131 = arith.constant 48 : i32
          %parallel_loop3A_132 = arith.addi %parallel_loop3A_130, %parallel_loop3A_131 : i32
          %parallel_loop3A_133 = arith.index_cast %parallel_loop3A_132 : i32 to index
          %parallel_loop3A_134 = tpu.vector_load %arg6[%parallel_loop3A_133] {strides = array<i32>} : memref<8512xf32, #tpu.memory_space<vmem>>, vector<16xf32>,
          tpu.vector_store %arg6[%parallel_loop3A_133], %parallel_loop3A_128 {strides = array<i32>} : memref<8512xf32, #tpu.memory_space<vmem>>, vector<16xf32>,
          %parallel_loop3A_135 = arith.index_cast %parallel_loop3A_98 : i32 to index
          %parallel_loop3A_136 = arith.constant 64 : index
          %parallel_loop3A_137 = tpu.vector_load %arg4[%parallel_loop3A_135, %parallel_loop3A_136] {strides = array<i32>} : memref<64x128xf32, #tpu.memory_space<vmem>>, vector<16xf32>,
          %parallel_loop3A_138 = arith.constant 133 : i32
          %parallel_loop3A_139 = arith.muli %parallel_loop3A_98, %parallel_loop3A_138 : i32
          %parallel_loop3A_140 = arith.constant 64 : i32
          %parallel_loop3A_141 = arith.addi %parallel_loop3A_139, %parallel_loop3A_140 : i32
          %parallel_loop3A_142 = arith.index_cast %parallel_loop3A_141 : i32 to index
          %parallel_loop3A_143 = tpu.vector_load %arg6[%parallel_loop3A_142] {strides = array<i32>} : memref<8512xf32, #tpu.memory_space<vmem>>, vector<16xf32>,
          tpu.vector_store %arg6[%parallel_loop3A_142], %parallel_loop3A_137 {strides = array<i32>} : memref<8512xf32, #tpu.memory_space<vmem>>, vector<16xf32>,
          %parallel_loop3A_144 = arith.index_cast %parallel_loop3A_98 : i32 to index
          %parallel_loop3A_145 = arith.constant 80 : index
          %parallel_loop3A_146 = tpu.vector_load %arg4[%parallel_loop3A_144, %parallel_loop3A_145] {strides = array<i32>} : memref<64x128xf32, #tpu.memory_space<vmem>>, vector<16xf32>,
          %parallel_loop3A_147 = arith.constant 133 : i32
          %parallel_loop3A_148 = arith.muli %parallel_loop3A_98, %parallel_loop3A_147 : i32
          %parallel_loop3A_149 = arith.constant 80 : i32
          %parallel_loop3A_150 = arith.addi %parallel_loop3A_148, %parallel_loop3A_149 : i32
          %parallel_loop3A_151 = arith.index_cast %parallel_loop3A_150 : i32 to index
          %parallel_loop3A_152 = tpu.vector_load %arg6[%parallel_loop3A_151] {strides = array<i32>} : memref<8512xf32, #tpu.memory_space<vmem>>, vector<16xf32>,
          tpu.vector_store %arg6[%parallel_loop3A_151], %parallel_loop3A_146 {strides = array<i32>} : memref<8512xf32, #tpu.memory_space<vmem>>, vector<16xf32>,
          %parallel_loop3A_153 = arith.index_cast %parallel_loop3A_98 : i32 to index
          %parallel_loop3A_154 = arith.constant 96 : index
          %parallel_loop3A_155 = tpu.vector_load %arg4[%parallel_loop3A_153, %parallel_loop3A_154] {strides = array<i32>} : memref<64x128xf32, #tpu.memory_space<vmem>>, vector<16xf32>,
          %parallel_loop3A_156 = arith.constant 133 : i32
          %parallel_loop3A_157 = arith.muli %parallel_loop3A_98, %parallel_loop3A_156 : i32
          %parallel_loop3A_158 = arith.constant 96 : i32
          %parallel_loop3A_159 = arith.addi %parallel_loop3A_157, %parallel_loop3A_158 : i32
          %parallel_loop3A_160 = arith.index_cast %parallel_loop3A_159 : i32 to index
          %parallel_loop3A_161 = tpu.vector_load %arg6[%parallel_loop3A_160] {strides = array<i32>} : memref<8512xf32, #tpu.memory_space<vmem>>, vector<16xf32>,
          tpu.vector_store %arg6[%parallel_loop3A_160], %parallel_loop3A_155 {strides = array<i32>} : memref<8512xf32, #tpu.memory_space<vmem>>, vector<16xf32>,
          %parallel_loop3A_162 = arith.index_cast %parallel_loop3A_98 : i32 to index
          %parallel_loop3A_163 = arith.constant 112 : index
          %parallel_loop3A_164 = tpu.vector_load %arg4[%parallel_loop3A_162, %parallel_loop3A_163] {strides = array<i32>} : memref<64x128xf32, #tpu.memory_space<vmem>>, vector<16xf32>,
          %parallel_loop3A_165 = arith.constant 133 : i32
          %parallel_loop3A_166 = arith.muli %parallel_loop3A_98, %parallel_loop3A_165 : i32
          %parallel_loop3A_167 = arith.constant 112 : i32
          %parallel_loop3A_168 = arith.addi %parallel_loop3A_166, %parallel_loop3A_167 : i32
          %parallel_loop3A_169 = arith.index_cast %parallel_loop3A_168 : i32 to index
          %parallel_loop3A_170 = tpu.vector_load %arg6[%parallel_loop3A_169] {strides = array<i32>} : memref<8512xf32, #tpu.memory_space<vmem>>, vector<16xf32>,
          tpu.vector_store %arg6[%parallel_loop3A_169], %parallel_loop3A_164 {strides = array<i32>} : memref<8512xf32, #tpu.memory_space<vmem>>, vector<16xf32>,
        } {sc.loop_unroll_factor = 8 : i64, sc.parallel_access}
        %parallel_loop3A_86 = arith.constant 0 : i32
        %parallel_loop3A_87 = arith.constant 128 : i32
        %parallel_loop3A_88 = arith.constant 1 : i32
        scf.for %parallel_loop3A_98 = %parallel_loop3A_86 to %parallel_loop3A_87 step %parallel_loop3A_88  : i32 {
          %parallel_loop3A_99 = arith.constant 0 : i32
          %parallel_loop3A_100 = vector.broadcast %parallel_loop3A_99 : i32 to vector<16xi32>
          %parallel_loop3A_101 = arith.addi %iota3A, %parallel_loop3A_100 : vector<16xi32>
          %parallel_loop3A_102 = arith.constant 133 : i32
          %parallel_loop3A_103 = vector.broadcast %parallel_loop3A_102 : i32 to vector<16xi32>
          %parallel_loop3A_104 = arith.muli %parallel_loop3A_101, %parallel_loop3A_103 : vector<16xi32>
          %parallel_loop3A_105 = vector.broadcast %parallel_loop3A_98 : i32 to vector<16xi32>
          %parallel_loop3A_106 = arith.addi %parallel_loop3A_104, %parallel_loop3A_105 : vector<16xi32>
          %parallel_loop3A_107 = tpu.vector_load_idx %arg6[%parallel_loop3A_106] : memref<8512xf32, #tpu.memory_space<vmem>>[vector<16xi32>], vector<16xf32>,
          %parallel_loop3A_108 = arith.constant 1 : i32
          %parallel_loop3A_109 = arith.shrui %parallel_loop3A_98, %parallel_loop3A_108 : i32
          %parallel_loop3A_110 = arith.constant 1 : i32
          %parallel_loop3A_111 = arith.andi %parallel_loop3A_98, %parallel_loop3A_110 : i32
          %parallel_loop3A_112 = arith.constant 64 : i32
          %parallel_loop3A_113 = arith.muli %parallel_loop3A_111, %parallel_loop3A_112 : i32
          %parallel_loop3A_114 = arith.constant 0 : i32
          %parallel_loop3A_115 = arith.addi %parallel_loop3A_113, %parallel_loop3A_114 : i32
          %parallel_loop3A_116 = arith.index_cast %parallel_loop3A_109 : i32 to index
          %parallel_loop3A_117 = arith.index_cast %parallel_loop3A_115 : i32 to index
          %parallel_loop3A_118 = tpu.vector_load %arg8[%parallel_loop3A_116, %parallel_loop3A_117] {strides = array<i32>} : memref<64x128xf32, #tpu.memory_space<vmem>>, vector<16xf32>,
          tpu.vector_store %arg8[%parallel_loop3A_116, %parallel_loop3A_117], %parallel_loop3A_107 {strides = array<i32>} : memref<64x128xf32, #tpu.memory_space<vmem>>, vector<16xf32>,
          %parallel_loop3A_119 = arith.constant 16 : i32
          %parallel_loop3A_120 = vector.broadcast %parallel_loop3A_119 : i32 to vector<16xi32>
          %parallel_loop3A_121 = arith.addi %iota3A, %parallel_loop3A_120 : vector<16xi32>
          %parallel_loop3A_122 = arith.constant 133 : i32
          %parallel_loop3A_123 = vector.broadcast %parallel_loop3A_122 : i32 to vector<16xi32>
          %parallel_loop3A_124 = arith.muli %parallel_loop3A_121, %parallel_loop3A_123 : vector<16xi32>
          %parallel_loop3A_125 = vector.broadcast %parallel_loop3A_98 : i32 to vector<16xi32>
          %parallel_loop3A_126 = arith.addi %parallel_loop3A_124, %parallel_loop3A_125 : vector<16xi32>
          %parallel_loop3A_127 = tpu.vector_load_idx %arg6[%parallel_loop3A_126] : memref<8512xf32, #tpu.memory_space<vmem>>[vector<16xi32>], vector<16xf32>,
          %parallel_loop3A_128 = arith.constant 1 : i32
          %parallel_loop3A_129 = arith.shrui %parallel_loop3A_98, %parallel_loop3A_128 : i32
          %parallel_loop3A_130 = arith.constant 1 : i32
          %parallel_loop3A_131 = arith.andi %parallel_loop3A_98, %parallel_loop3A_130 : i32
          %parallel_loop3A_132 = arith.constant 64 : i32
          %parallel_loop3A_133 = arith.muli %parallel_loop3A_131, %parallel_loop3A_132 : i32
          %parallel_loop3A_134 = arith.constant 16 : i32
          %parallel_loop3A_135 = arith.addi %parallel_loop3A_133, %parallel_loop3A_134 : i32
          %parallel_loop3A_136 = arith.index_cast %parallel_loop3A_129 : i32 to index
          %parallel_loop3A_137 = arith.index_cast %parallel_loop3A_135 : i32 to index
          %parallel_loop3A_138 = tpu.vector_load %arg8[%parallel_loop3A_136, %parallel_loop3A_137] {strides = array<i32>} : memref<64x128xf32, #tpu.memory_space<vmem>>, vector<16xf32>,
          tpu.vector_store %arg8[%parallel_loop3A_136, %parallel_loop3A_137], %parallel_loop3A_127 {strides = array<i32>} : memref<64x128xf32, #tpu.memory_space<vmem>>, vector<16xf32>,
          %parallel_loop3A_139 = arith.constant 32 : i32
          %parallel_loop3A_140 = vector.broadcast %parallel_loop3A_139 : i32 to vector<16xi32>
          %parallel_loop3A_141 = arith.addi %iota3A, %parallel_loop3A_140 : vector<16xi32>
          %parallel_loop3A_142 = arith.constant 133 : i32
          %parallel_loop3A_143 = vector.broadcast %parallel_loop3A_142 : i32 to vector<16xi32>
          %parallel_loop3A_144 = arith.muli %parallel_loop3A_141, %parallel_loop3A_143 : vector<16xi32>
          %parallel_loop3A_145 = vector.broadcast %parallel_loop3A_98 : i32 to vector<16xi32>
          %parallel_loop3A_146 = arith.addi %parallel_loop3A_144, %parallel_loop3A_145 : vector<16xi32>
          %parallel_loop3A_147 = tpu.vector_load_idx %arg6[%parallel_loop3A_146] : memref<8512xf32, #tpu.memory_space<vmem>>[vector<16xi32>], vector<16xf32>,
          %parallel_loop3A_148 = arith.constant 1 : i32
          %parallel_loop3A_149 = arith.shrui %parallel_loop3A_98, %parallel_loop3A_148 : i32
          %parallel_loop3A_150 = arith.constant 1 : i32
          %parallel_loop3A_151 = arith.andi %parallel_loop3A_98, %parallel_loop3A_150 : i32
          %parallel_loop3A_152 = arith.constant 64 : i32
          %parallel_loop3A_153 = arith.muli %parallel_loop3A_151, %parallel_loop3A_152 : i32
          %parallel_loop3A_154 = arith.constant 32 : i32
          %parallel_loop3A_155 = arith.addi %parallel_loop3A_153, %parallel_loop3A_154 : i32
          %parallel_loop3A_156 = arith.index_cast %parallel_loop3A_149 : i32 to index
          %parallel_loop3A_157 = arith.index_cast %parallel_loop3A_155 : i32 to index
          %parallel_loop3A_158 = tpu.vector_load %arg8[%parallel_loop3A_156, %parallel_loop3A_157] {strides = array<i32>} : memref<64x128xf32, #tpu.memory_space<vmem>>, vector<16xf32>,
          tpu.vector_store %arg8[%parallel_loop3A_156, %parallel_loop3A_157], %parallel_loop3A_147 {strides = array<i32>} : memref<64x128xf32, #tpu.memory_space<vmem>>, vector<16xf32>,
          %parallel_loop3A_159 = arith.constant 48 : i32
          %parallel_loop3A_160 = vector.broadcast %parallel_loop3A_159 : i32 to vector<16xi32>
          %parallel_loop3A_161 = arith.addi %iota3A, %parallel_loop3A_160 : vector<16xi32>
          %parallel_loop3A_162 = arith.constant 133 : i32
          %parallel_loop3A_163 = vector.broadcast %parallel_loop3A_162 : i32 to vector<16xi32>
          %parallel_loop3A_164 = arith.muli %parallel_loop3A_161, %parallel_loop3A_163 : vector<16xi32>
          %parallel_loop3A_165 = vector.broadcast %parallel_loop3A_98 : i32 to vector<16xi32>
          %parallel_loop3A_166 = arith.addi %parallel_loop3A_164, %parallel_loop3A_165 : vector<16xi32>
          %parallel_loop3A_167 = tpu.vector_load_idx %arg6[%parallel_loop3A_166] : memref<8512xf32, #tpu.memory_space<vmem>>[vector<16xi32>], vector<16xf32>,
          %parallel_loop3A_168 = arith.constant 1 : i32
          %parallel_loop3A_169 = arith.shrui %parallel_loop3A_98, %parallel_loop3A_168 : i32
          %parallel_loop3A_170 = arith.constant 1 : i32
          %parallel_loop3A_171 = arith.andi %parallel_loop3A_98, %parallel_loop3A_170 : i32
          %parallel_loop3A_172 = arith.constant 64 : i32
          %parallel_loop3A_173 = arith.muli %parallel_loop3A_171, %parallel_loop3A_172 : i32
          %parallel_loop3A_174 = arith.constant 48 : i32
          %parallel_loop3A_175 = arith.addi %parallel_loop3A_173, %parallel_loop3A_174 : i32
          %parallel_loop3A_176 = arith.index_cast %parallel_loop3A_169 : i32 to index
          %parallel_loop3A_177 = arith.index_cast %parallel_loop3A_175 : i32 to index
          %parallel_loop3A_178 = tpu.vector_load %arg8[%parallel_loop3A_176, %parallel_loop3A_177] {strides = array<i32>} : memref<64x128xf32, #tpu.memory_space<vmem>>, vector<16xf32>,
          tpu.vector_store %arg8[%parallel_loop3A_176, %parallel_loop3A_177], %parallel_loop3A_167 {strides = array<i32>} : memref<64x128xf32, #tpu.memory_space<vmem>>, vector<16xf32>,
        } {sc.loop_unroll_factor = 8 : i64, sc.parallel_access}
        %mul3A_89 = arith.constant 32 : i32
        %mul3A_90 = arith.muli %mul3A_89, %add3A_34 : i32
        %add3A_91 = arith.addi %add3A, %mul3A_90 : i32
        %mul3A_92 = arith.constant 64 : i32
        %mul3A_93 = arith.muli %add3A_91, %mul3A_92 : i32
        %dma_start3A_94 = arith.constant 0 : i32
        %dma_start3A_95 = tpu.memref_slice %arg3[%mul3A_93, %dma_start3A_94] : memref<500032x128xf32, #tpu.memory_space<hbm>> -> memref<64x128xf32, #tpu.memory_space<hbm>>
        %dma_start3A_96 = arith.constant 0 : i32
        %dma_start3A_97 = tpu.memref_slice %arg3[%mul3A_93, %dma_start3A_96] : memref<500032x128xf32, #tpu.memory_space<hbm>> -> memref<64x128xf32, #tpu.memory_space<hbm>>
        tpu.enqueue_dma source(%arg8 : memref<64x128xf32, #tpu.memory_space<vmem>>) target(%dma_start3A_97 : memref<64x128xf32, #tpu.memory_space<hbm>>) target_semaphore(%arg12 : memref<!tpu.dma_semaphore, #tpu.memory_space<semaphore_mem>>)
      } else {
      }
      %add3A_43 = arith.constant 2 : i32
      %add3A_44 = arith.addi %add3A_34, %add3A_43 : i32
      %mul3A_45 = arith.constant 32 : i32
      %mul3A_46 = arith.muli %mul3A_45, %add3A_44 : i32
      %add3A_47 = arith.addi %add3A, %mul3A_46 : i32
      %lt3A_48 = arith.constant 7813 : i32
      %lt3A_49 = arith.cmpi slt, %add3A_47, %lt3A_48 : i32
      %convert_element_type3A_50 = arith.extui %lt3A_49 : i1 to i32
      %cond3A_51 = arith.constant 0 : i32
      %cond3A_52 = arith.cmpi ne, %convert_element_type3A_50, %cond3A_51 : i32
      scf.if %cond3A_52 {
        %add3A_75 = arith.constant 2 : i32
        %add3A_76 = arith.addi %add3A_34, %add3A_75 : i32
        %mul3A_77 = arith.constant 32 : i32
        %mul3A_78 = arith.muli %mul3A_77, %add3A_76 : i32
        %add3A_79 = arith.addi %add3A, %mul3A_78 : i32
        %mul3A_80 = arith.constant 128 : i32
        %mul3A_81 = arith.muli %add3A_79, %mul3A_80 : i32
        %dma_start3A_82 = arith.constant 0 : i32
        %dma_start3A_83 = tpu.memref_slice %arg2[%dma_start3A_82, %mul3A_81] : memref<64x1000000xf32, #tpu.memory_space<hbm>> -> memref<64x128xf32, #tpu.memory_space<hbm>>
        %dma_start3A_84 = arith.constant 0 : i32
        %dma_start3A_85 = tpu.memref_slice %arg2[%dma_start3A_84, %mul3A_81] : memref<64x1000000xf32, #tpu.memory_space<hbm>> -> memref<64x128xf32, #tpu.memory_space<hbm>>
        tpu.enqueue_dma source(%dma_start3A_85 : memref<64x128xf32, #tpu.memory_space<hbm>>) target(%arg4 : memref<64x128xf32, #tpu.memory_space<vmem>>) target_semaphore(%arg10 : memref<!tpu.dma_semaphore, #tpu.memory_space<semaphore_mem>>)
      } else {
      }
      %mul3A_53 = arith.constant 2 : i32
      %mul3A_54 = arith.muli %mul3A_53, %scan3A_30 : i32
      %add3A_55 = arith.constant 1 : i32
      %add3A_56 = arith.addi %mul3A_54, %add3A_55 : i32
      %mul3A_57 = arith.constant 32 : i32
      %mul3A_58 = arith.muli %mul3A_57, %add3A_56 : i32
      %add3A_59 = arith.addi %add3A, %mul3A_58 : i32
      %lt3A_60 = arith.constant 7813 : i32
      %lt3A_61 = arith.cmpi slt, %add3A_59, %lt3A_60 : i32
      %convert_element_type3A_62 = arith.extui %lt3A_61 : i1 to i32
      %cond3A_63 = arith.constant 0 : i32
      %cond3A_64 = arith.cmpi ne, %convert_element_type3A_62, %cond3A_63 : i32
      scf.if %cond3A_64 {
        %dma_wait3A = arith.constant 0 : i32
        %dma_wait3A_75 = arith.constant 0 : i32
        %dma_wait3A_76 = tpu.memref_slice %arg2[%dma_wait3A, %dma_wait3A_75] : memref<64x1000000xf32, #tpu.memory_space<hbm>> -> memref<64x128xf32, #tpu.memory_space<hbm>>
        %dma_wait3A_77 = arith.constant 0 : i32
        %dma_wait3A_78 = arith.constant 0 : i32
        %dma_wait3A_79 = tpu.memref_slice %arg2[%dma_wait3A_77, %dma_wait3A_78] : memref<64x1000000xf32, #tpu.memory_space<hbm>> -> memref<64x128xf32, #tpu.memory_space<hbm>>
        tpu.wait_dma2 semaphore(%arg11 : memref<!tpu.dma_semaphore, #tpu.memory_space<semaphore_mem>>) src(%dma_wait3A_79 : memref<64x128xf32, #tpu.memory_space<hbm>>) dst(%arg5 : memref<64x128xf32, #tpu.memory_space<vmem>>)
        %ge3A = arith.constant 2 : i32
        %ge3A_80 = arith.cmpi sge, %add3A_56, %ge3A : i32
        %convert_element_type3A_81 = arith.extui %ge3A_80 : i1 to i32
        %cond3A_82 = arith.constant 0 : i32
        %cond3A_83 = arith.cmpi ne, %convert_element_type3A_81, %cond3A_82 : i32
        scf.if %cond3A_83 {
          %dma_wait3A_98 = arith.constant 0 : i32
          %dma_wait3A_99 = arith.constant 0 : i32
          %dma_wait3A_100 = tpu.memref_slice %arg3[%dma_wait3A_98, %dma_wait3A_99] : memref<500032x128xf32, #tpu.memory_space<hbm>> -> memref<64x128xf32, #tpu.memory_space<hbm>>
          %dma_wait3A_101 = arith.constant 0 : i32
          %dma_wait3A_102 = arith.constant 0 : i32
          %dma_wait3A_103 = tpu.memref_slice %arg3[%dma_wait3A_101, %dma_wait3A_102] : memref<500032x128xf32, #tpu.memory_space<hbm>> -> memref<64x128xf32, #tpu.memory_space<hbm>>
          tpu.wait_dma2 semaphore(%arg13 : memref<!tpu.dma_semaphore, #tpu.memory_space<semaphore_mem>>) src(%arg9 : memref<64x128xf32, #tpu.memory_space<vmem>>) dst(%dma_wait3A_103 : memref<64x128xf32, #tpu.memory_space<hbm>>)
        } else {
        }
        %parallel_loop3A = arith.constant 0 : i32
        %parallel_loop3A_84 = arith.constant 64 : i32
        %parallel_loop3A_85 = arith.constant 1 : i32
        scf.for %parallel_loop3A_98 = %parallel_loop3A to %parallel_loop3A_84 step %parallel_loop3A_85  : i32 {
          %parallel_loop3A_99 = arith.index_cast %parallel_loop3A_98 : i32 to index
          %parallel_loop3A_100 = arith.constant 0 : index
          %parallel_loop3A_101 = tpu.vector_load %arg5[%parallel_loop3A_99, %parallel_loop3A_100] {strides = array<i32>} : memref<64x128xf32, #tpu.memory_space<vmem>>, vector<16xf32>,
          %parallel_loop3A_102 = arith.constant 133 : i32
          %parallel_loop3A_103 = arith.muli %parallel_loop3A_98, %parallel_loop3A_102 : i32
          %parallel_loop3A_104 = arith.constant 0 : i32
          %parallel_loop3A_105 = arith.addi %parallel_loop3A_103, %parallel_loop3A_104 : i32
          %parallel_loop3A_106 = arith.index_cast %parallel_loop3A_105 : i32 to index
          %parallel_loop3A_107 = tpu.vector_load %arg7[%parallel_loop3A_106] {strides = array<i32>} : memref<8512xf32, #tpu.memory_space<vmem>>, vector<16xf32>,
          tpu.vector_store %arg7[%parallel_loop3A_106], %parallel_loop3A_101 {strides = array<i32>} : memref<8512xf32, #tpu.memory_space<vmem>>, vector<16xf32>,
          %parallel_loop3A_108 = arith.index_cast %parallel_loop3A_98 : i32 to index
          %parallel_loop3A_109 = arith.constant 16 : index
          %parallel_loop3A_110 = tpu.vector_load %arg5[%parallel_loop3A_108, %parallel_loop3A_109] {strides = array<i32>} : memref<64x128xf32, #tpu.memory_space<vmem>>, vector<16xf32>,
          %parallel_loop3A_111 = arith.constant 133 : i32
          %parallel_loop3A_112 = arith.muli %parallel_loop3A_98, %parallel_loop3A_111 : i32
          %parallel_loop3A_113 = arith.constant 16 : i32
          %parallel_loop3A_114 = arith.addi %parallel_loop3A_112, %parallel_loop3A_113 : i32
          %parallel_loop3A_115 = arith.index_cast %parallel_loop3A_114 : i32 to index
          %parallel_loop3A_116 = tpu.vector_load %arg7[%parallel_loop3A_115] {strides = array<i32>} : memref<8512xf32, #tpu.memory_space<vmem>>, vector<16xf32>,
          tpu.vector_store %arg7[%parallel_loop3A_115], %parallel_loop3A_110 {strides = array<i32>} : memref<8512xf32, #tpu.memory_space<vmem>>, vector<16xf32>,
          %parallel_loop3A_117 = arith.index_cast %parallel_loop3A_98 : i32 to index
          %parallel_loop3A_118 = arith.constant 32 : index
          %parallel_loop3A_119 = tpu.vector_load %arg5[%parallel_loop3A_117, %parallel_loop3A_118] {strides = array<i32>} : memref<64x128xf32, #tpu.memory_space<vmem>>, vector<16xf32>,
          %parallel_loop3A_120 = arith.constant 133 : i32
          %parallel_loop3A_121 = arith.muli %parallel_loop3A_98, %parallel_loop3A_120 : i32
          %parallel_loop3A_122 = arith.constant 32 : i32
          %parallel_loop3A_123 = arith.addi %parallel_loop3A_121, %parallel_loop3A_122 : i32
          %parallel_loop3A_124 = arith.index_cast %parallel_loop3A_123 : i32 to index
          %parallel_loop3A_125 = tpu.vector_load %arg7[%parallel_loop3A_124] {strides = array<i32>} : memref<8512xf32, #tpu.memory_space<vmem>>, vector<16xf32>,
          tpu.vector_store %arg7[%parallel_loop3A_124], %parallel_loop3A_119 {strides = array<i32>} : memref<8512xf32, #tpu.memory_space<vmem>>, vector<16xf32>,
          %parallel_loop3A_126 = arith.index_cast %parallel_loop3A_98 : i32 to index
          %parallel_loop3A_127 = arith.constant 48 : index
          %parallel_loop3A_128 = tpu.vector_load %arg5[%parallel_loop3A_126, %parallel_loop3A_127] {strides = array<i32>} : memref<64x128xf32, #tpu.memory_space<vmem>>, vector<16xf32>,
          %parallel_loop3A_129 = arith.constant 133 : i32
          %parallel_loop3A_130 = arith.muli %parallel_loop3A_98, %parallel_loop3A_129 : i32
          %parallel_loop3A_131 = arith.constant 48 : i32
          %parallel_loop3A_132 = arith.addi %parallel_loop3A_130, %parallel_loop3A_131 : i32
          %parallel_loop3A_133 = arith.index_cast %parallel_loop3A_132 : i32 to index
          %parallel_loop3A_134 = tpu.vector_load %arg7[%parallel_loop3A_133] {strides = array<i32>} : memref<8512xf32, #tpu.memory_space<vmem>>, vector<16xf32>,
          tpu.vector_store %arg7[%parallel_loop3A_133], %parallel_loop3A_128 {strides = array<i32>} : memref<8512xf32, #tpu.memory_space<vmem>>, vector<16xf32>,
          %parallel_loop3A_135 = arith.index_cast %parallel_loop3A_98 : i32 to index
          %parallel_loop3A_136 = arith.constant 64 : index
          %parallel_loop3A_137 = tpu.vector_load %arg5[%parallel_loop3A_135, %parallel_loop3A_136] {strides = array<i32>} : memref<64x128xf32, #tpu.memory_space<vmem>>, vector<16xf32>,
          %parallel_loop3A_138 = arith.constant 133 : i32
          %parallel_loop3A_139 = arith.muli %parallel_loop3A_98, %parallel_loop3A_138 : i32
          %parallel_loop3A_140 = arith.constant 64 : i32
          %parallel_loop3A_141 = arith.addi %parallel_loop3A_139, %parallel_loop3A_140 : i32
          %parallel_loop3A_142 = arith.index_cast %parallel_loop3A_141 : i32 to index
          %parallel_loop3A_143 = tpu.vector_load %arg7[%parallel_loop3A_142] {strides = array<i32>} : memref<8512xf32, #tpu.memory_space<vmem>>, vector<16xf32>,
          tpu.vector_store %arg7[%parallel_loop3A_142], %parallel_loop3A_137 {strides = array<i32>} : memref<8512xf32, #tpu.memory_space<vmem>>, vector<16xf32>,
          %parallel_loop3A_144 = arith.index_cast %parallel_loop3A_98 : i32 to index
          %parallel_loop3A_145 = arith.constant 80 : index
          %parallel_loop3A_146 = tpu.vector_load %arg5[%parallel_loop3A_144, %parallel_loop3A_145] {strides = array<i32>} : memref<64x128xf32, #tpu.memory_space<vmem>>, vector<16xf32>,
          %parallel_loop3A_147 = arith.constant 133 : i32
          %parallel_loop3A_148 = arith.muli %parallel_loop3A_98, %parallel_loop3A_147 : i32
          %parallel_loop3A_149 = arith.constant 80 : i32
          %parallel_loop3A_150 = arith.addi %parallel_loop3A_148, %parallel_loop3A_149 : i32
          %parallel_loop3A_151 = arith.index_cast %parallel_loop3A_150 : i32 to index
          %parallel_loop3A_152 = tpu.vector_load %arg7[%parallel_loop3A_151] {strides = array<i32>} : memref<8512xf32, #tpu.memory_space<vmem>>, vector<16xf32>,
          tpu.vector_store %arg7[%parallel_loop3A_151], %parallel_loop3A_146 {strides = array<i32>} : memref<8512xf32, #tpu.memory_space<vmem>>, vector<16xf32>,
          %parallel_loop3A_153 = arith.index_cast %parallel_loop3A_98 : i32 to index
          %parallel_loop3A_154 = arith.constant 96 : index
          %parallel_loop3A_155 = tpu.vector_load %arg5[%parallel_loop3A_153, %parallel_loop3A_154] {strides = array<i32>} : memref<64x128xf32, #tpu.memory_space<vmem>>, vector<16xf32>,
          %parallel_loop3A_156 = arith.constant 133 : i32
          %parallel_loop3A_157 = arith.muli %parallel_loop3A_98, %parallel_loop3A_156 : i32
          %parallel_loop3A_158 = arith.constant 96 : i32
          %parallel_loop3A_159 = arith.addi %parallel_loop3A_157, %parallel_loop3A_158 : i32
          %parallel_loop3A_160 = arith.index_cast %parallel_loop3A_159 : i32 to index
          %parallel_loop3A_161 = tpu.vector_load %arg7[%parallel_loop3A_160] {strides = array<i32>} : memref<8512xf32, #tpu.memory_space<vmem>>, vector<16xf32>,
          tpu.vector_store %arg7[%parallel_loop3A_160], %parallel_loop3A_155 {strides = array<i32>} : memref<8512xf32, #tpu.memory_space<vmem>>, vector<16xf32>,
          %parallel_loop3A_162 = arith.index_cast %parallel_loop3A_98 : i32 to index
          %parallel_loop3A_163 = arith.constant 112 : index
          %parallel_loop3A_164 = tpu.vector_load %arg5[%parallel_loop3A_162, %parallel_loop3A_163] {strides = array<i32>} : memref<64x128xf32, #tpu.memory_space<vmem>>, vector<16xf32>,
          %parallel_loop3A_165 = arith.constant 133 : i32
          %parallel_loop3A_166 = arith.muli %parallel_loop3A_98, %parallel_loop3A_165 : i32
          %parallel_loop3A_167 = arith.constant 112 : i32
          %parallel_loop3A_168 = arith.addi %parallel_loop3A_166, %parallel_loop3A_167 : i32
          %parallel_loop3A_169 = arith.index_cast %parallel_loop3A_168 : i32 to index
          %parallel_loop3A_170 = tpu.vector_load %arg7[%parallel_loop3A_169] {strides = array<i32>} : memref<8512xf32, #tpu.memory_space<vmem>>, vector<16xf32>,
          tpu.vector_store %arg7[%parallel_loop3A_169], %parallel_loop3A_164 {strides = array<i32>} : memref<8512xf32, #tpu.memory_space<vmem>>, vector<16xf32>,
        } {sc.loop_unroll_factor = 8 : i64, sc.parallel_access}
        %parallel_loop3A_86 = arith.constant 0 : i32
        %parallel_loop3A_87 = arith.constant 128 : i32
        %parallel_loop3A_88 = arith.constant 1 : i32
        scf.for %parallel_loop3A_98 = %parallel_loop3A_86 to %parallel_loop3A_87 step %parallel_loop3A_88  : i32 {
          %parallel_loop3A_99 = arith.constant 0 : i32
          %parallel_loop3A_100 = vector.broadcast %parallel_loop3A_99 : i32 to vector<16xi32>
          %parallel_loop3A_101 = arith.addi %iota3A, %parallel_loop3A_100 : vector<16xi32>
          %parallel_loop3A_102 = arith.constant 133 : i32
          %parallel_loop3A_103 = vector.broadcast %parallel_loop3A_102 : i32 to vector<16xi32>
          %parallel_loop3A_104 = arith.muli %parallel_loop3A_101, %parallel_loop3A_103 : vector<16xi32>
          %parallel_loop3A_105 = vector.broadcast %parallel_loop3A_98 : i32 to vector<16xi32>
          %parallel_loop3A_106 = arith.addi %parallel_loop3A_104, %parallel_loop3A_105 : vector<16xi32>
          %parallel_loop3A_107 = tpu.vector_load_idx %arg7[%parallel_loop3A_106] : memref<8512xf32, #tpu.memory_space<vmem>>[vector<16xi32>], vector<16xf32>,
          %parallel_loop3A_108 = arith.constant 1 : i32
          %parallel_loop3A_109 = arith.shrui %parallel_loop3A_98, %parallel_loop3A_108 : i32
          %parallel_loop3A_110 = arith.constant 1 : i32
          %parallel_loop3A_111 = arith.andi %parallel_loop3A_98, %parallel_loop3A_110 : i32
          %parallel_loop3A_112 = arith.constant 64 : i32
          %parallel_loop3A_113 = arith.muli %parallel_loop3A_111, %parallel_loop3A_112 : i32
          %parallel_loop3A_114 = arith.constant 0 : i32
          %parallel_loop3A_115 = arith.addi %parallel_loop3A_113, %parallel_loop3A_114 : i32
          %parallel_loop3A_116 = arith.index_cast %parallel_loop3A_109 : i32 to index
          %parallel_loop3A_117 = arith.index_cast %parallel_loop3A_115 : i32 to index
          %parallel_loop3A_118 = tpu.vector_load %arg9[%parallel_loop3A_116, %parallel_loop3A_117] {strides = array<i32>} : memref<64x128xf32, #tpu.memory_space<vmem>>, vector<16xf32>,
          tpu.vector_store %arg9[%parallel_loop3A_116, %parallel_loop3A_117], %parallel_loop3A_107 {strides = array<i32>} : memref<64x128xf32, #tpu.memory_space<vmem>>, vector<16xf32>,
          %parallel_loop3A_119 = arith.constant 16 : i32
          %parallel_loop3A_120 = vector.broadcast %parallel_loop3A_119 : i32 to vector<16xi32>
          %parallel_loop3A_121 = arith.addi %iota3A, %parallel_loop3A_120 : vector<16xi32>
          %parallel_loop3A_122 = arith.constant 133 : i32
          %parallel_loop3A_123 = vector.broadcast %parallel_loop3A_122 : i32 to vector<16xi32>
          %parallel_loop3A_124 = arith.muli %parallel_loop3A_121, %parallel_loop3A_123 : vector<16xi32>
          %parallel_loop3A_125 = vector.broadcast %parallel_loop3A_98 : i32 to vector<16xi32>
          %parallel_loop3A_126 = arith.addi %parallel_loop3A_124, %parallel_loop3A_125 : vector<16xi32>
          %parallel_loop3A_127 = tpu.vector_load_idx %arg7[%parallel_loop3A_126] : memref<8512xf32, #tpu.memory_space<vmem>>[vector<16xi32>], vector<16xf32>,
          %parallel_loop3A_128 = arith.constant 1 : i32
          %parallel_loop3A_129 = arith.shrui %parallel_loop3A_98, %parallel_loop3A_128 : i32
          %parallel_loop3A_130 = arith.constant 1 : i32
          %parallel_loop3A_131 = arith.andi %parallel_loop3A_98, %parallel_loop3A_130 : i32
          %parallel_loop3A_132 = arith.constant 64 : i32
          %parallel_loop3A_133 = arith.muli %parallel_loop3A_131, %parallel_loop3A_132 : i32
          %parallel_loop3A_134 = arith.constant 16 : i32
          %parallel_loop3A_135 = arith.addi %parallel_loop3A_133, %parallel_loop3A_134 : i32
          %parallel_loop3A_136 = arith.index_cast %parallel_loop3A_129 : i32 to index
          %parallel_loop3A_137 = arith.index_cast %parallel_loop3A_135 : i32 to index
          %parallel_loop3A_138 = tpu.vector_load %arg9[%parallel_loop3A_136, %parallel_loop3A_137] {strides = array<i32>} : memref<64x128xf32, #tpu.memory_space<vmem>>, vector<16xf32>,
          tpu.vector_store %arg9[%parallel_loop3A_136, %parallel_loop3A_137], %parallel_loop3A_127 {strides = array<i32>} : memref<64x128xf32, #tpu.memory_space<vmem>>, vector<16xf32>,
          %parallel_loop3A_139 = arith.constant 32 : i32
          %parallel_loop3A_140 = vector.broadcast %parallel_loop3A_139 : i32 to vector<16xi32>
          %parallel_loop3A_141 = arith.addi %iota3A, %parallel_loop3A_140 : vector<16xi32>
          %parallel_loop3A_142 = arith.constant 133 : i32
          %parallel_loop3A_143 = vector.broadcast %parallel_loop3A_142 : i32 to vector<16xi32>
          %parallel_loop3A_144 = arith.muli %parallel_loop3A_141, %parallel_loop3A_143 : vector<16xi32>
          %parallel_loop3A_145 = vector.broadcast %parallel_loop3A_98 : i32 to vector<16xi32>
          %parallel_loop3A_146 = arith.addi %parallel_loop3A_144, %parallel_loop3A_145 : vector<16xi32>
          %parallel_loop3A_147 = tpu.vector_load_idx %arg7[%parallel_loop3A_146] : memref<8512xf32, #tpu.memory_space<vmem>>[vector<16xi32>], vector<16xf32>,
          %parallel_loop3A_148 = arith.constant 1 : i32
          %parallel_loop3A_149 = arith.shrui %parallel_loop3A_98, %parallel_loop3A_148 : i32
          %parallel_loop3A_150 = arith.constant 1 : i32
          %parallel_loop3A_151 = arith.andi %parallel_loop3A_98, %parallel_loop3A_150 : i32
          %parallel_loop3A_152 = arith.constant 64 : i32
          %parallel_loop3A_153 = arith.muli %parallel_loop3A_151, %parallel_loop3A_152 : i32
          %parallel_loop3A_154 = arith.constant 32 : i32
          %parallel_loop3A_155 = arith.addi %parallel_loop3A_153, %parallel_loop3A_154 : i32
          %parallel_loop3A_156 = arith.index_cast %parallel_loop3A_149 : i32 to index
          %parallel_loop3A_157 = arith.index_cast %parallel_loop3A_155 : i32 to index
          %parallel_loop3A_158 = tpu.vector_load %arg9[%parallel_loop3A_156, %parallel_loop3A_157] {strides = array<i32>} : memref<64x128xf32, #tpu.memory_space<vmem>>, vector<16xf32>,
          tpu.vector_store %arg9[%parallel_loop3A_156, %parallel_loop3A_157], %parallel_loop3A_147 {strides = array<i32>} : memref<64x128xf32, #tpu.memory_space<vmem>>, vector<16xf32>,
          %parallel_loop3A_159 = arith.constant 48 : i32
          %parallel_loop3A_160 = vector.broadcast %parallel_loop3A_159 : i32 to vector<16xi32>
          %parallel_loop3A_161 = arith.addi %iota3A, %parallel_loop3A_160 : vector<16xi32>
          %parallel_loop3A_162 = arith.constant 133 : i32
          %parallel_loop3A_163 = vector.broadcast %parallel_loop3A_162 : i32 to vector<16xi32>
          %parallel_loop3A_164 = arith.muli %parallel_loop3A_161, %parallel_loop3A_163 : vector<16xi32>
          %parallel_loop3A_165 = vector.broadcast %parallel_loop3A_98 : i32 to vector<16xi32>
          %parallel_loop3A_166 = arith.addi %parallel_loop3A_164, %parallel_loop3A_165 : vector<16xi32>
          %parallel_loop3A_167 = tpu.vector_load_idx %arg7[%parallel_loop3A_166] : memref<8512xf32, #tpu.memory_space<vmem>>[vector<16xi32>], vector<16xf32>,
          %parallel_loop3A_168 = arith.constant 1 : i32
          %parallel_loop3A_169 = arith.shrui %parallel_loop3A_98, %parallel_loop3A_168 : i32
          %parallel_loop3A_170 = arith.constant 1 : i32
          %parallel_loop3A_171 = arith.andi %parallel_loop3A_98, %parallel_loop3A_170 : i32
          %parallel_loop3A_172 = arith.constant 64 : i32
          %parallel_loop3A_173 = arith.muli %parallel_loop3A_171, %parallel_loop3A_172 : i32
          %parallel_loop3A_174 = arith.constant 48 : i32
          %parallel_loop3A_175 = arith.addi %parallel_loop3A_173, %parallel_loop3A_174 : i32
          %parallel_loop3A_176 = arith.index_cast %parallel_loop3A_169 : i32 to index
          %parallel_loop3A_177 = arith.index_cast %parallel_loop3A_175 : i32 to index
          %parallel_loop3A_178 = tpu.vector_load %arg9[%parallel_loop3A_176, %parallel_loop3A_177] {strides = array<i32>} : memref<64x128xf32, #tpu.memory_space<vmem>>, vector<16xf32>,
          tpu.vector_store %arg9[%parallel_loop3A_176, %parallel_loop3A_177], %parallel_loop3A_167 {strides = array<i32>} : memref<64x128xf32, #tpu.memory_space<vmem>>, vector<16xf32>,
        } {sc.loop_unroll_factor = 8 : i64, sc.parallel_access}
        %mul3A_89 = arith.constant 32 : i32
        %mul3A_90 = arith.muli %mul3A_89, %add3A_56 : i32
        %add3A_91 = arith.addi %add3A, %mul3A_90 : i32
        %mul3A_92 = arith.constant 64 : i32
        %mul3A_93 = arith.muli %add3A_91, %mul3A_92 : i32
        %dma_start3A_94 = arith.constant 0 : i32
        %dma_start3A_95 = tpu.memref_slice %arg3[%mul3A_93, %dma_start3A_94] : memref<500032x128xf32, #tpu.memory_space<hbm>> -> memref<64x128xf32, #tpu.memory_space<hbm>>
        %dma_start3A_96 = arith.constant 0 : i32
        %dma_start3A_97 = tpu.memref_slice %arg3[%mul3A_93, %dma_start3A_96] : memref<500032x128xf32, #tpu.memory_space<hbm>> -> memref<64x128xf32, #tpu.memory_space<hbm>>
        tpu.enqueue_dma source(%arg9 : memref<64x128xf32, #tpu.memory_space<vmem>>) target(%dma_start3A_97 : memref<64x128xf32, #tpu.memory_space<hbm>>) target_semaphore(%arg13 : memref<!tpu.dma_semaphore, #tpu.memory_space<semaphore_mem>>)
      } else {
      }
      %add3A_65 = arith.constant 2 : i32
      %add3A_66 = arith.addi %add3A_56, %add3A_65 : i32
      %mul3A_67 = arith.constant 32 : i32
      %mul3A_68 = arith.muli %mul3A_67, %add3A_66 : i32
      %add3A_69 = arith.addi %add3A, %mul3A_68 : i32
      %lt3A_70 = arith.constant 7813 : i32
      %lt3A_71 = arith.cmpi slt, %add3A_69, %lt3A_70 : i32
      %convert_element_type3A_72 = arith.extui %lt3A_71 : i1 to i32
      %cond3A_73 = arith.constant 0 : i32
      %cond3A_74 = arith.cmpi ne, %convert_element_type3A_72, %cond3A_73 : i32
      scf.if %cond3A_74 {
        %add3A_75 = arith.constant 2 : i32
        %add3A_76 = arith.addi %add3A_56, %add3A_75 : i32
        %mul3A_77 = arith.constant 32 : i32
        %mul3A_78 = arith.muli %mul3A_77, %add3A_76 : i32
        %add3A_79 = arith.addi %add3A, %mul3A_78 : i32
        %mul3A_80 = arith.constant 128 : i32
        %mul3A_81 = arith.muli %add3A_79, %mul3A_80 : i32
        %dma_start3A_82 = arith.constant 0 : i32
        %dma_start3A_83 = tpu.memref_slice %arg2[%dma_start3A_82, %mul3A_81] : memref<64x1000000xf32, #tpu.memory_space<hbm>> -> memref<64x128xf32, #tpu.memory_space<hbm>>
        %dma_start3A_84 = arith.constant 0 : i32
        %dma_start3A_85 = tpu.memref_slice %arg2[%dma_start3A_84, %mul3A_81] : memref<64x1000000xf32, #tpu.memory_space<hbm>> -> memref<64x128xf32, #tpu.memory_space<hbm>>
        tpu.enqueue_dma source(%dma_start3A_85 : memref<64x128xf32, #tpu.memory_space<hbm>>) target(%arg5 : memref<64x128xf32, #tpu.memory_space<vmem>>) target_semaphore(%arg11 : memref<!tpu.dma_semaphore, #tpu.memory_space<semaphore_mem>>)
      } else {
      }
    }
    %scan3A_15 = arith.constant 123 : i32
    %add3A_16 = arith.constant 7808 : i32
    %add3A_17 = arith.addi %add3A, %add3A_16 : i32
    %lt3A_18 = arith.constant 7813 : i32
    %lt3A_19 = arith.cmpi slt, %add3A_17, %lt3A_18 : i32
    %convert_element_type3A_20 = arith.extui %lt3A_19 : i1 to i32
    %cond3A_21 = arith.constant 0 : i32
    %cond3A_22 = arith.cmpi ne, %convert_element_type3A_20, %cond3A_21 : i32
    scf.if %cond3A_22 {
      %dma_wait3A = arith.constant 0 : i32
      %dma_wait3A_30 = arith.constant 0 : i32
      %dma_wait3A_31 = tpu.memref_slice %arg3[%dma_wait3A, %dma_wait3A_30] : memref<500032x128xf32, #tpu.memory_space<hbm>> -> memref<64x128xf32, #tpu.memory_space<hbm>>
      %dma_wait3A_32 = arith.constant 0 : i32
      %dma_wait3A_33 = arith.constant 0 : i32
      %dma_wait3A_34 = tpu.memref_slice %arg3[%dma_wait3A_32, %dma_wait3A_33] : memref<500032x128xf32, #tpu.memory_space<hbm>> -> memref<64x128xf32, #tpu.memory_space<hbm>>
      tpu.wait_dma2 semaphore(%arg12 : memref<!tpu.dma_semaphore, #tpu.memory_space<semaphore_mem>>) src(%arg8 : memref<64x128xf32, #tpu.memory_space<vmem>>) dst(%dma_wait3A_34 : memref<64x128xf32, #tpu.memory_space<hbm>>)
    } else {
    }
    %add3A_23 = arith.constant 7840 : i32
    %add3A_24 = arith.addi %add3A, %add3A_23 : i32
    %lt3A_25 = arith.constant 7813 : i32
    %lt3A_26 = arith.cmpi slt, %add3A_24, %lt3A_25 : i32
    %convert_element_type3A_27 = arith.extui %lt3A_26 : i1 to i32
    %cond3A_28 = arith.constant 0 : i32
    %cond3A_29 = arith.cmpi ne, %convert_element_type3A_27, %cond3A_28 : i32
    scf.if %cond3A_29 {
      %dma_wait3A = arith.constant 0 : i32
      %dma_wait3A_30 = arith.constant 0 : i32
      %dma_wait3A_31 = tpu.memref_slice %arg3[%dma_wait3A, %dma_wait3A_30] : memref<500032x128xf32, #tpu.memory_space<hbm>> -> memref<64x128xf32, #tpu.memory_space<hbm>>
      %dma_wait3A_32 = arith.constant 0 : i32
      %dma_wait3A_33 = arith.constant 0 : i32
      %dma_wait3A_34 = tpu.memref_slice %arg3[%dma_wait3A_32, %dma_wait3A_33] : memref<500032x128xf32, #tpu.memory_space<hbm>> -> memref<64x128xf32, #tpu.memory_space<hbm>>
      tpu.wait_dma2 semaphore(%arg13 : memref<!tpu.dma_semaphore, #tpu.memory_space<semaphore_mem>>) src(%arg9 : memref<64x128xf32, #tpu.memory_space<vmem>>) dst(%dma_wait3A_34 : memref<64x128xf32, #tpu.memory_space<hbm>>)
    } else {
    }
    return
  }
}

#map = affine_map<(d0, d1) -> (0, 0)>
#map1 = affine_map<(d0, d1) -> (0, 0, 0, 0, 0)>
module attributes {stable_mosaic.version = 14 : i64} {
  func.func @_gather_body(%arg0: i32, %arg1: i32, %arg2: memref<6400x128xi32, #tpu.memory_space<hbm>>, %arg3: memref<1000064x64xf32, #tpu.memory_space<hbm>>, %arg4: memref<50x8x128x8x128xf32, #tpu.memory_space<hbm>>, %arg5: memref<200x128xi32, #tpu.memory_space<vmem>>, %arg6: memref<2x128x64xf32, #tpu.memory_space<vmem>>, %arg7: memref<2x8x8x129xf32, #tpu.memory_space<vmem>>, %arg8: memref<!tpu.dma_semaphore, #tpu.memory_space<semaphore_mem>>, %arg9: memref<!tpu.dma_semaphore, #tpu.memory_space<semaphore_mem>>, %arg10: memref<!tpu.dma_semaphore, #tpu.memory_space<semaphore_mem>>, %arg11: memref<!tpu.dma_semaphore, #tpu.memory_space<semaphore_mem>>) attributes {dimension_semantics = [#tpu.dimension_semantics<core_parallel>, #tpu.dimension_semantics<subcore_parallel>], iteration_bounds = array<i64: 2, 16>, scalar_prefetch = 0 : i64, scratch_operands = 7 : i64, tpu.core_type = #tpu.core_type<sc_vector_subcore>, window_params = [{transform_indices = #map}, {transform_indices = #map}, {transform_indices = #map1}]} {
    %mul3A = arith.constant 2 : i32
    %mul3A_0 = arith.muli %arg1, %mul3A : i32
    %add3A = arith.addi %mul3A_0, %arg0 : i32
    %mul3A_1 = arith.constant 200 : i32
    %mul3A_2 = arith.muli %add3A, %mul3A_1 : i32
    "tpu.region"() ({
      %run_scoped3A = tpu.sem_alloc : memref<!tpu.dma_semaphore, #tpu.memory_space<semaphore_mem>>
      %dma_start3A_91 = arith.constant 0 : i32
      %dma_start3A_92 = tpu.memref_slice %arg2[%mul3A_2, %dma_start3A_91] : memref<6400x128xi32, #tpu.memory_space<hbm>> -> memref<200x128xi32, #tpu.memory_space<hbm>>
      %dma_start3A_93 = arith.constant 0 : i32
      %dma_start3A_94 = tpu.memref_slice %arg2[%mul3A_2, %dma_start3A_93] : memref<6400x128xi32, #tpu.memory_space<hbm>> -> memref<200x128xi32, #tpu.memory_space<hbm>>
      tpu.enqueue_dma source(%dma_start3A_94 : memref<200x128xi32, #tpu.memory_space<hbm>>) target(%arg5 : memref<200x128xi32, #tpu.memory_space<vmem>>) target_semaphore(%run_scoped3A : memref<!tpu.dma_semaphore, #tpu.memory_space<semaphore_mem>>)
      %dma_wait3A_95 = arith.constant 0 : i32
      %dma_wait3A_96 = tpu.memref_slice %arg2[%mul3A_2, %dma_wait3A_95] : memref<6400x128xi32, #tpu.memory_space<hbm>> -> memref<200x128xi32, #tpu.memory_space<hbm>>
      %dma_wait3A_97 = arith.constant 0 : i32
      %dma_wait3A_98 = tpu.memref_slice %arg2[%mul3A_2, %dma_wait3A_97] : memref<6400x128xi32, #tpu.memory_space<hbm>> -> memref<200x128xi32, #tpu.memory_space<hbm>>
      tpu.wait_dma2 semaphore(%run_scoped3A : memref<!tpu.dma_semaphore, #tpu.memory_space<semaphore_mem>>) src(%dma_wait3A_98 : memref<200x128xi32, #tpu.memory_space<hbm>>) dst(%arg5 : memref<200x128xi32, #tpu.memory_space<vmem>>)
      tpu.yield
    }) : () -> ()
    %iota3A = tpu.iota {dimensions = array<i32: 0>} : vector<16xi32>
    %dma_start3A = arith.constant 0 : i32
    %dma_start3A_3 = arith.constant 0 : i32
    %dma_start3A_4 = arith.constant 0 : i32
    %dma_start3A_5 = arith.constant 0 : i32
    %dma_start3A_6 = tpu.memref_slice %arg6[%dma_start3A_3, %dma_start3A_4, %dma_start3A_5] : memref<2x128x64xf32, #tpu.memory_space<vmem>> -> memref<1x128x64xf32, #tpu.memory_space<vmem>>
    %dma_start3A_7 = tpu.memref_squeeze %dma_start3A_6 : memref<1x128x64xf32, #tpu.memory_space<vmem>> -> memref<128x64xf32, #tpu.memory_space<vmem>>
    %dma_start3A_8 = arith.constant 0 : i32
    %dma_start3A_9 = tpu.memref_slice %arg5[%dma_start3A, %dma_start3A_8] : memref<200x128xi32, #tpu.memory_space<vmem>> -> memref<1x128xi32, #tpu.memory_space<vmem>>
    %dma_start3A_10 = tpu.memref_squeeze %dma_start3A_9 : memref<1x128xi32, #tpu.memory_space<vmem>> -> memref<128xi32, #tpu.memory_space<vmem>>
    %dma_start3A_11 = arith.constant 0 : i32
    %dma_start3A_12 = arith.constant 0 : i32
    %dma_start3A_13 = tpu.memref_slice %arg3[%dma_start3A_11, %dma_start3A_12] : memref<1000064x64xf32, #tpu.memory_space<hbm>> -> memref<1000064x64xf32, #tpu.memory_space<hbm>>
    tpu.enqueue_indirect_dma source(%dma_start3A_13 : memref<1000064x64xf32, #tpu.memory_space<hbm>>) target(%dma_start3A_7 : memref<128x64xf32, #tpu.memory_space<vmem>>) offsets(%dma_start3A_10 : memref<128xi32, #tpu.memory_space<vmem>>) semaphore(%arg8 : memref<!tpu.dma_semaphore, #tpu.memory_space<semaphore_mem>>)
    %dma_start3A_14 = arith.constant 1 : i32
    %dma_start3A_15 = arith.constant 1 : i32
    %dma_start3A_16 = arith.constant 0 : i32
    %dma_start3A_17 = arith.constant 0 : i32
    %dma_start3A_18 = tpu.memref_slice %arg6[%dma_start3A_15, %dma_start3A_16, %dma_start3A_17] : memref<2x128x64xf32, #tpu.memory_space<vmem>> -> memref<1x128x64xf32, #tpu.memory_space<vmem>>
    %dma_start3A_19 = tpu.memref_squeeze %dma_start3A_18 : memref<1x128x64xf32, #tpu.memory_space<vmem>> -> memref<128x64xf32, #tpu.memory_space<vmem>>
    %dma_start3A_20 = arith.constant 0 : i32
    %dma_start3A_21 = tpu.memref_slice %arg5[%dma_start3A_14, %dma_start3A_20] : memref<200x128xi32, #tpu.memory_space<vmem>> -> memref<1x128xi32, #tpu.memory_space<vmem>>
    %dma_start3A_22 = tpu.memref_squeeze %dma_start3A_21 : memref<1x128xi32, #tpu.memory_space<vmem>> -> memref<128xi32, #tpu.memory_space<vmem>>
    %dma_start3A_23 = arith.constant 0 : i32
    %dma_start3A_24 = arith.constant 0 : i32
    %dma_start3A_25 = tpu.memref_slice %arg3[%dma_start3A_23, %dma_start3A_24] : memref<1000064x64xf32, #tpu.memory_space<hbm>> -> memref<1000064x64xf32, #tpu.memory_space<hbm>>
    tpu.enqueue_indirect_dma source(%dma_start3A_25 : memref<1000064x64xf32, #tpu.memory_space<hbm>>) target(%dma_start3A_19 : memref<128x64xf32, #tpu.memory_space<vmem>>) offsets(%dma_start3A_22 : memref<128xi32, #tpu.memory_space<vmem>>) semaphore(%arg9 : memref<!tpu.dma_semaphore, #tpu.memory_space<semaphore_mem>>)
    %scan3A = arith.constant 0 : i32
    %scan3A_26 = arith.constant 100 : i32
    %scan3A_27 = arith.addi %scan3A, %scan3A_26 : i32
    %scan3A_28 = arith.constant 1 : i32
    scf.for %scan3A_91 = %scan3A to %scan3A_27 step %scan3A_28  : i32 {
      %mul3A_92 = arith.constant 2 : i32
      %mul3A_93 = arith.muli %mul3A_92, %scan3A_91 : i32
      %add3A_94 = arith.constant 0 : i32
      %add3A_95 = arith.addi %mul3A_93, %add3A_94 : i32
      %dma_wait3A_96 = arith.constant 0 : i32
      %dma_wait3A_97 = arith.constant 0 : i32
      %dma_wait3A_98 = arith.constant 0 : i32
      %dma_wait3A_99 = tpu.memref_slice %arg6[%dma_wait3A_96, %dma_wait3A_97, %dma_wait3A_98] : memref<2x128x64xf32, #tpu.memory_space<vmem>> -> memref<1x128x64xf32, #tpu.memory_space<vmem>>
      %dma_wait3A_100 = tpu.memref_squeeze %dma_wait3A_99 : memref<1x128x64xf32, #tpu.memory_space<vmem>> -> memref<128x64xf32, #tpu.memory_space<vmem>>
      %dma_wait3A_101 = arith.constant 0 : i32
      %dma_wait3A_102 = arith.constant 0 : i32
      %dma_wait3A_103 = tpu.memref_slice %arg3[%dma_wait3A_101, %dma_wait3A_102] : memref<1000064x64xf32, #tpu.memory_space<hbm>> -> memref<128x64xf32, #tpu.memory_space<hbm>>
      %dma_wait3A_104 = arith.constant 0 : i32
      %dma_wait3A_105 = arith.constant 0 : i32
      %dma_wait3A_106 = tpu.memref_slice %arg6[%dma_wait3A_96, %dma_wait3A_104, %dma_wait3A_105] : memref<2x128x64xf32, #tpu.memory_space<vmem>> -> memref<1x128x64xf32, #tpu.memory_space<vmem>>
      %dma_wait3A_107 = tpu.memref_squeeze %dma_wait3A_106 : memref<1x128x64xf32, #tpu.memory_space<vmem>> -> memref<128x64xf32, #tpu.memory_space<vmem>>
      %dma_wait3A_108 = arith.constant 0 : i32
      %dma_wait3A_109 = arith.constant 0 : i32
      %dma_wait3A_110 = tpu.memref_slice %arg3[%dma_wait3A_108, %dma_wait3A_109] : memref<1000064x64xf32, #tpu.memory_space<hbm>> -> memref<128x64xf32, #tpu.memory_space<hbm>>
      tpu.wait_dma2 semaphore(%arg8 : memref<!tpu.dma_semaphore, #tpu.memory_space<semaphore_mem>>) src(%dma_wait3A_110 : memref<128x64xf32, #tpu.memory_space<hbm>>) dst(%dma_wait3A_107 : memref<128x64xf32, #tpu.memory_space<vmem>>)
      %ge3A = arith.constant 1 : i32
      %ge3A_111 = arith.cmpi sge, %scan3A_91, %ge3A : i32
      %convert_element_type3A = arith.extui %ge3A_111 : i1 to i32
      %cond3A = arith.constant 0 : i32
      %cond3A_112 = arith.cmpi ne, %convert_element_type3A, %cond3A : i32
      scf.if %cond3A_112 {
        %dma_wait3A_225 = arith.constant 0 : i32
        %dma_wait3A_226 = arith.constant 0 : i32
        %dma_wait3A_227 = arith.constant 0 : i32
        %dma_wait3A_228 = arith.constant 0 : i32
        %dma_wait3A_229 = arith.constant 0 : i32
        %dma_wait3A_230 = arith.constant 0 : i32
        %dma_wait3A_231 = tpu.memref_slice %arg7[%dma_wait3A_225, %dma_wait3A_228, %dma_wait3A_229, %dma_wait3A_230] : memref<2x8x8x129xf32, #tpu.memory_space<vmem>> -> memref<1x8x8x129xf32, #tpu.memory_space<vmem>>
        %dma_wait3A_232 = tpu.memref_squeeze %dma_wait3A_231 : memref<1x8x8x129xf32, #tpu.memory_space<vmem>> -> memref<8x8x129xf32, #tpu.memory_space<vmem>>
        %dma_wait3A_233 = arith.constant 0 : i32
        %dma_wait3A_234 = arith.constant 0 : i32
        %dma_wait3A_235 = arith.constant 0 : i32
        %dma_wait3A_236 = tpu.memref_slice %dma_wait3A_232[%dma_wait3A_233, %dma_wait3A_234, %dma_wait3A_235] : memref<8x8x129xf32, #tpu.memory_space<vmem>> -> memref<8x8x128xf32, #tpu.memory_space<vmem>>
        %dma_wait3A_237 = arith.constant 0 : i32
        %dma_wait3A_238 = arith.constant 0 : i32
        %dma_wait3A_239 = arith.constant 0 : i32
        %dma_wait3A_240 = tpu.memref_slice %arg4[%dma_wait3A_226, %dma_wait3A_237, %dma_wait3A_227, %dma_wait3A_238, %dma_wait3A_239] : memref<50x8x128x8x128xf32, #tpu.memory_space<hbm>> -> memref<1x8x1x8x128xf32, #tpu.memory_space<hbm>>
        %dma_wait3A_241 = tpu.memref_squeeze %dma_wait3A_240 : memref<1x8x1x8x128xf32, #tpu.memory_space<hbm>> -> memref<8x8x128xf32, #tpu.memory_space<hbm>>
        %dma_wait3A_242 = arith.constant 0 : i32
        %dma_wait3A_243 = arith.constant 0 : i32
        %dma_wait3A_244 = arith.constant 0 : i32
        %dma_wait3A_245 = tpu.memref_slice %arg4[%dma_wait3A_226, %dma_wait3A_242, %dma_wait3A_227, %dma_wait3A_243, %dma_wait3A_244] : memref<50x8x128x8x128xf32, #tpu.memory_space<hbm>> -> memref<1x8x1x8x128xf32, #tpu.memory_space<hbm>>
        %dma_wait3A_246 = tpu.memref_squeeze %dma_wait3A_245 : memref<1x8x1x8x128xf32, #tpu.memory_space<hbm>> -> memref<8x8x128xf32, #tpu.memory_space<hbm>>
        %dma_wait3A_247 = arith.constant 0 : i32
        %dma_wait3A_248 = arith.constant 0 : i32
        %dma_wait3A_249 = arith.constant 0 : i32
        %dma_wait3A_250 = tpu.memref_slice %arg7[%dma_wait3A_225, %dma_wait3A_247, %dma_wait3A_248, %dma_wait3A_249] : memref<2x8x8x129xf32, #tpu.memory_space<vmem>> -> memref<1x8x8x129xf32, #tpu.memory_space<vmem>>
        %dma_wait3A_251 = tpu.memref_squeeze %dma_wait3A_250 : memref<1x8x8x129xf32, #tpu.memory_space<vmem>> -> memref<8x8x129xf32, #tpu.memory_space<vmem>>
        %dma_wait3A_252 = arith.constant 0 : i32
        %dma_wait3A_253 = arith.constant 0 : i32
        %dma_wait3A_254 = arith.constant 0 : i32
        %dma_wait3A_255 = tpu.memref_slice %dma_wait3A_251[%dma_wait3A_252, %dma_wait3A_253, %dma_wait3A_254] : memref<8x8x129xf32, #tpu.memory_space<vmem>> -> memref<8x8x128xf32, #tpu.memory_space<vmem>>
        tpu.wait_dma2 semaphore(%arg10 : memref<!tpu.dma_semaphore, #tpu.memory_space<semaphore_mem>>) src(%dma_wait3A_255 : memref<8x8x128xf32, #tpu.memory_space<vmem>>) dst(%dma_wait3A_246 : memref<8x8x128xf32, #tpu.memory_space<hbm>>)
      } else {
      }
      %parallel_loop3A = arith.constant 0 : i32
      %parallel_loop3A_113 = arith.constant 128 : i32
      %parallel_loop3A_114 = arith.constant 1 : i32
      %parallel_loop3A_115 = arith.constant 0 : i32
      %parallel_loop3A_116 = arith.constant 0 : i32
      scf.for %parallel_loop3A_225 = %parallel_loop3A to %parallel_loop3A_113 step %parallel_loop3A_114  : i32 {
        %parallel_loop3A_226 = arith.constant 0 : i32
        %parallel_loop3A_227 = vector.broadcast %parallel_loop3A_226 : i32 to vector<16xi32>
        %parallel_loop3A_228 = vector.broadcast %parallel_loop3A_225 : i32 to vector<16xi32>
        %parallel_loop3A_229 = arith.addi %parallel_loop3A_227, %parallel_loop3A_228 : vector<16xi32>
        %parallel_loop3A_230 = arith.constant 0 : i32
        %parallel_loop3A_231 = vector.broadcast %parallel_loop3A_230 : i32 to vector<16xi32>
        %parallel_loop3A_232 = arith.addi %iota3A, %parallel_loop3A_231 : vector<16xi32>
        %parallel_loop3A_233 = arith.constant 3 : i32
        %parallel_loop3A_234 = vector.broadcast %parallel_loop3A_233 : i32 to vector<16xi32>
        %parallel_loop3A_235 = arith.shrui %parallel_loop3A_232, %parallel_loop3A_234 : vector<16xi32>
        %parallel_loop3A_236 = arith.constant 0 : i32
        %parallel_loop3A_237 = vector.broadcast %parallel_loop3A_236 : i32 to vector<16xi32>
        %parallel_loop3A_238 = arith.addi %iota3A, %parallel_loop3A_237 : vector<16xi32>
        %parallel_loop3A_239 = arith.constant 7 : i32
        %parallel_loop3A_240 = vector.broadcast %parallel_loop3A_239 : i32 to vector<16xi32>
        %parallel_loop3A_241 = arith.andi %parallel_loop3A_238, %parallel_loop3A_240 : vector<16xi32>
        %parallel_loop3A_242 = arith.constant 0 : i32
        %parallel_loop3A_243 = arith.constant 0 : i32
        %parallel_loop3A_244 = tpu.memref_slice %arg6[%parallel_loop3A_115, %parallel_loop3A_242, %parallel_loop3A_243] : memref<2x128x64xf32, #tpu.memory_space<vmem>> -> memref<1x128x64xf32, #tpu.memory_space<vmem>>
        %parallel_loop3A_245 = tpu.memref_squeeze %parallel_loop3A_244 : memref<1x128x64xf32, #tpu.memory_space<vmem>> -> memref<128x64xf32, #tpu.memory_space<vmem>>
        %parallel_loop3A_246 = arith.index_cast %parallel_loop3A_225 : i32 to index
        %parallel_loop3A_247 = arith.constant 0 : index
        %parallel_loop3A_248 = tpu.vector_load %parallel_loop3A_245[%parallel_loop3A_246, %parallel_loop3A_247] {strides = array<i32>} : memref<128x64xf32, #tpu.memory_space<vmem>>, vector<16xf32>,
        %parallel_loop3A_249 = arith.constant 0 : i32
        %parallel_loop3A_250 = arith.constant 0 : i32
        %parallel_loop3A_251 = arith.constant 0 : i32
        %parallel_loop3A_252 = tpu.memref_slice %arg7[%parallel_loop3A_116, %parallel_loop3A_249, %parallel_loop3A_250, %parallel_loop3A_251] : memref<2x8x8x129xf32, #tpu.memory_space<vmem>> -> memref<1x8x8x129xf32, #tpu.memory_space<vmem>>
        %parallel_loop3A_253 = tpu.memref_squeeze %parallel_loop3A_252 : memref<1x8x8x129xf32, #tpu.memory_space<vmem>> -> memref<8x8x129xf32, #tpu.memory_space<vmem>>
        tpu.vector_store_idx %parallel_loop3A_253[%parallel_loop3A_235, %parallel_loop3A_241, %parallel_loop3A_229], %parallel_loop3A_248 : memref<8x8x129xf32, #tpu.memory_space<vmem>>[vector<16xi32>, vector<16xi32>, vector<16xi32>], vector<16xf32>,
        %parallel_loop3A_254 = arith.constant 16 : i32
        %parallel_loop3A_255 = vector.broadcast %parallel_loop3A_254 : i32 to vector<16xi32>
        %parallel_loop3A_256 = arith.addi %iota3A, %parallel_loop3A_255 : vector<16xi32>
        %parallel_loop3A_257 = arith.constant 3 : i32
        %parallel_loop3A_258 = vector.broadcast %parallel_loop3A_257 : i32 to vector<16xi32>
        %parallel_loop3A_259 = arith.shrui %parallel_loop3A_256, %parallel_loop3A_258 : vector<16xi32>
        %parallel_loop3A_260 = arith.constant 16 : i32
        %parallel_loop3A_261 = vector.broadcast %parallel_loop3A_260 : i32 to vector<16xi32>
        %parallel_loop3A_262 = arith.addi %iota3A, %parallel_loop3A_261 : vector<16xi32>
        %parallel_loop3A_263 = arith.constant 7 : i32
        %parallel_loop3A_264 = vector.broadcast %parallel_loop3A_263 : i32 to vector<16xi32>
        %parallel_loop3A_265 = arith.andi %parallel_loop3A_262, %parallel_loop3A_264 : vector<16xi32>
        %parallel_loop3A_266 = arith.constant 0 : i32
        %parallel_loop3A_267 = arith.constant 0 : i32
        %parallel_loop3A_268 = tpu.memref_slice %arg6[%parallel_loop3A_115, %parallel_loop3A_266, %parallel_loop3A_267] : memref<2x128x64xf32, #tpu.memory_space<vmem>> -> memref<1x128x64xf32, #tpu.memory_space<vmem>>
        %parallel_loop3A_269 = tpu.memref_squeeze %parallel_loop3A_268 : memref<1x128x64xf32, #tpu.memory_space<vmem>> -> memref<128x64xf32, #tpu.memory_space<vmem>>
        %parallel_loop3A_270 = arith.index_cast %parallel_loop3A_225 : i32 to index
        %parallel_loop3A_271 = arith.constant 16 : index
        %parallel_loop3A_272 = tpu.vector_load %parallel_loop3A_269[%parallel_loop3A_270, %parallel_loop3A_271] {strides = array<i32>} : memref<128x64xf32, #tpu.memory_space<vmem>>, vector<16xf32>,
        %parallel_loop3A_273 = arith.constant 0 : i32
        %parallel_loop3A_274 = arith.constant 0 : i32
        %parallel_loop3A_275 = arith.constant 0 : i32
        %parallel_loop3A_276 = tpu.memref_slice %arg7[%parallel_loop3A_116, %parallel_loop3A_273, %parallel_loop3A_274, %parallel_loop3A_275] : memref<2x8x8x129xf32, #tpu.memory_space<vmem>> -> memref<1x8x8x129xf32, #tpu.memory_space<vmem>>
        %parallel_loop3A_277 = tpu.memref_squeeze %parallel_loop3A_276 : memref<1x8x8x129xf32, #tpu.memory_space<vmem>> -> memref<8x8x129xf32, #tpu.memory_space<vmem>>
        tpu.vector_store_idx %parallel_loop3A_277[%parallel_loop3A_259, %parallel_loop3A_265, %parallel_loop3A_229], %parallel_loop3A_272 : memref<8x8x129xf32, #tpu.memory_space<vmem>>[vector<16xi32>, vector<16xi32>, vector<16xi32>], vector<16xf32>,
        %parallel_loop3A_278 = arith.constant 32 : i32
        %parallel_loop3A_279 = vector.broadcast %parallel_loop3A_278 : i32 to vector<16xi32>
        %parallel_loop3A_280 = arith.addi %iota3A, %parallel_loop3A_279 : vector<16xi32>
        %parallel_loop3A_281 = arith.constant 3 : i32
        %parallel_loop3A_282 = vector.broadcast %parallel_loop3A_281 : i32 to vector<16xi32>
        %parallel_loop3A_283 = arith.shrui %parallel_loop3A_280, %parallel_loop3A_282 : vector<16xi32>
        %parallel_loop3A_284 = arith.constant 32 : i32
        %parallel_loop3A_285 = vector.broadcast %parallel_loop3A_284 : i32 to vector<16xi32>
        %parallel_loop3A_286 = arith.addi %iota3A, %parallel_loop3A_285 : vector<16xi32>
        %parallel_loop3A_287 = arith.constant 7 : i32
        %parallel_loop3A_288 = vector.broadcast %parallel_loop3A_287 : i32 to vector<16xi32>
        %parallel_loop3A_289 = arith.andi %parallel_loop3A_286, %parallel_loop3A_288 : vector<16xi32>
        %parallel_loop3A_290 = arith.constant 0 : i32
        %parallel_loop3A_291 = arith.constant 0 : i32
        %parallel_loop3A_292 = tpu.memref_slice %arg6[%parallel_loop3A_115, %parallel_loop3A_290, %parallel_loop3A_291] : memref<2x128x64xf32, #tpu.memory_space<vmem>> -> memref<1x128x64xf32, #tpu.memory_space<vmem>>
        %parallel_loop3A_293 = tpu.memref_squeeze %parallel_loop3A_292 : memref<1x128x64xf32, #tpu.memory_space<vmem>> -> memref<128x64xf32, #tpu.memory_space<vmem>>
        %parallel_loop3A_294 = arith.index_cast %parallel_loop3A_225 : i32 to index
        %parallel_loop3A_295 = arith.constant 32 : index
        %parallel_loop3A_296 = tpu.vector_load %parallel_loop3A_293[%parallel_loop3A_294, %parallel_loop3A_295] {strides = array<i32>} : memref<128x64xf32, #tpu.memory_space<vmem>>, vector<16xf32>,
        %parallel_loop3A_297 = arith.constant 0 : i32
        %parallel_loop3A_298 = arith.constant 0 : i32
        %parallel_loop3A_299 = arith.constant 0 : i32
        %parallel_loop3A_300 = tpu.memref_slice %arg7[%parallel_loop3A_116, %parallel_loop3A_297, %parallel_loop3A_298, %parallel_loop3A_299] : memref<2x8x8x129xf32, #tpu.memory_space<vmem>> -> memref<1x8x8x129xf32, #tpu.memory_space<vmem>>
        %parallel_loop3A_301 = tpu.memref_squeeze %parallel_loop3A_300 : memref<1x8x8x129xf32, #tpu.memory_space<vmem>> -> memref<8x8x129xf32, #tpu.memory_space<vmem>>
        tpu.vector_store_idx %parallel_loop3A_301[%parallel_loop3A_283, %parallel_loop3A_289, %parallel_loop3A_229], %parallel_loop3A_296 : memref<8x8x129xf32, #tpu.memory_space<vmem>>[vector<16xi32>, vector<16xi32>, vector<16xi32>], vector<16xf32>,
        %parallel_loop3A_302 = arith.constant 48 : i32
        %parallel_loop3A_303 = vector.broadcast %parallel_loop3A_302 : i32 to vector<16xi32>
        %parallel_loop3A_304 = arith.addi %iota3A, %parallel_loop3A_303 : vector<16xi32>
        %parallel_loop3A_305 = arith.constant 3 : i32
        %parallel_loop3A_306 = vector.broadcast %parallel_loop3A_305 : i32 to vector<16xi32>
        %parallel_loop3A_307 = arith.shrui %parallel_loop3A_304, %parallel_loop3A_306 : vector<16xi32>
        %parallel_loop3A_308 = arith.constant 48 : i32
        %parallel_loop3A_309 = vector.broadcast %parallel_loop3A_308 : i32 to vector<16xi32>
        %parallel_loop3A_310 = arith.addi %iota3A, %parallel_loop3A_309 : vector<16xi32>
        %parallel_loop3A_311 = arith.constant 7 : i32
        %parallel_loop3A_312 = vector.broadcast %parallel_loop3A_311 : i32 to vector<16xi32>
        %parallel_loop3A_313 = arith.andi %parallel_loop3A_310, %parallel_loop3A_312 : vector<16xi32>
        %parallel_loop3A_314 = arith.constant 0 : i32
        %parallel_loop3A_315 = arith.constant 0 : i32
        %parallel_loop3A_316 = tpu.memref_slice %arg6[%parallel_loop3A_115, %parallel_loop3A_314, %parallel_loop3A_315] : memref<2x128x64xf32, #tpu.memory_space<vmem>> -> memref<1x128x64xf32, #tpu.memory_space<vmem>>
        %parallel_loop3A_317 = tpu.memref_squeeze %parallel_loop3A_316 : memref<1x128x64xf32, #tpu.memory_space<vmem>> -> memref<128x64xf32, #tpu.memory_space<vmem>>
        %parallel_loop3A_318 = arith.index_cast %parallel_loop3A_225 : i32 to index
        %parallel_loop3A_319 = arith.constant 48 : index
        %parallel_loop3A_320 = tpu.vector_load %parallel_loop3A_317[%parallel_loop3A_318, %parallel_loop3A_319] {strides = array<i32>} : memref<128x64xf32, #tpu.memory_space<vmem>>, vector<16xf32>,
        %parallel_loop3A_321 = arith.constant 0 : i32
        %parallel_loop3A_322 = arith.constant 0 : i32
        %parallel_loop3A_323 = arith.constant 0 : i32
        %parallel_loop3A_324 = tpu.memref_slice %arg7[%parallel_loop3A_116, %parallel_loop3A_321, %parallel_loop3A_322, %parallel_loop3A_323] : memref<2x8x8x129xf32, #tpu.memory_space<vmem>> -> memref<1x8x8x129xf32, #tpu.memory_space<vmem>>
        %parallel_loop3A_325 = tpu.memref_squeeze %parallel_loop3A_324 : memref<1x8x8x129xf32, #tpu.memory_space<vmem>> -> memref<8x8x129xf32, #tpu.memory_space<vmem>>
        tpu.vector_store_idx %parallel_loop3A_325[%parallel_loop3A_307, %parallel_loop3A_313, %parallel_loop3A_229], %parallel_loop3A_320 : memref<8x8x129xf32, #tpu.memory_space<vmem>>[vector<16xi32>, vector<16xi32>, vector<16xi32>], vector<16xf32>,
      } {sc.loop_unroll_factor = 8 : i64, sc.parallel_access}
      %lt3A = arith.constant 99 : i32
      %lt3A_117 = arith.cmpi slt, %scan3A_91, %lt3A : i32
      %convert_element_type3A_118 = arith.extui %lt3A_117 : i1 to i32
      %cond3A_119 = arith.constant 0 : i32
      %cond3A_120 = arith.cmpi ne, %convert_element_type3A_118, %cond3A_119 : i32
      scf.if %cond3A_120 {
        %add3A_225 = arith.constant 2 : i32
        %add3A_226 = arith.addi %add3A_95, %add3A_225 : i32
        %dma_start3A_227 = arith.constant 0 : i32
        %dma_start3A_228 = arith.constant 0 : i32
        %dma_start3A_229 = arith.constant 0 : i32
        %dma_start3A_230 = tpu.memref_slice %arg6[%dma_start3A_227, %dma_start3A_228, %dma_start3A_229] : memref<2x128x64xf32, #tpu.memory_space<vmem>> -> memref<1x128x64xf32, #tpu.memory_space<vmem>>
        %dma_start3A_231 = tpu.memref_squeeze %dma_start3A_230 : memref<1x128x64xf32, #tpu.memory_space<vmem>> -> memref<128x64xf32, #tpu.memory_space<vmem>>
        %dma_start3A_232 = arith.constant 0 : i32
        %dma_start3A_233 = tpu.memref_slice %arg5[%add3A_226, %dma_start3A_232] : memref<200x128xi32, #tpu.memory_space<vmem>> -> memref<1x128xi32, #tpu.memory_space<vmem>>
        %dma_start3A_234 = tpu.memref_squeeze %dma_start3A_233 : memref<1x128xi32, #tpu.memory_space<vmem>> -> memref<128xi32, #tpu.memory_space<vmem>>
        %dma_start3A_235 = arith.constant 0 : i32
        %dma_start3A_236 = arith.constant 0 : i32
        %dma_start3A_237 = tpu.memref_slice %arg3[%dma_start3A_235, %dma_start3A_236] : memref<1000064x64xf32, #tpu.memory_space<hbm>> -> memref<1000064x64xf32, #tpu.memory_space<hbm>>
        tpu.enqueue_indirect_dma source(%dma_start3A_237 : memref<1000064x64xf32, #tpu.memory_space<hbm>>) target(%dma_start3A_231 : memref<128x64xf32, #tpu.memory_space<vmem>>) offsets(%dma_start3A_234 : memref<128xi32, #tpu.memory_space<vmem>>) semaphore(%arg8 : memref<!tpu.dma_semaphore, #tpu.memory_space<semaphore_mem>>)
      } else {
      }
      %mul3A_121 = arith.constant 200 : i32
      %mul3A_122 = arith.muli %add3A, %mul3A_121 : i32
      %add3A_123 = arith.addi %mul3A_122, %add3A_95 : i32
      %shift_right_logical3A = arith.constant 7 : i32
      %shift_right_logical3A_124 = arith.shrui %add3A_123, %shift_right_logical3A : i32
      %and3A = arith.constant 127 : i32
      %and3A_125 = arith.andi %add3A_123, %and3A : i32
      %dma_start3A_126 = arith.constant 0 : i32
      %dma_start3A_127 = arith.constant 0 : i32
      %dma_start3A_128 = arith.constant 0 : i32
      %dma_start3A_129 = arith.constant 0 : i32
      %dma_start3A_130 = tpu.memref_slice %arg7[%dma_start3A_126, %dma_start3A_127, %dma_start3A_128, %dma_start3A_129] : memref<2x8x8x129xf32, #tpu.memory_space<vmem>> -> memref<1x8x8x129xf32, #tpu.memory_space<vmem>>
      %dma_start3A_131 = tpu.memref_squeeze %dma_start3A_130 : memref<1x8x8x129xf32, #tpu.memory_space<vmem>> -> memref<8x8x129xf32, #tpu.memory_space<vmem>>
      %dma_start3A_132 = arith.constant 0 : i32
      %dma_start3A_133 = arith.constant 0 : i32
      %dma_start3A_134 = arith.constant 0 : i32
      %dma_start3A_135 = tpu.memref_slice %dma_start3A_131[%dma_start3A_132, %dma_start3A_133, %dma_start3A_134] : memref<8x8x129xf32, #tpu.memory_space<vmem>> -> memref<8x8x128xf32, #tpu.memory_space<vmem>>
      %dma_start3A_136 = arith.constant 0 : i32
      %dma_start3A_137 = arith.constant 0 : i32
      %dma_start3A_138 = arith.constant 0 : i32
      %dma_start3A_139 = tpu.memref_slice %arg4[%shift_right_logical3A_124, %dma_start3A_136, %and3A_125, %dma_start3A_137, %dma_start3A_138] : memref<50x8x128x8x128xf32, #tpu.memory_space<hbm>> -> memref<1x8x1x8x128xf32, #tpu.memory_space<hbm>>
      %dma_start3A_140 = tpu.memref_squeeze %dma_start3A_139 : memref<1x8x1x8x128xf32, #tpu.memory_space<hbm>> -> memref<8x8x128xf32, #tpu.memory_space<hbm>>
      %dma_start3A_141 = arith.constant 0 : i32
      %dma_start3A_142 = arith.constant 0 : i32
      %dma_start3A_143 = arith.constant 0 : i32
      %dma_start3A_144 = tpu.memref_slice %arg4[%shift_right_logical3A_124, %dma_start3A_141, %and3A_125, %dma_start3A_142, %dma_start3A_143] : memref<50x8x128x8x128xf32, #tpu.memory_space<hbm>> -> memref<1x8x1x8x128xf32, #tpu.memory_space<hbm>>
      %dma_start3A_145 = tpu.memref_squeeze %dma_start3A_144 : memref<1x8x1x8x128xf32, #tpu.memory_space<hbm>> -> memref<8x8x128xf32, #tpu.memory_space<hbm>>
      %dma_start3A_146 = arith.constant 0 : i32
      %dma_start3A_147 = arith.constant 0 : i32
      %dma_start3A_148 = arith.constant 0 : i32
      %dma_start3A_149 = tpu.memref_slice %arg7[%dma_start3A_126, %dma_start3A_146, %dma_start3A_147, %dma_start3A_148] : memref<2x8x8x129xf32, #tpu.memory_space<vmem>> -> memref<1x8x8x129xf32, #tpu.memory_space<vmem>>
      %dma_start3A_150 = tpu.memref_squeeze %dma_start3A_149 : memref<1x8x8x129xf32, #tpu.memory_space<vmem>> -> memref<8x8x129xf32, #tpu.memory_space<vmem>>
      %dma_start3A_151 = arith.constant 0 : i32
      %dma_start3A_152 = arith.constant 0 : i32
      %dma_start3A_153 = arith.constant 0 : i32
      %dma_start3A_154 = tpu.memref_slice %dma_start3A_150[%dma_start3A_151, %dma_start3A_152, %dma_start3A_153] : memref<8x8x129xf32, #tpu.memory_space<vmem>> -> memref<8x8x128xf32, #tpu.memory_space<vmem>>
      tpu.enqueue_dma source(%dma_start3A_154 : memref<8x8x128xf32, #tpu.memory_space<vmem>>) target(%dma_start3A_145 : memref<8x8x128xf32, #tpu.memory_space<hbm>>) target_semaphore(%arg10 : memref<!tpu.dma_semaphore, #tpu.memory_space<semaphore_mem>>)
      %mul3A_155 = arith.constant 2 : i32
      %mul3A_156 = arith.muli %mul3A_155, %scan3A_91 : i32
      %add3A_157 = arith.constant 1 : i32
      %add3A_158 = arith.addi %mul3A_156, %add3A_157 : i32
      %dma_wait3A_159 = arith.constant 1 : i32
      %dma_wait3A_160 = arith.constant 0 : i32
      %dma_wait3A_161 = arith.constant 0 : i32
      %dma_wait3A_162 = tpu.memref_slice %arg6[%dma_wait3A_159, %dma_wait3A_160, %dma_wait3A_161] : memref<2x128x64xf32, #tpu.memory_space<vmem>> -> memref<1x128x64xf32, #tpu.memory_space<vmem>>
      %dma_wait3A_163 = tpu.memref_squeeze %dma_wait3A_162 : memref<1x128x64xf32, #tpu.memory_space<vmem>> -> memref<128x64xf32, #tpu.memory_space<vmem>>
      %dma_wait3A_164 = arith.constant 0 : i32
      %dma_wait3A_165 = arith.constant 0 : i32
      %dma_wait3A_166 = tpu.memref_slice %arg3[%dma_wait3A_164, %dma_wait3A_165] : memref<1000064x64xf32, #tpu.memory_space<hbm>> -> memref<128x64xf32, #tpu.memory_space<hbm>>
      %dma_wait3A_167 = arith.constant 0 : i32
      %dma_wait3A_168 = arith.constant 0 : i32
      %dma_wait3A_169 = tpu.memref_slice %arg6[%dma_wait3A_159, %dma_wait3A_167, %dma_wait3A_168] : memref<2x128x64xf32, #tpu.memory_space<vmem>> -> memref<1x128x64xf32, #tpu.memory_space<vmem>>
      %dma_wait3A_170 = tpu.memref_squeeze %dma_wait3A_169 : memref<1x128x64xf32, #tpu.memory_space<vmem>> -> memref<128x64xf32, #tpu.memory_space<vmem>>
      %dma_wait3A_171 = arith.constant 0 : i32
      %dma_wait3A_172 = arith.constant 0 : i32
      %dma_wait3A_173 = tpu.memref_slice %arg3[%dma_wait3A_171, %dma_wait3A_172] : memref<1000064x64xf32, #tpu.memory_space<hbm>> -> memref<128x64xf32, #tpu.memory_space<hbm>>
      tpu.wait_dma2 semaphore(%arg9 : memref<!tpu.dma_semaphore, #tpu.memory_space<semaphore_mem>>) src(%dma_wait3A_173 : memref<128x64xf32, #tpu.memory_space<hbm>>) dst(%dma_wait3A_170 : memref<128x64xf32, #tpu.memory_space<vmem>>)
      %ge3A_174 = arith.constant 1 : i32
      %ge3A_175 = arith.cmpi sge, %scan3A_91, %ge3A_174 : i32
      %convert_element_type3A_176 = arith.extui %ge3A_175 : i1 to i32
      %cond3A_177 = arith.constant 0 : i32
      %cond3A_178 = arith.cmpi ne, %convert_element_type3A_176, %cond3A_177 : i32
      scf.if %cond3A_178 {
        %dma_wait3A_225 = arith.constant 1 : i32
        %dma_wait3A_226 = arith.constant 0 : i32
        %dma_wait3A_227 = arith.constant 0 : i32
        %dma_wait3A_228 = arith.constant 0 : i32
        %dma_wait3A_229 = arith.constant 0 : i32
        %dma_wait3A_230 = arith.constant 0 : i32
        %dma_wait3A_231 = tpu.memref_slice %arg7[%dma_wait3A_225, %dma_wait3A_228, %dma_wait3A_229, %dma_wait3A_230] : memref<2x8x8x129xf32, #tpu.memory_space<vmem>> -> memref<1x8x8x129xf32, #tpu.memory_space<vmem>>
        %dma_wait3A_232 = tpu.memref_squeeze %dma_wait3A_231 : memref<1x8x8x129xf32, #tpu.memory_space<vmem>> -> memref<8x8x129xf32, #tpu.memory_space<vmem>>
        %dma_wait3A_233 = arith.constant 0 : i32
        %dma_wait3A_234 = arith.constant 0 : i32
        %dma_wait3A_235 = arith.constant 0 : i32
        %dma_wait3A_236 = tpu.memref_slice %dma_wait3A_232[%dma_wait3A_233, %dma_wait3A_234, %dma_wait3A_235] : memref<8x8x129xf32, #tpu.memory_space<vmem>> -> memref<8x8x128xf32, #tpu.memory_space<vmem>>
        %dma_wait3A_237 = arith.constant 0 : i32
        %dma_wait3A_238 = arith.constant 0 : i32
        %dma_wait3A_239 = arith.constant 0 : i32
        %dma_wait3A_240 = tpu.memref_slice %arg4[%dma_wait3A_226, %dma_wait3A_237, %dma_wait3A_227, %dma_wait3A_238, %dma_wait3A_239] : memref<50x8x128x8x128xf32, #tpu.memory_space<hbm>> -> memref<1x8x1x8x128xf32, #tpu.memory_space<hbm>>
        %dma_wait3A_241 = tpu.memref_squeeze %dma_wait3A_240 : memref<1x8x1x8x128xf32, #tpu.memory_space<hbm>> -> memref<8x8x128xf32, #tpu.memory_space<hbm>>
        %dma_wait3A_242 = arith.constant 0 : i32
        %dma_wait3A_243 = arith.constant 0 : i32
        %dma_wait3A_244 = arith.constant 0 : i32
        %dma_wait3A_245 = tpu.memref_slice %arg4[%dma_wait3A_226, %dma_wait3A_242, %dma_wait3A_227, %dma_wait3A_243, %dma_wait3A_244] : memref<50x8x128x8x128xf32, #tpu.memory_space<hbm>> -> memref<1x8x1x8x128xf32, #tpu.memory_space<hbm>>
        %dma_wait3A_246 = tpu.memref_squeeze %dma_wait3A_245 : memref<1x8x1x8x128xf32, #tpu.memory_space<hbm>> -> memref<8x8x128xf32, #tpu.memory_space<hbm>>
        %dma_wait3A_247 = arith.constant 0 : i32
        %dma_wait3A_248 = arith.constant 0 : i32
        %dma_wait3A_249 = arith.constant 0 : i32
        %dma_wait3A_250 = tpu.memref_slice %arg7[%dma_wait3A_225, %dma_wait3A_247, %dma_wait3A_248, %dma_wait3A_249] : memref<2x8x8x129xf32, #tpu.memory_space<vmem>> -> memref<1x8x8x129xf32, #tpu.memory_space<vmem>>
        %dma_wait3A_251 = tpu.memref_squeeze %dma_wait3A_250 : memref<1x8x8x129xf32, #tpu.memory_space<vmem>> -> memref<8x8x129xf32, #tpu.memory_space<vmem>>
        %dma_wait3A_252 = arith.constant 0 : i32
        %dma_wait3A_253 = arith.constant 0 : i32
        %dma_wait3A_254 = arith.constant 0 : i32
        %dma_wait3A_255 = tpu.memref_slice %dma_wait3A_251[%dma_wait3A_252, %dma_wait3A_253, %dma_wait3A_254] : memref<8x8x129xf32, #tpu.memory_space<vmem>> -> memref<8x8x128xf32, #tpu.memory_space<vmem>>
        tpu.wait_dma2 semaphore(%arg11 : memref<!tpu.dma_semaphore, #tpu.memory_space<semaphore_mem>>) src(%dma_wait3A_255 : memref<8x8x128xf32, #tpu.memory_space<vmem>>) dst(%dma_wait3A_246 : memref<8x8x128xf32, #tpu.memory_space<hbm>>)
      } else {
      }
      %parallel_loop3A_179 = arith.constant 0 : i32
      %parallel_loop3A_180 = arith.constant 128 : i32
      %parallel_loop3A_181 = arith.constant 1 : i32
      %parallel_loop3A_182 = arith.constant 1 : i32
      %parallel_loop3A_183 = arith.constant 1 : i32
      scf.for %parallel_loop3A_225 = %parallel_loop3A_179 to %parallel_loop3A_180 step %parallel_loop3A_181  : i32 {
        %parallel_loop3A_226 = arith.constant 0 : i32
        %parallel_loop3A_227 = vector.broadcast %parallel_loop3A_226 : i32 to vector<16xi32>
        %parallel_loop3A_228 = vector.broadcast %parallel_loop3A_225 : i32 to vector<16xi32>
        %parallel_loop3A_229 = arith.addi %parallel_loop3A_227, %parallel_loop3A_228 : vector<16xi32>
        %parallel_loop3A_230 = arith.constant 0 : i32
        %parallel_loop3A_231 = vector.broadcast %parallel_loop3A_230 : i32 to vector<16xi32>
        %parallel_loop3A_232 = arith.addi %iota3A, %parallel_loop3A_231 : vector<16xi32>
        %parallel_loop3A_233 = arith.constant 3 : i32
        %parallel_loop3A_234 = vector.broadcast %parallel_loop3A_233 : i32 to vector<16xi32>
        %parallel_loop3A_235 = arith.shrui %parallel_loop3A_232, %parallel_loop3A_234 : vector<16xi32>
        %parallel_loop3A_236 = arith.constant 0 : i32
        %parallel_loop3A_237 = vector.broadcast %parallel_loop3A_236 : i32 to vector<16xi32>
        %parallel_loop3A_238 = arith.addi %iota3A, %parallel_loop3A_237 : vector<16xi32>
        %parallel_loop3A_239 = arith.constant 7 : i32
        %parallel_loop3A_240 = vector.broadcast %parallel_loop3A_239 : i32 to vector<16xi32>
        %parallel_loop3A_241 = arith.andi %parallel_loop3A_238, %parallel_loop3A_240 : vector<16xi32>
        %parallel_loop3A_242 = arith.constant 0 : i32
        %parallel_loop3A_243 = arith.constant 0 : i32
        %parallel_loop3A_244 = tpu.memref_slice %arg6[%parallel_loop3A_182, %parallel_loop3A_242, %parallel_loop3A_243] : memref<2x128x64xf32, #tpu.memory_space<vmem>> -> memref<1x128x64xf32, #tpu.memory_space<vmem>>
        %parallel_loop3A_245 = tpu.memref_squeeze %parallel_loop3A_244 : memref<1x128x64xf32, #tpu.memory_space<vmem>> -> memref<128x64xf32, #tpu.memory_space<vmem>>
        %parallel_loop3A_246 = arith.index_cast %parallel_loop3A_225 : i32 to index
        %parallel_loop3A_247 = arith.constant 0 : index
        %parallel_loop3A_248 = tpu.vector_load %parallel_loop3A_245[%parallel_loop3A_246, %parallel_loop3A_247] {strides = array<i32>} : memref<128x64xf32, #tpu.memory_space<vmem>>, vector<16xf32>,
        %parallel_loop3A_249 = arith.constant 0 : i32
        %parallel_loop3A_250 = arith.constant 0 : i32
        %parallel_loop3A_251 = arith.constant 0 : i32
        %parallel_loop3A_252 = tpu.memref_slice %arg7[%parallel_loop3A_183, %parallel_loop3A_249, %parallel_loop3A_250, %parallel_loop3A_251] : memref<2x8x8x129xf32, #tpu.memory_space<vmem>> -> memref<1x8x8x129xf32, #tpu.memory_space<vmem>>
        %parallel_loop3A_253 = tpu.memref_squeeze %parallel_loop3A_252 : memref<1x8x8x129xf32, #tpu.memory_space<vmem>> -> memref<8x8x129xf32, #tpu.memory_space<vmem>>
        tpu.vector_store_idx %parallel_loop3A_253[%parallel_loop3A_235, %parallel_loop3A_241, %parallel_loop3A_229], %parallel_loop3A_248 : memref<8x8x129xf32, #tpu.memory_space<vmem>>[vector<16xi32>, vector<16xi32>, vector<16xi32>], vector<16xf32>,
        %parallel_loop3A_254 = arith.constant 16 : i32
        %parallel_loop3A_255 = vector.broadcast %parallel_loop3A_254 : i32 to vector<16xi32>
        %parallel_loop3A_256 = arith.addi %iota3A, %parallel_loop3A_255 : vector<16xi32>
        %parallel_loop3A_257 = arith.constant 3 : i32
        %parallel_loop3A_258 = vector.broadcast %parallel_loop3A_257 : i32 to vector<16xi32>
        %parallel_loop3A_259 = arith.shrui %parallel_loop3A_256, %parallel_loop3A_258 : vector<16xi32>
        %parallel_loop3A_260 = arith.constant 16 : i32
        %parallel_loop3A_261 = vector.broadcast %parallel_loop3A_260 : i32 to vector<16xi32>
        %parallel_loop3A_262 = arith.addi %iota3A, %parallel_loop3A_261 : vector<16xi32>
        %parallel_loop3A_263 = arith.constant 7 : i32
        %parallel_loop3A_264 = vector.broadcast %parallel_loop3A_263 : i32 to vector<16xi32>
        %parallel_loop3A_265 = arith.andi %parallel_loop3A_262, %parallel_loop3A_264 : vector<16xi32>
        %parallel_loop3A_266 = arith.constant 0 : i32
        %parallel_loop3A_267 = arith.constant 0 : i32
        %parallel_loop3A_268 = tpu.memref_slice %arg6[%parallel_loop3A_182, %parallel_loop3A_266, %parallel_loop3A_267] : memref<2x128x64xf32, #tpu.memory_space<vmem>> -> memref<1x128x64xf32, #tpu.memory_space<vmem>>
        %parallel_loop3A_269 = tpu.memref_squeeze %parallel_loop3A_268 : memref<1x128x64xf32, #tpu.memory_space<vmem>> -> memref<128x64xf32, #tpu.memory_space<vmem>>
        %parallel_loop3A_270 = arith.index_cast %parallel_loop3A_225 : i32 to index
        %parallel_loop3A_271 = arith.constant 16 : index
        %parallel_loop3A_272 = tpu.vector_load %parallel_loop3A_269[%parallel_loop3A_270, %parallel_loop3A_271] {strides = array<i32>} : memref<128x64xf32, #tpu.memory_space<vmem>>, vector<16xf32>,
        %parallel_loop3A_273 = arith.constant 0 : i32
        %parallel_loop3A_274 = arith.constant 0 : i32
        %parallel_loop3A_275 = arith.constant 0 : i32
        %parallel_loop3A_276 = tpu.memref_slice %arg7[%parallel_loop3A_183, %parallel_loop3A_273, %parallel_loop3A_274, %parallel_loop3A_275] : memref<2x8x8x129xf32, #tpu.memory_space<vmem>> -> memref<1x8x8x129xf32, #tpu.memory_space<vmem>>
        %parallel_loop3A_277 = tpu.memref_squeeze %parallel_loop3A_276 : memref<1x8x8x129xf32, #tpu.memory_space<vmem>> -> memref<8x8x129xf32, #tpu.memory_space<vmem>>
        tpu.vector_store_idx %parallel_loop3A_277[%parallel_loop3A_259, %parallel_loop3A_265, %parallel_loop3A_229], %parallel_loop3A_272 : memref<8x8x129xf32, #tpu.memory_space<vmem>>[vector<16xi32>, vector<16xi32>, vector<16xi32>], vector<16xf32>,
        %parallel_loop3A_278 = arith.constant 32 : i32
        %parallel_loop3A_279 = vector.broadcast %parallel_loop3A_278 : i32 to vector<16xi32>
        %parallel_loop3A_280 = arith.addi %iota3A, %parallel_loop3A_279 : vector<16xi32>
        %parallel_loop3A_281 = arith.constant 3 : i32
        %parallel_loop3A_282 = vector.broadcast %parallel_loop3A_281 : i32 to vector<16xi32>
        %parallel_loop3A_283 = arith.shrui %parallel_loop3A_280, %parallel_loop3A_282 : vector<16xi32>
        %parallel_loop3A_284 = arith.constant 32 : i32
        %parallel_loop3A_285 = vector.broadcast %parallel_loop3A_284 : i32 to vector<16xi32>
        %parallel_loop3A_286 = arith.addi %iota3A, %parallel_loop3A_285 : vector<16xi32>
        %parallel_loop3A_287 = arith.constant 7 : i32
        %parallel_loop3A_288 = vector.broadcast %parallel_loop3A_287 : i32 to vector<16xi32>
        %parallel_loop3A_289 = arith.andi %parallel_loop3A_286, %parallel_loop3A_288 : vector<16xi32>
        %parallel_loop3A_290 = arith.constant 0 : i32
        %parallel_loop3A_291 = arith.constant 0 : i32
        %parallel_loop3A_292 = tpu.memref_slice %arg6[%parallel_loop3A_182, %parallel_loop3A_290, %parallel_loop3A_291] : memref<2x128x64xf32, #tpu.memory_space<vmem>> -> memref<1x128x64xf32, #tpu.memory_space<vmem>>
        %parallel_loop3A_293 = tpu.memref_squeeze %parallel_loop3A_292 : memref<1x128x64xf32, #tpu.memory_space<vmem>> -> memref<128x64xf32, #tpu.memory_space<vmem>>
        %parallel_loop3A_294 = arith.index_cast %parallel_loop3A_225 : i32 to index
        %parallel_loop3A_295 = arith.constant 32 : index
        %parallel_loop3A_296 = tpu.vector_load %parallel_loop3A_293[%parallel_loop3A_294, %parallel_loop3A_295] {strides = array<i32>} : memref<128x64xf32, #tpu.memory_space<vmem>>, vector<16xf32>,
        %parallel_loop3A_297 = arith.constant 0 : i32
        %parallel_loop3A_298 = arith.constant 0 : i32
        %parallel_loop3A_299 = arith.constant 0 : i32
        %parallel_loop3A_300 = tpu.memref_slice %arg7[%parallel_loop3A_183, %parallel_loop3A_297, %parallel_loop3A_298, %parallel_loop3A_299] : memref<2x8x8x129xf32, #tpu.memory_space<vmem>> -> memref<1x8x8x129xf32, #tpu.memory_space<vmem>>
        %parallel_loop3A_301 = tpu.memref_squeeze %parallel_loop3A_300 : memref<1x8x8x129xf32, #tpu.memory_space<vmem>> -> memref<8x8x129xf32, #tpu.memory_space<vmem>>
        tpu.vector_store_idx %parallel_loop3A_301[%parallel_loop3A_283, %parallel_loop3A_289, %parallel_loop3A_229], %parallel_loop3A_296 : memref<8x8x129xf32, #tpu.memory_space<vmem>>[vector<16xi32>, vector<16xi32>, vector<16xi32>], vector<16xf32>,
        %parallel_loop3A_302 = arith.constant 48 : i32
        %parallel_loop3A_303 = vector.broadcast %parallel_loop3A_302 : i32 to vector<16xi32>
        %parallel_loop3A_304 = arith.addi %iota3A, %parallel_loop3A_303 : vector<16xi32>
        %parallel_loop3A_305 = arith.constant 3 : i32
        %parallel_loop3A_306 = vector.broadcast %parallel_loop3A_305 : i32 to vector<16xi32>
        %parallel_loop3A_307 = arith.shrui %parallel_loop3A_304, %parallel_loop3A_306 : vector<16xi32>
        %parallel_loop3A_308 = arith.constant 48 : i32
        %parallel_loop3A_309 = vector.broadcast %parallel_loop3A_308 : i32 to vector<16xi32>
        %parallel_loop3A_310 = arith.addi %iota3A, %parallel_loop3A_309 : vector<16xi32>
        %parallel_loop3A_311 = arith.constant 7 : i32
        %parallel_loop3A_312 = vector.broadcast %parallel_loop3A_311 : i32 to vector<16xi32>
        %parallel_loop3A_313 = arith.andi %parallel_loop3A_310, %parallel_loop3A_312 : vector<16xi32>
        %parallel_loop3A_314 = arith.constant 0 : i32
        %parallel_loop3A_315 = arith.constant 0 : i32
        %parallel_loop3A_316 = tpu.memref_slice %arg6[%parallel_loop3A_182, %parallel_loop3A_314, %parallel_loop3A_315] : memref<2x128x64xf32, #tpu.memory_space<vmem>> -> memref<1x128x64xf32, #tpu.memory_space<vmem>>
        %parallel_loop3A_317 = tpu.memref_squeeze %parallel_loop3A_316 : memref<1x128x64xf32, #tpu.memory_space<vmem>> -> memref<128x64xf32, #tpu.memory_space<vmem>>
        %parallel_loop3A_318 = arith.index_cast %parallel_loop3A_225 : i32 to index
        %parallel_loop3A_319 = arith.constant 48 : index
        %parallel_loop3A_320 = tpu.vector_load %parallel_loop3A_317[%parallel_loop3A_318, %parallel_loop3A_319] {strides = array<i32>} : memref<128x64xf32, #tpu.memory_space<vmem>>, vector<16xf32>,
        %parallel_loop3A_321 = arith.constant 0 : i32
        %parallel_loop3A_322 = arith.constant 0 : i32
        %parallel_loop3A_323 = arith.constant 0 : i32
        %parallel_loop3A_324 = tpu.memref_slice %arg7[%parallel_loop3A_183, %parallel_loop3A_321, %parallel_loop3A_322, %parallel_loop3A_323] : memref<2x8x8x129xf32, #tpu.memory_space<vmem>> -> memref<1x8x8x129xf32, #tpu.memory_space<vmem>>
        %parallel_loop3A_325 = tpu.memref_squeeze %parallel_loop3A_324 : memref<1x8x8x129xf32, #tpu.memory_space<vmem>> -> memref<8x8x129xf32, #tpu.memory_space<vmem>>
        tpu.vector_store_idx %parallel_loop3A_325[%parallel_loop3A_307, %parallel_loop3A_313, %parallel_loop3A_229], %parallel_loop3A_320 : memref<8x8x129xf32, #tpu.memory_space<vmem>>[vector<16xi32>, vector<16xi32>, vector<16xi32>], vector<16xf32>,
      } {sc.loop_unroll_factor = 8 : i64, sc.parallel_access}
      %lt3A_184 = arith.constant 99 : i32
      %lt3A_185 = arith.cmpi slt, %scan3A_91, %lt3A_184 : i32
      %convert_element_type3A_186 = arith.extui %lt3A_185 : i1 to i32
      %cond3A_187 = arith.constant 0 : i32
      %cond3A_188 = arith.cmpi ne, %convert_element_type3A_186, %cond3A_187 : i32
      scf.if %cond3A_188 {
        %add3A_225 = arith.constant 2 : i32
        %add3A_226 = arith.addi %add3A_158, %add3A_225 : i32
        %dma_start3A_227 = arith.constant 1 : i32
        %dma_start3A_228 = arith.constant 0 : i32
        %dma_start3A_229 = arith.constant 0 : i32
        %dma_start3A_230 = tpu.memref_slice %arg6[%dma_start3A_227, %dma_start3A_228, %dma_start3A_229] : memref<2x128x64xf32, #tpu.memory_space<vmem>> -> memref<1x128x64xf32, #tpu.memory_space<vmem>>
        %dma_start3A_231 = tpu.memref_squeeze %dma_start3A_230 : memref<1x128x64xf32, #tpu.memory_space<vmem>> -> memref<128x64xf32, #tpu.memory_space<vmem>>
        %dma_start3A_232 = arith.constant 0 : i32
        %dma_start3A_233 = tpu.memref_slice %arg5[%add3A_226, %dma_start3A_232] : memref<200x128xi32, #tpu.memory_space<vmem>> -> memref<1x128xi32, #tpu.memory_space<vmem>>
        %dma_start3A_234 = tpu.memref_squeeze %dma_start3A_233 : memref<1x128xi32, #tpu.memory_space<vmem>> -> memref<128xi32, #tpu.memory_space<vmem>>
        %dma_start3A_235 = arith.constant 0 : i32
        %dma_start3A_236 = arith.constant 0 : i32
        %dma_start3A_237 = tpu.memref_slice %arg3[%dma_start3A_235, %dma_start3A_236] : memref<1000064x64xf32, #tpu.memory_space<hbm>> -> memref<1000064x64xf32, #tpu.memory_space<hbm>>
        tpu.enqueue_indirect_dma source(%dma_start3A_237 : memref<1000064x64xf32, #tpu.memory_space<hbm>>) target(%dma_start3A_231 : memref<128x64xf32, #tpu.memory_space<vmem>>) offsets(%dma_start3A_234 : memref<128xi32, #tpu.memory_space<vmem>>) semaphore(%arg9 : memref<!tpu.dma_semaphore, #tpu.memory_space<semaphore_mem>>)
      } else {
      }
      %mul3A_189 = arith.constant 200 : i32
      %mul3A_190 = arith.muli %add3A, %mul3A_189 : i32
      %add3A_191 = arith.addi %mul3A_190, %add3A_158 : i32
      %shift_right_logical3A_192 = arith.constant 7 : i32
      %shift_right_logical3A_193 = arith.shrui %add3A_191, %shift_right_logical3A_192 : i32
      %and3A_194 = arith.constant 127 : i32
      %and3A_195 = arith.andi %add3A_191, %and3A_194 : i32
      %dma_start3A_196 = arith.constant 1 : i32
      %dma_start3A_197 = arith.constant 0 : i32
      %dma_start3A_198 = arith.constant 0 : i32
      %dma_start3A_199 = arith.constant 0 : i32
      %dma_start3A_200 = tpu.memref_slice %arg7[%dma_start3A_196, %dma_start3A_197, %dma_start3A_198, %dma_start3A_199] : memref<2x8x8x129xf32, #tpu.memory_space<vmem>> -> memref<1x8x8x129xf32, #tpu.memory_space<vmem>>
      %dma_start3A_201 = tpu.memref_squeeze %dma_start3A_200 : memref<1x8x8x129xf32, #tpu.memory_space<vmem>> -> memref<8x8x129xf32, #tpu.memory_space<vmem>>
      %dma_start3A_202 = arith.constant 0 : i32
      %dma_start3A_203 = arith.constant 0 : i32
      %dma_start3A_204 = arith.constant 0 : i32
      %dma_start3A_205 = tpu.memref_slice %dma_start3A_201[%dma_start3A_202, %dma_start3A_203, %dma_start3A_204] : memref<8x8x129xf32, #tpu.memory_space<vmem>> -> memref<8x8x128xf32, #tpu.memory_space<vmem>>
      %dma_start3A_206 = arith.constant 0 : i32
      %dma_start3A_207 = arith.constant 0 : i32
      %dma_start3A_208 = arith.constant 0 : i32
      %dma_start3A_209 = tpu.memref_slice %arg4[%shift_right_logical3A_193, %dma_start3A_206, %and3A_195, %dma_start3A_207, %dma_start3A_208] : memref<50x8x128x8x128xf32, #tpu.memory_space<hbm>> -> memref<1x8x1x8x128xf32, #tpu.memory_space<hbm>>
      %dma_start3A_210 = tpu.memref_squeeze %dma_start3A_209 : memref<1x8x1x8x128xf32, #tpu.memory_space<hbm>> -> memref<8x8x128xf32, #tpu.memory_space<hbm>>
      %dma_start3A_211 = arith.constant 0 : i32
      %dma_start3A_212 = arith.constant 0 : i32
      %dma_start3A_213 = arith.constant 0 : i32
      %dma_start3A_214 = tpu.memref_slice %arg4[%shift_right_logical3A_193, %dma_start3A_211, %and3A_195, %dma_start3A_212, %dma_start3A_213] : memref<50x8x128x8x128xf32, #tpu.memory_space<hbm>> -> memref<1x8x1x8x128xf32, #tpu.memory_space<hbm>>
      %dma_start3A_215 = tpu.memref_squeeze %dma_start3A_214 : memref<1x8x1x8x128xf32, #tpu.memory_space<hbm>> -> memref<8x8x128xf32, #tpu.memory_space<hbm>>
      %dma_start3A_216 = arith.constant 0 : i32
      %dma_start3A_217 = arith.constant 0 : i32
      %dma_start3A_218 = arith.constant 0 : i32
      %dma_start3A_219 = tpu.memref_slice %arg7[%dma_start3A_196, %dma_start3A_216, %dma_start3A_217, %dma_start3A_218] : memref<2x8x8x129xf32, #tpu.memory_space<vmem>> -> memref<1x8x8x129xf32, #tpu.memory_space<vmem>>
      %dma_start3A_220 = tpu.memref_squeeze %dma_start3A_219 : memref<1x8x8x129xf32, #tpu.memory_space<vmem>> -> memref<8x8x129xf32, #tpu.memory_space<vmem>>
      %dma_start3A_221 = arith.constant 0 : i32
      %dma_start3A_222 = arith.constant 0 : i32
      %dma_start3A_223 = arith.constant 0 : i32
      %dma_start3A_224 = tpu.memref_slice %dma_start3A_220[%dma_start3A_221, %dma_start3A_222, %dma_start3A_223] : memref<8x8x129xf32, #tpu.memory_space<vmem>> -> memref<8x8x128xf32, #tpu.memory_space<vmem>>
      tpu.enqueue_dma source(%dma_start3A_224 : memref<8x8x128xf32, #tpu.memory_space<vmem>>) target(%dma_start3A_215 : memref<8x8x128xf32, #tpu.memory_space<hbm>>) target_semaphore(%arg11 : memref<!tpu.dma_semaphore, #tpu.memory_space<semaphore_mem>>)
    }
    %scan3A_29 = arith.constant 100 : i32
    %dma_wait3A = arith.constant 0 : i32
    %dma_wait3A_30 = arith.constant 0 : i32
    %dma_wait3A_31 = arith.constant 0 : i32
    %dma_wait3A_32 = arith.constant 0 : i32
    %dma_wait3A_33 = arith.constant 0 : i32
    %dma_wait3A_34 = arith.constant 0 : i32
    %dma_wait3A_35 = tpu.memref_slice %arg7[%dma_wait3A, %dma_wait3A_32, %dma_wait3A_33, %dma_wait3A_34] : memref<2x8x8x129xf32, #tpu.memory_space<vmem>> -> memref<1x8x8x129xf32, #tpu.memory_space<vmem>>
    %dma_wait3A_36 = tpu.memref_squeeze %dma_wait3A_35 : memref<1x8x8x129xf32, #tpu.memory_space<vmem>> -> memref<8x8x129xf32, #tpu.memory_space<vmem>>
    %dma_wait3A_37 = arith.constant 0 : i32
    %dma_wait3A_38 = arith.constant 0 : i32
    %dma_wait3A_39 = arith.constant 0 : i32
    %dma_wait3A_40 = tpu.memref_slice %dma_wait3A_36[%dma_wait3A_37, %dma_wait3A_38, %dma_wait3A_39] : memref<8x8x129xf32, #tpu.memory_space<vmem>> -> memref<8x8x128xf32, #tpu.memory_space<vmem>>
    %dma_wait3A_41 = arith.constant 0 : i32
    %dma_wait3A_42 = arith.constant 0 : i32
    %dma_wait3A_43 = arith.constant 0 : i32
    %dma_wait3A_44 = tpu.memref_slice %arg4[%dma_wait3A_30, %dma_wait3A_41, %dma_wait3A_31, %dma_wait3A_42, %dma_wait3A_43] : memref<50x8x128x8x128xf32, #tpu.memory_space<hbm>> -> memref<1x8x1x8x128xf32, #tpu.memory_space<hbm>>
    %dma_wait3A_45 = tpu.memref_squeeze %dma_wait3A_44 : memref<1x8x1x8x128xf32, #tpu.memory_space<hbm>> -> memref<8x8x128xf32, #tpu.memory_space<hbm>>
    %dma_wait3A_46 = arith.constant 0 : i32
    %dma_wait3A_47 = arith.constant 0 : i32
    %dma_wait3A_48 = arith.constant 0 : i32
    %dma_wait3A_49 = tpu.memref_slice %arg4[%dma_wait3A_30, %dma_wait3A_46, %dma_wait3A_31, %dma_wait3A_47, %dma_wait3A_48] : memref<50x8x128x8x128xf32, #tpu.memory_space<hbm>> -> memref<1x8x1x8x128xf32, #tpu.memory_space<hbm>>
    %dma_wait3A_50 = tpu.memref_squeeze %dma_wait3A_49 : memref<1x8x1x8x128xf32, #tpu.memory_space<hbm>> -> memref<8x8x128xf32, #tpu.memory_space<hbm>>
    %dma_wait3A_51 = arith.constant 0 : i32
    %dma_wait3A_52 = arith.constant 0 : i32
    %dma_wait3A_53 = arith.constant 0 : i32
    %dma_wait3A_54 = tpu.memref_slice %arg7[%dma_wait3A, %dma_wait3A_51, %dma_wait3A_52, %dma_wait3A_53] : memref<2x8x8x129xf32, #tpu.memory_space<vmem>> -> memref<1x8x8x129xf32, #tpu.memory_space<vmem>>
    %dma_wait3A_55 = tpu.memref_squeeze %dma_wait3A_54 : memref<1x8x8x129xf32, #tpu.memory_space<vmem>> -> memref<8x8x129xf32, #tpu.memory_space<vmem>>
    %dma_wait3A_56 = arith.constant 0 : i32
    %dma_wait3A_57 = arith.constant 0 : i32
    %dma_wait3A_58 = arith.constant 0 : i32
    %dma_wait3A_59 = tpu.memref_slice %dma_wait3A_55[%dma_wait3A_56, %dma_wait3A_57, %dma_wait3A_58] : memref<8x8x129xf32, #tpu.memory_space<vmem>> -> memref<8x8x128xf32, #tpu.memory_space<vmem>>
    tpu.wait_dma2 semaphore(%arg10 : memref<!tpu.dma_semaphore, #tpu.memory_space<semaphore_mem>>) src(%dma_wait3A_59 : memref<8x8x128xf32, #tpu.memory_space<vmem>>) dst(%dma_wait3A_50 : memref<8x8x128xf32, #tpu.memory_space<hbm>>)
    %dma_wait3A_60 = arith.constant 1 : i32
    %dma_wait3A_61 = arith.constant 0 : i32
    %dma_wait3A_62 = arith.constant 0 : i32
    %dma_wait3A_63 = arith.constant 0 : i32
    %dma_wait3A_64 = arith.constant 0 : i32
    %dma_wait3A_65 = arith.constant 0 : i32
    %dma_wait3A_66 = tpu.memref_slice %arg7[%dma_wait3A_60, %dma_wait3A_63, %dma_wait3A_64, %dma_wait3A_65] : memref<2x8x8x129xf32, #tpu.memory_space<vmem>> -> memref<1x8x8x129xf32, #tpu.memory_space<vmem>>
    %dma_wait3A_67 = tpu.memref_squeeze %dma_wait3A_66 : memref<1x8x8x129xf32, #tpu.memory_space<vmem>> -> memref<8x8x129xf32, #tpu.memory_space<vmem>>
    %dma_wait3A_68 = arith.constant 0 : i32
    %dma_wait3A_69 = arith.constant 0 : i32
    %dma_wait3A_70 = arith.constant 0 : i32
    %dma_wait3A_71 = tpu.memref_slice %dma_wait3A_67[%dma_wait3A_68, %dma_wait3A_69, %dma_wait3A_70] : memref<8x8x129xf32, #tpu.memory_space<vmem>> -> memref<8x8x128xf32, #tpu.memory_space<vmem>>
    %dma_wait3A_72 = arith.constant 0 : i32
    %dma_wait3A_73 = arith.constant 0 : i32
    %dma_wait3A_74 = arith.constant 0 : i32
    %dma_wait3A_75 = tpu.memref_slice %arg4[%dma_wait3A_61, %dma_wait3A_72, %dma_wait3A_62, %dma_wait3A_73, %dma_wait3A_74] : memref<50x8x128x8x128xf32, #tpu.memory_space<hbm>> -> memref<1x8x1x8x128xf32, #tpu.memory_space<hbm>>
    %dma_wait3A_76 = tpu.memref_squeeze %dma_wait3A_75 : memref<1x8x1x8x128xf32, #tpu.memory_space<hbm>> -> memref<8x8x128xf32, #tpu.memory_space<hbm>>
    %dma_wait3A_77 = arith.constant 0 : i32
    %dma_wait3A_78 = arith.constant 0 : i32
    %dma_wait3A_79 = arith.constant 0 : i32
    %dma_wait3A_80 = tpu.memref_slice %arg4[%dma_wait3A_61, %dma_wait3A_77, %dma_wait3A_62, %dma_wait3A_78, %dma_wait3A_79] : memref<50x8x128x8x128xf32, #tpu.memory_space<hbm>> -> memref<1x8x1x8x128xf32, #tpu.memory_space<hbm>>
    %dma_wait3A_81 = tpu.memref_squeeze %dma_wait3A_80 : memref<1x8x1x8x128xf32, #tpu.memory_space<hbm>> -> memref<8x8x128xf32, #tpu.memory_space<hbm>>
    %dma_wait3A_82 = arith.constant 0 : i32
    %dma_wait3A_83 = arith.constant 0 : i32
    %dma_wait3A_84 = arith.constant 0 : i32
    %dma_wait3A_85 = tpu.memref_slice %arg7[%dma_wait3A_60, %dma_wait3A_82, %dma_wait3A_83, %dma_wait3A_84] : memref<2x8x8x129xf32, #tpu.memory_space<vmem>> -> memref<1x8x8x129xf32, #tpu.memory_space<vmem>>
    %dma_wait3A_86 = tpu.memref_squeeze %dma_wait3A_85 : memref<1x8x8x129xf32, #tpu.memory_space<vmem>> -> memref<8x8x129xf32, #tpu.memory_space<vmem>>
    %dma_wait3A_87 = arith.constant 0 : i32
    %dma_wait3A_88 = arith.constant 0 : i32
    %dma_wait3A_89 = arith.constant 0 : i32
    %dma_wait3A_90 = tpu.memref_slice %dma_wait3A_86[%dma_wait3A_87, %dma_wait3A_88, %dma_wait3A_89] : memref<8x8x129xf32, #tpu.memory_space<vmem>> -> memref<8x8x128xf32, #tpu.memory_space<vmem>>
    tpu.wait_dma2 semaphore(%arg11 : memref<!tpu.dma_semaphore, #tpu.memory_space<semaphore_mem>>) src(%dma_wait3A_90 : memref<8x8x128xf32, #tpu.memory_space<vmem>>) dst(%dma_wait3A_81 : memref<8x8x128xf32, #tpu.memory_space<hbm>>)
    return
  }
}

</mosaic_0001>

<sc_bundles>
// kernel: kernel.4.cloned.1.call-start
scs
__scs_entry_jumppad:
0x0: {  	(pc) =	sbr.rel $0x88, $3  }
0x1: {  	(tag) =	ssettag $0x0;
	lr =	simm.s32 $0x1  }
0x2: {  	[smem:$0x3F9F] =	sst lr;
	_ =	strace $0xD0000000  }
0x3: {  	_ = 	snop  }
0x4: {  	_ = 	snop  }
0x5: {  	_ = 	snop  }
0x6: {  	_ = 	snop  }
0x7: {  	_ = 	snop  }
__scs_overlays_trampoline_lowered:
0x8: {  	[smem:$0x3FAE] =	sst s0  }
0x9: {  	[smem:$0x3FAF] =	sst s1  }
0xa: {  	[smem:$0x3FB0] =	sst s2  }
0xb: {  	[smem:$0x3FB1] =	sst s3  }
0xc: {  	[smem:$0x3FB2] =	sst s4  }
0xd: {  	[smem:$0x3FB3] =	sst s5  }
0xe: {  	[smem:$0x3FB4] =	sst s6  }
0xf: {  	[smem:$0x3FB5] =	sst s7  }
0x10: {  	[smem:$0x3FB6] =	sst s8  }
0x11: {  	[smem:$0x3FB7] =	sst s9;
	s0 =	simm.s32 @!p0 $0x0  }
0x12: {  	s1 =	sld [smem:$0x3F9D];
	s0 =	simm.s32 @p0 $0x1  }
0x13: {  	[smem:$0x3FB8] =	sst s0;
	s0 =	simm.s32 @!p1 $0x0  }
0x14: {  	s2 =	sld [smem:$0x3F9C];
	s0 =	simm.s32 @p1 $0x1  }
0x15: {  	[smem:$0x3FB9] =	sst s0;
	s0 =	simm.s32 @!p2 $0x0  }
0x16: {  	s3 =	sld [smem:$0x3FDB];
	s0 =	simm.s32 @p2 $0x1  }
0x17: {  	s4 =	simm.s32 $0x1BF5;
	[smem:$0x3FBB] =	sst s0  }
0x18: {  	s0 =	sld [smem:$0x3F9E];
	_ =	swait.ge [sflag:s4], $0x0  }
0x19: {  	s7 =	sld [smem:$0x3F9F]  }
0x1a: {  	s8 =	sadd.s32 $0xFFFFE003, lr  }
0x1b: {  	s9 =	sadd.s32 $0xFFFFFEF7, lr;
	s5 =	simm.s32 $0xFFFFFFFF;
	p2 =	slt.u32 s8, $0xFFFFF086  }
0x1c: {  	p1 =	slt.u32 s9, $0xF7A;
	s5 =	simm.s32 @!p2 $0x0  }
0x1d: {  	s5 =	simm.s32 @p1 $0x1;
	p0 =	seq.s32 s7, s2  }
0x1e: {  	s7 =	smul.u32 @!p0 $0xF7A, s2;
	p2 =	seq.s32 @!p0 s5, $0x0  }
0x1f: {  	s9 =	smul.u32 $0xF7A, s1;
	s8 =	simm.s32 @!p0 $0x1BF5;
	p2 =	por !p2, p0  }
0x20: {  	[sflag:s8] =	ssyncset.s32 @!p0 $0xFFFFF086;
	s6 =	sadd.s32 @!p0 s3, s7;
	s7 =	simm.s32 @!p0 $0x108  }
0x21: {  	s3 =	sadd.s32 s3, s9;
	s6 =	sadd.s32 @!p0 $0x88, s6;
	s7 =	simm.s32 @p2 $0x1082  }
0x22: {  	[simem:s7], [sflag:s8] =	dma.local @!p0 [hbm:s6], $0xF7A  }
0x23: {  	s9 =	sor.u32 $0xD0000000, s2;
	s6 =	simm.s32 $0x108;
	_ =	swait.ge @!p0 [sflag:s8], $0x0  }
0x24: {  	s3 =	sadd.s32 $0x88, s3;
	s6 =	simm.s32 @!p1 $0x1082;
	[sflag:s4] =	ssyncset.s32 $0xFFFFF086  }
0x25: {  	[simem:s6], [sflag:s4] =	dma.local [hbm:s3], $0xF7A  }
0x26: {  	[smem:$0x3F9F] =	sst s1;
	(tag) =	ssettag s2;
	_ =	strace s9  }
0x27: {  	s1 =	sld [smem:$0x3FAF]  }
0x28: {  	s2 =	sld [smem:$0x3FB0]  }
0x29: {  	s4 =	sld [smem:$0x3FB2]  }
0x2a: {  	p0 =	seq.s32 s5, $0x0;
	s5 =	sld [smem:$0x3FB3]  }
0x2b: {  	s6 =	sld [smem:$0x3FB4]  }
0x2c: {  	s7 =	sld [smem:$0x3FB5]  }
0x2d: {  	s3 =	simm.s32 $0x108;
	s8 =	sld [smem:$0x3FB6]  }
0x2e: {  	s3 =	simm.s32 @!p0 $0x1082;
	s9 =	sld [smem:$0x3FB7]  }
0x2f: {  	lr =	sadd.s32 s0, s3;
	s0 =	sld [smem:$0x3FAE]  }
0x30: {  	s3 =	sld [smem:$0x3FB1]  }
0x31: {  	[smem:$0x3FBA] =	sst s10  }
0x32: {  	s10 =	sld [smem:$0x3FB8];
	_ =	sdelay $0x3  }
0x33: {  	p0 =	seq.s32 s10, $0x1;
	s10 =	sld [smem:$0x3FBA];
	_ =	sdelay $0x3  }
0x34: {  	[smem:$0x3FBA] =	sst s10  }
0x35: {  	s10 =	sld [smem:$0x3FB9];
	_ =	sdelay $0x3  }
0x36: {  	p1 =	seq.s32 s10, $0x1;
	s10 =	sld [smem:$0x3FBA];
	_ =	sdelay $0x3  }
0x37: {  	[smem:$0x3FBA] =	sst s10  }
0x38: {  	s10 =	sld [smem:$0x3FBB]  }
0x39: {  	_ = 	snop;
	(pc) =	sbr.ind lr, $3  }
0x3a: {  	_ = 	snop  }
0x3b: {  	_ = 	snop  }
0x3c: {  	p2 =	seq.s32 s10, $0x1;
	s10 =	sld [smem:$0x3FBA]  }
0x3d: {  	_ =	shalt  }
0x3e: {  	_ =	shalt  }
0x3f: {  	_ =	shalt  }
0x40: {  	_ =	shalt  }
0x41: {  	_ =	shalt  }
0x42: {  	_ =	shalt  }
0x43: {  	_ =	shalt  }
0x44: {  	_ =	shalt  }
0x45: {  	_ =	shalt  }
0x46: {  	_ =	shalt  }
0x47: {  	_ =	shalt  }
0x48: {  	_ =	shalt  }
0x49: {  	_ =	shalt  }
0x4a: {  	_ =	shalt  }
0x4b: {  	_ =	shalt  }
0x4c: {  	_ =	shalt  }
0x4d: {  	_ =	shalt  }
0x4e: {  	_ =	shalt  }
0x4f: {  	_ =	shalt  }
0x50: {  	_ =	shalt  }
0x51: {  	_ =	shalt  }
0x52: {  	_ =	shalt  }
0x53: {  	_ =	shalt  }
0x54: {  	_ =	shalt  }
0x55: {  	_ =	shalt  }
0x56: {  	_ =	shalt  }
0x57: {  	_ =	shalt  }
0x58: {  	_ =	shalt  }
0x59: {  	_ =	shalt  }
0x5a: {  	_ =	shalt  }
0x5b: {  	_ =	shalt  }
0x5c: {  	_ =	shalt  }
0x5d: {  	_ =	shalt  }
0x5e: {  	_ =	shalt  }
0x5f: {  	_ =	shalt  }
0x60: {  	_ =	shalt  }
0x61: {  	_ =	shalt  }
0x62: {  	_ =	shalt  }
0x63: {  	_ =	shalt  }
0x64: {  	_ =	shalt  }
0x65: {  	_ =	shalt  }
0x66: {  	_ =	shalt  }
0x67: {  	_ =	shalt  }
0x68: {  	_ =	shalt  }
0x69: {  	_ =	shalt  }
0x6a: {  	_ =	shalt  }
0x6b: {  	_ =	shalt  }
0x6c: {  	_ =	shalt  }
0x6d: {  	_ =	shalt  }
0x6e: {  	_ =	shalt  }
0x6f: {  	_ =	shalt  }
0x70: {  	_ =	shalt  }
0x71: {  	_ =	shalt  }
0x72: {  	_ =	shalt  }
0x73: {  	_ =	shalt  }
0x74: {  	_ =	shalt  }
0x75: {  	_ =	shalt  }
0x76: {  	_ =	shalt  }
0x77: {  	_ =	shalt  }
0x78: {  	_ =	shalt  }
0x79: {  	_ =	shalt  }
0x7a: {  	_ =	shalt  }
0x7b: {  	_ =	shalt  }
0x7c: {  	_ =	shalt  }
0x7d: {  	_ =	shalt  }
0x7e: {  	_ =	shalt  }
0x7f: {  	_ =	shalt  }
0x80: {  	_ =	shalt  }
0x81: {  	_ =	shalt  }
0x82: {  	_ =	shalt  }
0x83: {  	_ =	shalt  }
0x84: {  	_ =	shalt  }
0x85: {  	_ =	shalt  }
0x86: {  	_ =	shalt  }
0x87: {  	_ =	shalt  }
.Lfunc_end0:
.L_simem_size_0:
called_computation_lowered:
.L_overlay_start_0:
0x88: {  	s2 =	sld [smem:$0x3FD9]  }
0x89: {  	s3 =	sld [smem:$0x3FFE];
	_ =	sdelay $0x1  }
0x8a: {  	s1 =	srdreg.scid  }
0x8b: {  	s0 =	sand.u32 $0x1, s1  }
0x8c: {  	s17 =	sshll.u32 s0, $0xA;
	s2 =	sadd.s32 s3, s2  }
0x8d: {  	s2 =	sadd.s32 s2, s17  }
0x8e: {  	[smem:$0x3FC6] =	sst s2  }
0x8f: {  	_ = 	snop  }
0x90: {  	s2 =	sld [smem:$0x3FC8];
	(tm) =	ssettm $0x1  }
0x91: {  	s18 =	sld [smem:$0x3FFB];
	_ =	sdelay $0x3  }
0x92: {  	_ =	strace s18  }
0x93: {  	s3 =	sld [smem:$0x3FFC];
	_ =	sdelay $0x3  }
0x94: {  	_ =	strace s3  }
0x95: {  	s3 =	sld [smem:$0x3FFD];
	_ =	sdelay $0x3  }
0x96: {  	_ =	strace s3  }
0x97: {  	_ =	strace $0x8FFFFFFF  }
0x98: {  	s19 =	sld [smem:$0x3FDB];
	_ =	sdelay $0x1  }
0x99: {  	s4 =	simm.s32 $_scs_section_size  }
0x9a: {  	s5 =	simm.s32 $_size__tile_overlayer_lowered;
	s6 =	simm.s32 $_tile_overlayer_lowered  }
0x9b: {  	s22 =	simm.s32 $0x1BFF;
	s21 =	sshll.u32 s6, $0x1;
	s3 =	sadd.s32 s4, s19  }
0x9c: {  	s7 =	simm.s32 $0x0;
	s20 =	sshll.u32 s5, $0x1;
	s5 =	sadd.s32 s21, s3  }
0x9d: {  	[timem:s7], [sflag:s22] =	dma.local [hbm:s5], s20  }
0x9e: {  	_ =	swait.ge [sflag:s22], s20  }
0x9f: {  	s4 =	ssub.s32 $0x0, s20;
	[sflag:s22] =	ssyncset.done $0x0  }
0xa0: {  	[sflag:s22] =	ssyncadd.s32 s4;
	_ =	sdelay $0x1  }
0xa1: {  	s23 =	simm.s32 $0x1B8B  }
0xa2: {  	_ =	swait.ge [sflag:s23], $0x1  }
0xa3: {  	[sflag:s23] =	ssyncset.done $0x0  }
0xa4: {  	s25 =	simm.s32 $0x1B8E;
	s24 =	sld [smem:$0x3FFE];
	[sflag:s23] =	ssyncadd.s32 $0xFFFFFFFF  }
0xa5: {  	s26 =	simm.s32 $execute0_lowered;
	[smem:$0x3FD2] =	sst s25  }
0xa6: {  	s5 =	sshll.u32 s26, $0x1;
	_ =	strace $0x80000046;
	[dreg:$0x1] =	wrdreg $0xFFFFFFFF  }
0xa7: {  	s28 =	simm.s32 $_size_execute0_lowered;
	s3 =	sadd.s32 s3, s5;
	[dreg:$0x0] =	wrdreg $0x0  }
0xa8: {  	s5 =	sshll.u32 s28, $0x1;
	[dreg:$0x2] =	wrdreg s3  }
0xa9: {  	[dreg:$0x3] =	wrdreg s5  }
0xaa: {  	[dreg:$0x4] =	wrdreg $0xC0  }
0xab: {  	_ =	task [dreg:s7], $0x5FFFF  }
0xac: {  	[dreg:$0x1] =	wrdreg $0xFFFFFFFF  }
0xad: {  	[dreg:$0x0] =	wrdreg $0x60  }
0xae: {  	[dreg:$0x2] =	wrdreg s2  }
0xaf: {  	[dreg:$0x3] =	wrdreg s24  }
0xb0: {  	[dreg:$0x4] =	wrdreg $0x9  }
0xb1: {  	_ =	task.clear_ibuf [dreg:s7], $0x5FFFF;
	_ =	strace $0x90000046  }
0xb2: {  	s29 =	simm.s32 $0x9;
	_ =	strace $0x80000048  }
0xb3: {  	_ =	swait.ge [sflag:s29], $0x1  }
0xb4: {  	[sflag:s29] =	ssyncadd.s32 $0xFFFFFFFF  }
0xb5: {  	_ =	strace $0x90000048  }
0xb6: {  	_ =	sfence  }
0xb7: {  	s30 =	sld [smem:$0x0];
	_ =	sdelay $0x2  }
0xb8: {  	s31 =	sshll.u32 s1, $0xD;
	s1 =	sshrl.u32 s1, $0x2  }
0xb9: {  	s3 =	sand.u32 $0x4000, s31;
	s1 =	sadd.s32 s1, s30  }
0xba: {  	s0 =	sor.u32 s3, s0;
	s1 =	sshll.u32 s1, $0x11  }
0xbb: {  	s0 =	sor.u32 s1, s0  }
0xbc: {  	s0 =	sadd.s32 $0x8F2B, s0  }
0xbd: {  	[sflag:s0] =	ssyncadd.remote.s32 $0x1  }
0xbe: {  	_ =	sfence.sel $0xFFFF  }
0xbf: {  	[dreg:$0x0] =	wrdreg $0xFFFFFFFF;
	(pc) =	sbr.abs _section_cstart, $3  }
0xc0: {  	[dreg:$0x1] =	wrdreg $0xFFFFFFFF  }
0xc1: {  	_ =	task.clear_ibuf [dreg:s7], $0x2FFFF;
	_ =	strace $0x9FFFFFFF  }
0xc2: {  	(tm) =	ssettm $0x7FFFFFFF  }
0xc3: {  	_ =	shalt  }
tec
execute0_lowered:
.L_overlay_start_1:
0x0: {  	(tag) =	ssettag $0x1  }
0x1: {  	s2 =	rddreg [dreg:$0x0]  }
0x2: {  	s0 =	rddreg [dreg:$0x1];
	s1 =	srdreg.scid  }
0x3: {  	s3 =	stileid.u32;
	s5 =	simm.s32 $0x0;
	s14 =	simm.s32 $0x1  }
0x4: {  	s15 =	simm.s32 $0x4000;
	s17 =	simm.s32 $0x2;
	s18 =	simm.s32 $0x6180  }
0x5: {  	s1 =	sand.u32 $0x1, s1;
	s4 =	sshll.u32 s3, $0x1;
	[smem:$0x7FF] =	sst s5  }
0x6: {  	s5 =	sadd.s32 $0xA00, s0;
	s3 =	simm.s32 $0x0;
	s4 =	sor.u32 s1, s4  }
.Ltmp0:
0x7: {  	s6 =	ssub.s32 $0x2, s1;
	s7 =	sshll.u32 s4, $0x7;
	(pc) =	sbr.rel .LBB2_1-.Ltmp0, $4  }
0x8: {  	v0 =	vlaneseq.u32;
	_ =	strace $0x80000047;
	s29 =	sshrl.u32 s6, $0x1;
	s31 =	sadd.s32 s2, s7  }
0x9: {  	v0 =	vmul.u32 $0x85, v0;
	s30 =	ssub.s32 s6, s29;
	[dreg:$0x3] =	wrdreg s31;
	s1 =	sadd.s32 $0x1000, s31  }
0xa: {  	s8 =	sor.u32 $0x40, s4;
	s0 =	smax.u32 s30, $0x1;
	[dreg:$0x4] =	wrdreg s1  }
0xb: {  	s9 =	sor.u32 $0x60, s4;
	v1 =	vadd.s32 $0x850, v0;
	v2 =	vadd.s32 $0x10A0, v0;
	v3 =	vadd.s32 $0x18F0, v0;
	p0 =	sgt.u32 s4, $0x4;
	[dreg:$0x5] =	wrdreg s0  }
.LBB2_15:
0xc: {  	s0 =	simm.s32 @!p0 $0x3  }
0xd: {  	_ =	swait.ge @!p0 [sflag:s0], $0x2000  }
0xe: {  	s3 =	rddreg [dreg:$0x6]  }
0xf: {  	s1 =	rddreg [dreg:$0x5];
	s3 =	sadd.s32 $0x1, s3  }
0x10: {  	p1 =	sne.s32 s3, s1  }
.Ltmp1:
0x11: {  	_ = 	snop;
	(pc) =	sbr.rel @!p1 .LBB2_16-.Ltmp1, $3  }
0x12: {  	_ =	sdelay $0x1  }
0x13: {  	[sflag:s0] =	ssyncset.done @!p0 $0x0  }
0x14: {  	[sflag:s0] =	ssyncadd.s32 @!p0 $0xFFFFE000  }
.LBB2_1:
.Ltmp2:
0x15: {  	[dreg:$0x6] =	wrdreg s3;
	s0 =	simm.s32 $0x0;
	(pc) =	sbr.rel .LBB2_2-.Ltmp2, $4  }
0x16: {  	s1 =	rddreg [dreg:$0x3];
	s29 =	simm.s32 $0x400;
	s6 =	simm.s32 $0x7A1400  }
0x17: {  	[tilespmem:s0], [sflag:$0x1] =	stream.strided.gather [hbm4b:s1+s29], $0x2000, s6, s29, $0x38;
	[tilespmem:$0xC300] =	vst v63  }
0x18: {  	s30 =	rddreg [dreg:$0x4];
	s31 =	simm.s32 $0x2000;
	s21 =	simm.s32 $0x0  }
0x19: {  	[tilespmem:s31], [sflag:$0x2] =	stream.strided.gather [hbm4b:s30+s29], $0x2000, s6, s29, $0x38;
	[tilespmem:$0xC300] =	vst v63  }
.LBB2_14:
0x1a: {  	s0 =	sadd.s32 s9, s22  }
0x1b: {  	p1 =	sgt.u32 s0, $0x1E84  }
0x1c: {  	s21 =	sadd.s32 $0x1, s21;
	s0 =	sshll.u32 @!p1 s0, $0x7;
	s1 =	simm.s32 @!p1 $0x400  }
0x1d: {  	s3 =	simm.s32 @!p1 $0x7A1400;
	s6 =	simm.s32 @!p1 $0x2000;
	s0 =	sadd.s32 @!p1 s2, s0  }
0x1e: {  	[tilespmem:s6], [sflag:$0x2] =	stream.strided.gather @!p1 [hbm4b:s0+s1], $0x2000, s3, s1, $0x38;
	[tilespmem:$0xC300] =	vst v63  }
0x1f: {  	p1 =	sne.s32 s21, $0x7B  }
.Ltmp3:
0x20: {  	_ = 	snop;
	(pc) =	sbr.rel @!p1 .LBB2_15-.Ltmp3, $1  }
0x21: {  	_ =	sdelay $0x3  }
.LBB2_2:
0x22: {  	s22 =	sshll.u32 s21, $0x6  }
0x23: {  	s23 =	sor.u32 s4, s22  }
0x24: {  	p2 =	sgt.u32 s23, $0x1E84  }
.Ltmp4:
0x25: {  	_ = 	snop;
	(pc) =	sbr.rel @p2 .LBB2_8-.Ltmp4, $2  }
0x26: {  	_ =	sdelay $0x2  }
0x27: {  	p1 =	seq.s32 s21, $0x0  }
0x28: {  	_ =	swait.ge [sflag:s14], $0x2000  }
0x29: {  	[sflag:s14] =	ssyncset.done $0x0  }
0x2a: {  	s0 =	simm.s32 @!p1 $0x3;
	[sflag:s14] =	ssyncadd.s32 $0xFFFFE000  }
0x2b: {  	_ =	swait.ge @!p1 [sflag:s0], $0x2000  }
0x2c: {  	[sflag:s0] =	ssyncset.done @!p1 $0x0  }
0x2d: {  	s31 =	simm.s32 $0x200;
	[sflag:s0] =	ssyncadd.s32 @!p1 $0xFFFFE000  }
0x2e: {  	v4 =	vld [tilespmem:s31+$0x180]  }
0x2f: {  	v5 =	vld [tilespmem:s31+$0xFFFFFE80]  }
0x30: {  	v6 =	vld [tilespmem:s31+$0xFFFFFF00]  }
0x31: {  	v7 =	vld [tilespmem:s31+$0xFFFFFF80]  }
0x32: {  	s26 =	simm.s32 $0x4214;
	v8 =	vld [tilespmem:s31+$0x0]  }
0x33: {  	v9 =	vld [tilespmem:s31+$0x80];
	[tilespmem:s26+$0x18F] =	vst v4  }
0x34: {  	[tilespmem:s26+$0xFFFFFE71] =	vst v5;
	v5 =	vld [tilespmem:s31+$0x100]  }
0x35: {  	[tilespmem:s26+$0xFFFFFEF6] =	vst v6;
	v6 =	vld [tilespmem:s31+$0xFFFFFE00]  }
0x36: {  	[tilespmem:s26+$0xFFFFFF7B] =	vst v7;
	v4 =	vld [tilespmem:s31+$0x190]  }
0x37: {  	[tilespmem:s26+$0x0] =	vst v8;
	v7 =	vld [tilespmem:s31+$0xFFFFFE90]  }
0x38: {  	[tilespmem:s26+$0x85] =	vst v9;
	v8 =	vld [tilespmem:s31+$0xFFFFFF10]  }
0x39: {  	v9 =	vld [tilespmem:s31+$0xFFFFFF90];
	[tilespmem:s26+$0x10A] =	vst v5  }
0x3a: {  	[tilespmem:s26+$0xFFFFFDEC] =	vst v6;
	v5 =	vld [tilespmem:s31+$0x10]  }
0x3b: {  	[tilespmem:s26+$0x19F] =	vst v4;
	v6 =	vld [tilespmem:s31+$0xFFFFFE10]  }
0x3c: {  	[tilespmem:s26+$0xFFFFFE81] =	vst v7;
	v7 =	vld [tilespmem:s31+$0x90]  }
0x3d: {  	[tilespmem:s26+$0xFFFFFF06] =	vst v8;
	v4 =	vld [tilespmem:s31+$0x1A0]  }
0x3e: {  	[tilespmem:s26+$0xFFFFFF8B] =	vst v9;
	v8 =	vld [tilespmem:s31+$0x110]  }
0x3f: {  	v9 =	vld [tilespmem:s31+$0xFFFFFEA0];
	[tilespmem:s26+$0x10] =	vst v5  }
0x40: {  	v5 =	vld [tilespmem:s31+$0xFFFFFF20];
	[tilespmem:s26+$0xFFFFFDFC] =	vst v6  }
0x41: {  	[tilespmem:s26+$0x95] =	vst v7;
	v7 =	vld [tilespmem:s31+$0xFFFFFFA0]  }
0x42: {  	[tilespmem:s26+$0x1AF] =	vst v4;
	v6 =	vld [tilespmem:s31+$0xFFFFFE20]  }
0x43: {  	[tilespmem:s26+$0x11A] =	vst v8;
	v4 =	vld [tilespmem:s31+$0x1B0]  }
0x44: {  	v8 =	vld [tilespmem:s31+$0x20];
	[tilespmem:s26+$0xFFFFFE91] =	vst v9  }
0x45: {  	v9 =	vld [tilespmem:s31+$0xA0];
	[tilespmem:s26+$0xFFFFFF16] =	vst v5  }
0x46: {  	v5 =	vld [tilespmem:s31+$0x120];
	[tilespmem:s26+$0xFFFFFF9B] =	vst v7  }
0x47: {  	v7 =	vld [tilespmem:s31+$0xFFFFFEB0];
	[tilespmem:s26+$0xFFFFFE0C] =	vst v6  }
0x48: {  	[tilespmem:s26+$0x1BF] =	vst v4;
	v6 =	vld [tilespmem:s31+$0xFFFFFE30]  }
0x49: {  	[tilespmem:s26+$0x20] =	vst v8;
	v4 =	vld [tilespmem:s31+$0x1C0]  }
0x4a: {  	v8 =	vld [tilespmem:s31+$0xFFFFFF30];
	[tilespmem:s26+$0xA5] =	vst v9  }
0x4b: {  	v9 =	vld [tilespmem:s31+$0xFFFFFFB0];
	[tilespmem:s26+$0x12A] =	vst v5  }
0x4c: {  	v5 =	vld [tilespmem:s31+$0x30];
	[tilespmem:s26+$0xFFFFFEA1] =	vst v7  }
0x4d: {  	v7 =	vld [tilespmem:s31+$0x130];
	[tilespmem:s26+$0xFFFFFE1C] =	vst v6  }
0x4e: {  	v6 =	vld [tilespmem:s31+$0xB0];
	[tilespmem:s26+$0x1CF] =	vst v4  }
0x4f: {  	[tilespmem:s26+$0xFFFFFF26] =	vst v8;
	v4 =	vld [tilespmem:s31+$0x1D0]  }
0x50: {  	[tilespmem:s26+$0xFFFFFFAB] =	vst v9;
	v9 =	vld [tilespmem:s31+$0xFFFFFEC0]  }
0x51: {  	v8 =	vld [tilespmem:s31+$0xFFFFFE40];
	[tilespmem:s26+$0x30] =	vst v5  }
0x52: {  	v5 =	vld [tilespmem:s31+$0xFFFFFF40];
	[tilespmem:s26+$0x13A] =	vst v7  }
0x53: {  	v7 =	vld [tilespmem:s31+$0x40];
	[tilespmem:s26+$0xB5] =	vst v6  }
0x54: {  	v6 =	vld [tilespmem:s31+$0xFFFFFFC0];
	[tilespmem:s26+$0x1DF] =	vst v4  }
0x55: {  	[tilespmem:s26+$0xFFFFFEB1] =	vst v9;
	v4 =	vld [tilespmem:s31+$0x1E0]  }
0x56: {  	v9 =	vld [tilespmem:s31+$0x140];
	[tilespmem:s26+$0xFFFFFE2C] =	vst v8  }
0x57: {  	v8 =	vld [tilespmem:s31+$0xC0];
	[tilespmem:s26+$0xFFFFFF36] =	vst v5  }
0x58: {  	v5 =	vld [tilespmem:s31+$0xFFFFFE50];
	[tilespmem:s26+$0x40] =	vst v7  }
0x59: {  	v7 =	vld [tilespmem:s31+$0xFFFFFF50];
	[tilespmem:s26+$0xFFFFFFBB] =	vst v6  }
0x5a: {  	v6 =	vld [tilespmem:s31+$0xFFFFFED0];
	[tilespmem:s26+$0x1EF] =	vst v4  }
0x5b: {  	[tilespmem:s26+$0x14A] =	vst v9;
	v4 =	vld [tilespmem:s31+$0x1F0]  }
0x5c: {  	v9 =	vld [tilespmem:s31+$0x50];
	[tilespmem:s26+$0xC5] =	vst v8  }
0x5d: {  	v8 =	vld [tilespmem:s31+$0xFFFFFFD0];
	[tilespmem:s26+$0xFFFFFE3C] =	vst v5  }
0x5e: {  	v5 =	vld [tilespmem:s31+$0x150];
	[tilespmem:s26+$0xFFFFFF46] =	vst v7  }
0x5f: {  	[tilespmem:s26+$0xFFFFFEC1] =	vst v6;
	v6 =	vld [tilespmem:s31+$0xFFFFFE60]  }
0x60: {  	[tilespmem:s26+$0x1FF] =	vst v4;
	v4 =	vld [tilespmem:s31+$0xD0]  }
0x61: {  	[tilespmem:s26+$0x50] =	vst v9;
	v7 =	vld [tilespmem:s31+$0xFFFFFEE0]  }
0x62: {  	[tilespmem:s26+$0xFFFFFFCB] =	vst v8;
	v8 =	vld [tilespmem:s31+$0xFFFFFF60]  }
0x63: {  	v9 =	vld [tilespmem:s31+$0xFFFFFFE0];
	[tilespmem:s26+$0x15A] =	vst v5  }
0x64: {  	v10 =	vld [tilespmem:s31+$0x160];
	[tilespmem:s26+$0xFFFFFE4C] =	vst v6  }
0x65: {  	[tilespmem:s26+$0xD5] =	vst v4;
	v4 =	vld [tilespmem:s31+$0x60]  }
0x66: {  	[tilespmem:s26+$0xFFFFFED1] =	vst v7;
	v6 =	vld [tilespmem:s31+$0xE0]  }
0x67: {  	v11 =	vld [tilespmem:s31+$0xFFFFFE70];
	[tilespmem:s26+$0xFFFFFF56] =	vst v8  }
0x68: {  	v8 =	vld [tilespmem:s31+$0xFFFFFEF0];
	[tilespmem:s26+$0xFFFFFFDB] =	vst v9  }
0x69: {  	v7 =	vld [tilespmem:s31+$0xFFFFFF70];
	[tilespmem:s26+$0x16A] =	vst v10  }
0x6a: {  	v5 =	vld [tilespmem:s31+$0xFFFFFFF0];
	[tilespmem:s26+$0x60] =	vst v4  }
0x6b: {  	[tilespmem:s26+$0xE5] =	vst v6;
	v4 =	vld [tilespmem:s31+$0x70]  }
0x6c: {  	s28 =	simm.s32 $0x0;
	[tilespmem:s26+$0xFFFFFE5C] =	vst v11;
	v6 =	vld [tilespmem:s31+$0xF0]  }
0x6d: {  	s24 =	simm.s32 $0x1C0;
	s25 =	simm.s32 $0x8400;
	s29 =	simm.s32 $0x600;
	[tilespmem:s26+$0xFFFFFEE1] =	vst v8;
	v8 =	vld [tilespmem:s31+$0x170]  }
.LBB2_4:
0x6e: {  	v9 =	vld [tilespmem:s29+$0x180];
	s28 =	sadd.s32 $0x8, s28;
	[tilespmem:s26+$0xFFFFFF66] =	vst v7  }
0x6f: {  	v7 =	vld [tilespmem:s29+$0xFFFFFE80];
	p2 =	slt.u32 s28, $0x38;
	[tilespmem:s26+$0xFFFFFFEB] =	vst v5  }
0x70: {  	v5 =	vld [tilespmem:s29+$0xFFFFFF00];
	[tilespmem:s26+$0x70] =	vst v4  }
0x71: {  	v4 =	vld [tilespmem:s29+$0xFFFFFF80];
	[tilespmem:s26+$0xF5] =	vst v6  }
0x72: {  	v6 =	vld [tilespmem:s29+$0x0];
	[tilespmem:s26+$0x17A] =	vst v8;
	s26 =	sadd.s32 $0x428, s26  }
0x73: {  	v8 =	vld [tilespmem:s29+$0x80];
	[tilespmem:s26+$0x18F] =	vst v9  }
0x74: {  	[tilespmem:s26+$0xFFFFFE71] =	vst v7;
	v7 =	vld [tilespmem:s29+$0x190]  }
0x75: {  	[tilespmem:s26+$0xFFFFFEF6] =	vst v5;
	v5 =	vld [tilespmem:s29+$0x100]  }
0x76: {  	v9 =	vld [tilespmem:s29+$0xFFFFFE00];
	[tilespmem:s26+$0xFFFFFF7B] =	vst v4  }
0x77: {  	v4 =	vld [tilespmem:s29+$0xFFFFFE90];
	[tilespmem:s26+$0x0] =	vst v6  }
0x78: {  	v6 =	vld [tilespmem:s29+$0xFFFFFF10];
	[tilespmem:s26+$0x85] =	vst v8  }
0x79: {  	v8 =	vld [tilespmem:s29+$0xFFFFFF90];
	[tilespmem:s26+$0x19F] =	vst v7  }
0x7a: {  	[tilespmem:s26+$0x10A] =	vst v5;
	v5 =	vld [tilespmem:s29+$0x1A0]  }
0x7b: {  	[tilespmem:s26+$0xFFFFFDEC] =	vst v9;
	v7 =	vld [tilespmem:s29+$0x10]  }
0x7c: {  	v9 =	vld [tilespmem:s29+$0xFFFFFE10];
	[tilespmem:s26+$0xFFFFFE81] =	vst v4  }
0x7d: {  	[tilespmem:s26+$0xFFFFFF06] =	vst v6;
	v4 =	vld [tilespmem:s29+$0x90]  }
0x7e: {  	[tilespmem:s26+$0xFFFFFF8B] =	vst v8;
	v6 =	vld [tilespmem:s29+$0x110]  }
0x7f: {  	v8 =	vld [tilespmem:s29+$0xFFFFFEA0];
	[tilespmem:s26+$0x1AF] =	vst v5  }
0x80: {  	[tilespmem:s26+$0x10] =	vst v7;
	v5 =	vld [tilespmem:s29+$0x1B0]  }
0x81: {  	[tilespmem:s26+$0xFFFFFDFC] =	vst v9;
	v7 =	vld [tilespmem:s29+$0xFFFFFF20]  }
0x82: {  	v9 =	vld [tilespmem:s29+$0xFFFFFE20];
	[tilespmem:s26+$0x95] =	vst v4  }
0x83: {  	v4 =	vld [tilespmem:s29+$0xFFFFFFA0];
	[tilespmem:s26+$0x11A] =	vst v6  }
0x84: {  	[tilespmem:s26+$0xFFFFFE91] =	vst v8;
	v6 =	vld [tilespmem:s29+$0x20]  }
0x85: {  	v8 =	vld [tilespmem:s29+$0xA0];
	[tilespmem:s26+$0x1BF] =	vst v5  }
0x86: {  	[tilespmem:s26+$0xFFFFFF16] =	vst v7;
	v5 =	vld [tilespmem:s29+$0x1C0]  }
0x87: {  	[tilespmem:s26+$0xFFFFFE0C] =	vst v9;
	v7 =	vld [tilespmem:s29+$0x120]  }
0x88: {  	v9 =	vld [tilespmem:s29+$0xFFFFFE30];
	[tilespmem:s26+$0xFFFFFF9B] =	vst v4  }
0x89: {  	v4 =	vld [tilespmem:s29+$0xFFFFFEB0];
	[tilespmem:s26+$0x20] =	vst v6  }
0x8a: {  	v6 =	vld [tilespmem:s29+$0xFFFFFF30];
	[tilespmem:s26+$0xA5] =	vst v8  }
0x8b: {  	v8 =	vld [tilespmem:s29+$0xFFFFFFB0];
	[tilespmem:s26+$0x1CF] =	vst v5  }
0x8c: {  	[tilespmem:s26+$0x12A] =	vst v7;
	v5 =	vld [tilespmem:s29+$0x1D0]  }
0x8d: {  	[tilespmem:s26+$0xFFFFFE1C] =	vst v9;
	v7 =	vld [tilespmem:s29+$0x30]  }
0x8e: {  	[tilespmem:s26+$0xFFFFFEA1] =	vst v4;
	v4 =	vld [tilespmem:s29+$0xB0]  }
0x8f: {  	[tilespmem:s26+$0xFFFFFF26] =	vst v6;
	v6 =	vld [tilespmem:s29+$0x130]  }
0x90: {  	v9 =	vld [tilespmem:s29+$0xFFFFFE40];
	[tilespmem:s26+$0xFFFFFFAB] =	vst v8  }
0x91: {  	v8 =	vld [tilespmem:s29+$0xFFFFFEC0];
	[tilespmem:s26+$0x1DF] =	vst v5  }
0x92: {  	[tilespmem:s26+$0x30] =	vst v7;
	v5 =	vld [tilespmem:s29+$0x1E0]  }
0x93: {  	v7 =	vld [tilespmem:s29+$0xFFFFFF40];
	[tilespmem:s26+$0xB5] =	vst v4  }
0x94: {  	v4 =	vld [tilespmem:s29+$0xFFFFFFC0];
	[tilespmem:s26+$0x13A] =	vst v6  }
0x95: {  	[tilespmem:s26+$0xFFFFFE2C] =	vst v9;
	v6 =	vld [tilespmem:s29+$0x40]  }
0x96: {  	[tilespmem:s26+$0xFFFFFEB1] =	vst v8;
	v8 =	vld [tilespmem:s29+$0xC0]  }
0x97: {  	v9 =	vld [tilespmem:s29+$0x140];
	[tilespmem:s26+$0x1EF] =	vst v5  }
0x98: {  	[tilespmem:s26+$0xFFFFFF36] =	vst v7;
	v5 =	vld [tilespmem:s29+$0x1F0]  }
0x99: {  	v7 =	vld [tilespmem:s29+$0xFFFFFE50];
	[tilespmem:s26+$0xFFFFFFBB] =	vst v4  }
0x9a: {  	v4 =	vld [tilespmem:s29+$0xFFFFFED0];
	[tilespmem:s26+$0x40] =	vst v6  }
0x9b: {  	v6 =	vld [tilespmem:s29+$0xFFFFFF50];
	[tilespmem:s26+$0xC5] =	vst v8  }
0x9c: {  	v8 =	vld [tilespmem:s29+$0xFFFFFFD0];
	[tilespmem:s26+$0x14A] =	vst v9  }
0x9d: {  	s30 =	simm.s32 $0x0;
	v9 =	vld [tilespmem:s29+$0x50];
	[tilespmem:s26+$0x1FF] =	vst v5  }
0x9e: {  	[tilespmem:s26+$0xFFFFFE3C] =	vst v7;
	v5 =	vld [tilespmem:s29+$0xD0]  }
0x9f: {  	[tilespmem:s26+$0xFFFFFEC1] =	vst v4;
	v4 =	vld [tilespmem:s29+$0x150]  }
0xa0: {  	v7 =	vld [tilespmem:s29+$0xFFFFFE60];
	[tilespmem:s26+$0xFFFFFF46] =	vst v6  }
0xa1: {  	v6 =	vld [tilespmem:s29+$0xFFFFFEE0];
	[tilespmem:s26+$0xFFFFFFCB] =	vst v8  }
0xa2: {  	v8 =	vld [tilespmem:s29+$0xFFFFFF60];
	[tilespmem:s26+$0x50] =	vst v9  }
0xa3: {  	v9 =	vld [tilespmem:s29+$0xFFFFFFE0];
	[tilespmem:s26+$0xD5] =	vst v5  }
0xa4: {  	v5 =	vld [tilespmem:s29+$0x60];
	[tilespmem:s26+$0x15A] =	vst v4  }
0xa5: {  	[tilespmem:s26+$0xFFFFFE4C] =	vst v7;
	v4 =	vld [tilespmem:s29+$0xE0]  }
0xa6: {  	[tilespmem:s26+$0xFFFFFED1] =	vst v6;
	v6 =	vld [tilespmem:s29+$0x160]  }
0xa7: {  	v10 =	vld [tilespmem:s29+$0xFFFFFE70];
	[tilespmem:s26+$0xFFFFFF56] =	vst v8  }
0xa8: {  	v8 =	vld [tilespmem:s29+$0xFFFFFEF0];
	[tilespmem:s26+$0xFFFFFFDB] =	vst v9  }
.Ltmp5:
0xa9: {  	v7 =	vld [tilespmem:s29+$0xFFFFFF70];
	[tilespmem:s26+$0x60] =	vst v5;
	(pc) =	sbr.rel @p2 .LBB2_4-.Ltmp5, $4  }
0xaa: {  	v5 =	vld [tilespmem:s29+$0xFFFFFFF0];
	[tilespmem:s26+$0xE5] =	vst v4  }
0xab: {  	v4 =	vld [tilespmem:s29+$0x70];
	[tilespmem:s26+$0x16A] =	vst v6  }
0xac: {  	[tilespmem:s26+$0xFFFFFE5C] =	vst v10;
	v6 =	vld [tilespmem:s29+$0xF0]  }
0xad: {  	[tilespmem:s26+$0xFFFFFEE1] =	vst v8;
	v8 =	vld [tilespmem:s29+$0x170];
	s29 =	sadd.s32 $0x400, s29  }
0xae: {  	[tilespmem:s26+$0xFFFFFF66] =	vst v7;
	v7 =	vadd.s32 s30, v0;
	s12 =	simm.s32 $0x7  }
0xaf: {  	s0 =	simm.s32 $0x4;
	[tilespmem:s26+$0xFFFFFFEB] =	vst v5;
	v5 =	vadd.s32 s12, v0  }
0xb0: {  	s6 =	simm.s32 $0x1;
	v9 =	vadd.s32 s0, v0;
	[tilespmem:s26+$0x70] =	vst v4  }
0xb1: {  	s10 =	simm.s32 $0x2;
	v4 =	vadd.s32 s6, v0;
	[tilespmem:s26+$0xF5] =	vst v6  }
0xb2: {  	s11 =	simm.s32 $0x3;
	v6 =	vadd.s32 s10, v0;
	[tilespmem:s26+$0x17A] =	vst v8  }
0xb3: {  	s7 =	simm.s32 $0x5;
	v8 =	vadd.s32 s11, v0;
	v7 =	vld.idx.msk [tilespmem:v7+s15+$0x0], $0xffff  }
0xb4: {  	s1 =	simm.s32 $0x6;
	v10 =	vadd.s32 s7, v0;
	v5 =	vld.idx.msk [tilespmem:v5+s15+$0x0], $0xffff  }
0xb5: {  	v11 =	vadd.s32 s1, v0;
	v9 =	vld.idx.msk [tilespmem:v9+s15+$0x0], $0xffff  }
0xb6: {  	v12 =	vadd.s32 s12, v1;
	v4 =	vld.idx.msk [tilespmem:v4+s15+$0x0], $0xffff  }
0xb7: {  	v16 =	vadd.s32 s0, v1;
	v6 =	vld.idx.msk [tilespmem:v6+s15+$0x0], $0xffff  }
0xb8: {  	v13 =	vadd.s32 s6, v1;
	v8 =	vld.idx.msk [tilespmem:v8+s15+$0x0], $0xffff  }
0xb9: {  	v14 =	vadd.s32 s10, v1;
	v10 =	vld.idx.msk [tilespmem:v10+s15+$0x0], $0xffff;
	[tilespmem:s25+$0xC0] =	vst v5  }
0xba: {  	v15 =	vadd.s32 s11, v1;
	v11 =	vld.idx.msk [tilespmem:v11+s15+$0x0], $0xffff;
	[tilespmem:s25+$0x0] =	vst v9  }
0xbb: {  	[tilespmem:s25+$0xFFFFFF40] =	vst v4;
	v4 =	vadd.s32 s7, v1;
	v5 =	vld.idx.msk [tilespmem:v12+s15+$0x0], $0xffff  }
0xbc: {  	v16 =	vld.idx.msk [tilespmem:v16+s15+$0x0], $0xffff;
	[tilespmem:s25+$0xFFFFFF80] =	vst v6;
	v6 =	vadd.s32 s1, v1  }
0xbd: {  	v12 =	vld.idx.msk [tilespmem:v13+s15+$0x0], $0xffff;
	[tilespmem:s25+$0xFFFFFFC0] =	vst v8;
	v8 =	vadd.s32 s12, v2  }
0xbe: {  	v13 =	vld.idx.msk [tilespmem:v14+s15+$0x0], $0xffff;
	v14 =	vadd.s32 s30, v1  }
0xbf: {  	v9 =	vadd.s32 s6, v2;
	[tilespmem:s25+$0x40] =	vst v10;
	v15 =	vld.idx.msk [tilespmem:v15+s15+$0x0], $0xffff  }
0xc0: {  	s13 =	sor.u32 $0x50, s24;
	v10 =	vadd.s32 s10, v2;
	[tilespmem:s25+$0x80] =	vst v11;
	v4 =	vld.idx.msk [tilespmem:v4+s15+$0x0], $0xffff  }
0xc1: {  	v11 =	vadd.s32 s11, v2;
	[tilespmem:s13+$0x8300] =	vst v5;
	v17 =	vld.idx.msk [tilespmem:v6+s15+$0x0], $0xffff  }
0xc2: {  	[tilespmem:s25+$0xFFFFFF00] =	vst v7;
	v5 =	vadd.s32 s0, v2;
	v7 =	vld.idx.msk [tilespmem:v8+s15+$0x0], $0xffff  }
0xc3: {  	s13 =	simm.s32 $0xC0;
	[tilespmem:s25+$0xFFFFFF50] =	vst v12;
	v6 =	vadd.s32 s7, v2;
	v8 =	vld.idx.msk [tilespmem:v14+s15+$0x0], $0xffff  }
0xc4: {  	s20 =	sor.u32 $0x50, s13;
	v12 =	vld.idx.msk [tilespmem:v9+s15+$0x0], $0xffff;
	[tilespmem:s25+$0xFFFFFF90] =	vst v13;
	v9 =	vadd.s32 s12, v3  }
0xc5: {  	s3 =	simm.s32 $0x140;
	v13 =	vadd.s32 s1, v2;
	v10 =	vld.idx.msk [tilespmem:v10+s15+$0x0], $0xffff;
	[tilespmem:s20+$0x8300] =	vst v15  }
0xc6: {  	s16 =	sor.u32 $0x50, s3;
	[tilespmem:s25+$0x10] =	vst v16;
	v14 =	vadd.s32 s30, v2;
	v18 =	vld.idx.msk [tilespmem:v11+s15+$0x0], $0xffff  }
0xc7: {  	s19 =	sor.u32 $0x60, s24;
	v16 =	vadd.s32 s6, v3;
	v19 =	vld.idx.msk [tilespmem:v5+s15+$0x0], $0xffff;
	[tilespmem:s16+$0x8300] =	vst v4  }
0xc8: {  	v20 =	vadd.s32 s10, v3;
	v6 =	vld.idx.msk [tilespmem:v6+s15+$0x0], $0xffff;
	[tilespmem:s19+$0x8300] =	vst v7  }
0xc9: {  	v21 =	vadd.s32 s11, v3;
	[tilespmem:s25+$0x90] =	vst v17;
	v11 =	vld.idx.msk [tilespmem:v9+s15+$0x0], $0xffff  }
0xca: {  	s26 =	simm.s32 $0x8;
	v15 =	vadd.s32 s0, v3;
	[tilespmem:s25+$0xFFFFFF10] =	vst v8;
	v9 =	vld.idx.msk [tilespmem:v13+s15+$0x0], $0xffff  }
0xcb: {  	v4 =	vadd.s32 s26, v0;
	[tilespmem:s25+$0xFFFFFF60] =	vst v12;
	v7 =	vld.idx.msk [tilespmem:v14+s15+$0x0], $0xffff  }
0xcc: {  	s20 =	sor.u32 $0x60, s13;
	v5 =	vld.idx.msk [tilespmem:v16+s15+$0x0], $0xffff;
	[tilespmem:s25+$0xFFFFFFA0] =	vst v10;
	v14 =	vadd.s32 s7, v3  }
0xcd: {  	s28 =	simm.s32 $0xF;
	s29 =	simm.s32 $0x10;
	s31 =	sor.u32 $0x70, s3;
	v13 =	vadd.s32 s1, v3;
	v8 =	vld.idx.msk [tilespmem:v20+s15+$0x0], $0xffff;
	[tilespmem:s20+$0x8300] =	vst v18  }
0xce: {  	s6 =	sor.u32 $0x60, s3;
	s0 =	sor.u32 $0x70, s13;
	v12 =	vadd.s32 s30, v3;
	s7 =	sor.u32 $0x70, s24;
	v10 =	vld.idx.msk [tilespmem:v21+s15+$0x0], $0xffff;
	[tilespmem:s25+$0x20] =	vst v19  }
.LBB2_6:
0xcf: {  	p2 =	slt.u32 s29, $0x78;
	s1 =	sadd.s32 $0x1, s26;
	v16 =	vadd.s32 s28, v0;
	v15 =	vld.idx.msk [tilespmem:v15+s15+$0x0], $0xffff;
	[tilespmem:s7+$0x8300] =	vst v11;
	s30 =	smov.u32 s26  }
0xd0: {  	s26 =	smov.u32 s29;
	v4 =	vld.idx.msk [tilespmem:v4+s15+$0x0], $0xffff;
	v11 =	vadd.s32 s1, v0;
	s12 =	sadd.s32 $0x2, s30;
	[tilespmem:s6+$0x8300] =	vst v6  }
0xd1: {  	s7 =	sadd.s32 $0x3, s30;
	v6 =	vadd.s32 s12, v0;
	v14 =	vld.idx.msk [tilespmem:v14+s15+$0x0], $0xffff;
	[tilespmem:s25+$0xA0] =	vst v9  }
0xd2: {  	s10 =	sadd.s32 $0x4, s30;
	v9 =	vadd.s32 s7, v0;
	[tilespmem:s25+$0xFFFFFF20] =	vst v7;
	v7 =	vld.idx.msk [tilespmem:v13+s15+$0x0], $0xffff  }
0xd3: {  	s13 =	sadd.s32 $0x5, s30;
	v13 =	vadd.s32 s10, v0;
	v12 =	vld.idx.msk [tilespmem:v12+s15+$0x0], $0xffff;
	[tilespmem:s25+$0xFFFFFF70] =	vst v5  }
0xd4: {  	s11 =	sadd.s32 $0x6, s30;
	v5 =	vadd.s32 s13, v0;
	v16 =	vld.idx.msk [tilespmem:v16+s15+$0x0], $0xffff;
	[tilespmem:s25+$0xFFFFFFB0] =	vst v8  }
0xd5: {  	v8 =	vld.idx.msk [tilespmem:v11+s15+$0x0], $0xffff;
	v11 =	vadd.s32 s11, v0;
	[tilespmem:s0+$0x8300] =	vst v10  }
0xd6: {  	v10 =	vadd.s32 s28, v1;
	v6 =	vld.idx.msk [tilespmem:v6+s15+$0x0], $0xffff;
	[tilespmem:s25+$0x30] =	vst v15  }
0xd7: {  	v15 =	vadd.s32 s1, v1;
	v9 =	vld.idx.msk [tilespmem:v9+s15+$0x0], $0xffff;
	[tilespmem:s31+$0x8300] =	vst v14  }
0xd8: {  	v14 =	vadd.s32 s12, v1;
	v13 =	vld.idx.msk [tilespmem:v13+s15+$0x0], $0xffff;
	[tilespmem:s25+$0xB0] =	vst v7  }
0xd9: {  	v7 =	vadd.s32 s7, v1;
	v5 =	vld.idx.msk [tilespmem:v5+s15+$0x0], $0xffff;
	[tilespmem:s25+$0xFFFFFF30] =	vst v12;
	s25 =	sadd.s32 $0x200, s25  }
0xda: {  	v12 =	vadd.s32 s10, v1;
	v11 =	vld.idx.msk [tilespmem:v11+s15+$0x0], $0xffff;
	[tilespmem:s25+$0xC0] =	vst v16  }
0xdb: {  	[tilespmem:s25+$0xFFFFFF40] =	vst v8;
	v8 =	vadd.s32 s13, v1;
	v10 =	vld.idx.msk [tilespmem:v10+s15+$0x0], $0xffff  }
0xdc: {  	v15 =	vld.idx.msk [tilespmem:v15+s15+$0x0], $0xffff;
	[tilespmem:s25+$0xFFFFFF80] =	vst v6;
	v6 =	vadd.s32 s11, v1  }
0xdd: {  	v14 =	vld.idx.msk [tilespmem:v14+s15+$0x0], $0xffff;
	[tilespmem:s25+$0xFFFFFFC0] =	vst v9;
	v9 =	vadd.s32 s28, v2  }
0xde: {  	v16 =	vadd.s32 s30, v1;
	v7 =	vld.idx.msk [tilespmem:v7+s15+$0x0], $0xffff;
	[tilespmem:s25+$0x0] =	vst v13  }
0xdf: {  	s24 =	sadd.s32 $0x200, s24;
	v13 =	vadd.s32 s1, v2;
	v12 =	vld.idx.msk [tilespmem:v12+s15+$0x0], $0xffff;
	[tilespmem:s25+$0x40] =	vst v5  }
0xe0: {  	s6 =	sor.u32 $0x50, s24;
	s0 =	sadd.s32 $0xFFFFFF00, s24;
	s31 =	sadd.s32 $0xFFFFFF80, s24;
	v5 =	vadd.s32 s12, v2;
	v8 =	vld.idx.msk [tilespmem:v8+s15+$0x0], $0xffff;
	[tilespmem:s25+$0x80] =	vst v11  }
0xe1: {  	s20 =	sor.u32 $0x50, s0;
	s16 =	sor.u32 $0x60, s0;
	s19 =	sor.u32 $0x50, s31;
	v11 =	vadd.s32 s7, v2;
	v17 =	vld.idx.msk [tilespmem:v6+s15+$0x0], $0xffff;
	[tilespmem:s6+$0x8300] =	vst v10  }
0xe2: {  	s0 =	sor.u32 $0x70, s0;
	s6 =	sor.u32 $0x60, s31;
	s31 =	sor.u32 $0x70, s31;
	[tilespmem:s25+$0xFFFFFF00] =	vst v4;
	v4 =	vadd.s32 s10, v2;
	v9 =	vld.idx.msk [tilespmem:v9+s15+$0x0], $0xffff  }
0xe3: {  	v6 =	vadd.s32 s13, v2;
	v10 =	vld.idx.msk [tilespmem:v16+s15+$0x0], $0xffff;
	[tilespmem:s25+$0xFFFFFF50] =	vst v15  }
0xe4: {  	v13 =	vld.idx.msk [tilespmem:v13+s15+$0x0], $0xffff;
	[tilespmem:s25+$0xFFFFFF90] =	vst v14;
	v14 =	vadd.s32 s28, v3  }
0xe5: {  	v16 =	vld.idx.msk [tilespmem:v5+s15+$0x0], $0xffff;
	[tilespmem:s20+$0x8300] =	vst v7;
	v5 =	vadd.s32 s11, v2  }
0xe6: {  	v7 =	vadd.s32 s30, v2;
	v18 =	vld.idx.msk [tilespmem:v11+s15+$0x0], $0xffff;
	[tilespmem:s25+$0x10] =	vst v12  }
0xe7: {  	v12 =	vadd.s32 s1, v3;
	s1 =	sor.u32 $0x60, s24;
	v19 =	vld.idx.msk [tilespmem:v4+s15+$0x0], $0xffff;
	[tilespmem:s19+$0x8300] =	vst v8  }
0xe8: {  	v8 =	vadd.s32 s12, v3;
	v6 =	vld.idx.msk [tilespmem:v6+s15+$0x0], $0xffff;
	[tilespmem:s1+$0x8300] =	vst v9  }
0xe9: {  	v20 =	vadd.s32 s7, v3;
	[tilespmem:s25+$0x90] =	vst v17;
	v11 =	vld.idx.msk [tilespmem:v14+s15+$0x0], $0xffff  }
.Ltmp6:
0xea: {  	v15 =	vadd.s32 s10, v3;
	[tilespmem:s25+$0xFFFFFF10] =	vst v10;
	v9 =	vld.idx.msk [tilespmem:v5+s15+$0x0], $0xffff;
	(pc) =	sbr.rel @p2 .LBB2_6-.Ltmp6, $4  }
0xeb: {  	v4 =	vadd.s32 s29, v0;
	v7 =	vld.idx.msk [tilespmem:v7+s15+$0x0], $0xffff;
	[tilespmem:s25+$0xFFFFFF60] =	vst v13  }
0xec: {  	v14 =	vadd.s32 s13, v3;
	v5 =	vld.idx.msk [tilespmem:v12+s15+$0x0], $0xffff;
	[tilespmem:s25+$0xFFFFFFA0] =	vst v16  }
0xed: {  	v13 =	vadd.s32 s11, v3;
	v8 =	vld.idx.msk [tilespmem:v8+s15+$0x0], $0xffff;
	[tilespmem:s16+$0x8300] =	vst v18  }
0xee: {  	s7 =	sor.u32 $0x70, s24;
	s28 =	sadd.s32 $0x7, s26;
	s29 =	sadd.s32 $0x8, s29;
	v12 =	vadd.s32 s30, v3;
	v10 =	vld.idx.msk [tilespmem:v20+s15+$0x0], $0xffff;
	[tilespmem:s25+$0x20] =	vst v19  }
0xef: {  	_ =	sdelay $0x1  }
0xf0: {  	[tilespmem:s7+$0x8300] =	vst v11  }
0xf1: {  	[tilespmem:s6+$0x8300] =	vst v6  }
0xf2: {  	s1 =	sadd.s32 $0x1, s26;
	v29 =	vadd.s32 s28, v0;
	v30 =	vld.idx.msk [tilespmem:v15+s15+$0x0], $0xffff;
	[tilespmem:s25+$0xA0] =	vst v9  }
0xf3: {  	s7 =	sadd.s32 $0x2, s26;
	v4 =	vld.idx.msk [tilespmem:v4+s15+$0x0], $0xffff;
	v31 =	vadd.s32 s1, v0;
	[tilespmem:s25+$0xFFFFFF20] =	vst v7  }
0xf4: {  	s11 =	sadd.s32 $0x5, s26;
	v32 =	vadd.s32 s7, v0;
	v14 =	vld.idx.msk [tilespmem:v14+s15+$0x0], $0xffff;
	[tilespmem:s25+$0xFFFFFF70] =	vst v5  }
0xf5: {  	s29 =	sadd.s32 $0x3, s26;
	v13 =	vld.idx.msk [tilespmem:v13+s15+$0x0], $0xffff;
	v34 =	vadd.s32 s11, v0;
	[tilespmem:s25+$0xFFFFFFB0] =	vst v8  }
0xf6: {  	s10 =	sadd.s32 $0x4, s26;
	v33 =	vadd.s32 s29, v0;
	v12 =	vld.idx.msk [tilespmem:v12+s15+$0x0], $0xffff;
	[tilespmem:s0+$0x8300] =	vst v10  }
0xf7: {  	s12 =	sadd.s32 $0x6, s26;
	v5 =	vadd.s32 s10, v0;
	s0 =	sadd.s32 $0x200, s25;
	v11 =	vld.idx.msk [tilespmem:v29+s15+$0x0], $0xffff;
	[tilespmem:s25+$0x30] =	vst v30  }
0xf8: {  	v36 =	vadd.s32 s12, v0;
	[tilespmem:s0+$0xFFFFFF00] =	vst v4;
	v35 =	vld.idx.msk [tilespmem:v31+s15+$0x0], $0xffff  }
0xf9: {  	v38 =	vadd.s32 s28, v1;
	v37 =	vld.idx.msk [tilespmem:v32+s15+$0x0], $0xffff;
	[tilespmem:s31+$0x8300] =	vst v14  }
0xfa: {  	v47 =	vadd.s32 s26, v1;
	[tilespmem:s25+$0xB0] =	vst v13;
	v8 =	vld.idx.msk [tilespmem:v34+s15+$0x0], $0xffff  }
0xfb: {  	v39 =	vadd.s32 s1, v1;
	v7 =	vld.idx.msk [tilespmem:v33+s15+$0x0], $0xffff;
	[tilespmem:s25+$0xFFFFFF30] =	vst v12  }
0xfc: {  	v40 =	vadd.s32 s7, v1;
	v5 =	vld.idx.msk [tilespmem:v5+s15+$0x0], $0xffff;
	[tilespmem:s0+$0xC0] =	vst v11  }
0xfd: {  	v44 =	vadd.s32 s11, v1;
	v42 =	vld.idx.msk [tilespmem:v36+s15+$0x0], $0xffff;
	[tilespmem:s0+$0xFFFFFF40] =	vst v35  }
0xfe: {  	v41 =	vadd.s32 s29, v1;
	v9 =	vld.idx.msk [tilespmem:v38+s15+$0x0], $0xffff;
	[tilespmem:s0+$0xFFFFFF80] =	vst v37  }
0xff: {  	v43 =	vadd.s32 s10, v1;
	[tilespmem:s0+$0x40] =	vst v8;
	v8 =	vld.idx.msk [tilespmem:v47+s15+$0x0], $0xffff  }
0x100: {  	v46 =	vadd.s32 s28, v2;
	[tilespmem:s0+$0xFFFFFFC0] =	vst v7;
	v45 =	vld.idx.msk [tilespmem:v39+s15+$0x0], $0xffff  }
0x101: {  	s13 =	sadd.s32 $0x200, s24;
	[tilespmem:s0+$0x0] =	vst v5;
	v5 =	vadd.s32 s12, v1;
	v12 =	vld.idx.msk [tilespmem:v40+s15+$0x0], $0xffff  }
0x102: {  	v54 =	vadd.s32 s26, v2;
	s16 =	sor.u32 $0x50, s13;
	[tilespmem:s0+$0x80] =	vst v42;
	v6 =	vld.idx.msk [tilespmem:v44+s15+$0x0], $0xffff  }
0x103: {  	v48 =	vadd.s32 s1, v2;
	v11 =	vld.idx.msk [tilespmem:v41+s15+$0x0], $0xffff;
	[tilespmem:s16+$0x8300] =	vst v9  }
0x104: {  	v49 =	vadd.s32 s7, v2;
	v10 =	vld.idx.msk [tilespmem:v43+s15+$0x0], $0xffff;
	[tilespmem:s0+$0xFFFFFF10] =	vst v8  }
0x105: {  	s20 =	sadd.s32 $0xFFFFFF80, s13;
	v4 =	vadd.s32 s29, v2;
	v13 =	vld.idx.msk [tilespmem:v46+s15+$0x0], $0xffff;
	[tilespmem:s0+$0xFFFFFF50] =	vst v45  }
0x106: {  	s30 =	sadd.s32 $0xFFFFFF00, s13;
	v52 =	vadd.s32 s11, v2;
	s31 =	sor.u32 $0x50, s20;
	v5 =	vld.idx.msk [tilespmem:v5+s15+$0x0], $0xffff;
	[tilespmem:s0+$0xFFFFFF90] =	vst v12  }
0x107: {  	v50 =	vadd.s32 s10, v2;
	s19 =	sor.u32 $0x50, s30;
	[tilespmem:s31+$0x8300] =	vst v6;
	v6 =	vld.idx.msk [tilespmem:v54+s15+$0x0], $0xffff  }
0x108: {  	v51 =	vadd.s32 s28, v3;
	[tilespmem:s19+$0x8300] =	vst v11;
	v14 =	vld.idx.msk [tilespmem:v48+s15+$0x0], $0xffff  }
0x109: {  	v53 =	vadd.s32 s12, v2;
	s3 =	sor.u32 $0x60, s13;
	[tilespmem:s0+$0x10] =	vst v10;
	v9 =	vld.idx.msk [tilespmem:v49+s15+$0x0], $0xffff  }
0x10a: {  	v55 =	vadd.s32 s1, v3;
	v4 =	vld.idx.msk [tilespmem:v4+s15+$0x0], $0xffff;
	[tilespmem:s3+$0x8300] =	vst v13  }
0x10b: {  	v57 =	vadd.s32 s29, v3;
	v56 =	vld.idx.msk [tilespmem:v52+s15+$0x0], $0xffff;
	[tilespmem:s0+$0x90] =	vst v5  }
0x10c: {  	v59 =	vadd.s32 s11, v3;
	v7 =	vld.idx.msk [tilespmem:v50+s15+$0x0], $0xffff;
	[tilespmem:s0+$0xFFFFFF20] =	vst v6  }
0x10d: {  	v58 =	vadd.s32 s10, v3;
	v12 =	vld.idx.msk [tilespmem:v51+s15+$0x0], $0xffff;
	[tilespmem:s0+$0xFFFFFF60] =	vst v14  }
0x10e: {  	s19 =	sor.u32 $0x60, s30;
	v5 =	vadd.s32 s7, v3;
	v10 =	vld.idx.msk [tilespmem:v53+s15+$0x0], $0xffff;
	[tilespmem:s0+$0xFFFFFFA0] =	vst v9  }
0x10f: {  	v60 =	vadd.s32 s12, v3;
	s25 =	sor.u32 $0x60, s20;
	[tilespmem:s19+$0x8300] =	vst v4;
	v4 =	vld.idx.msk [tilespmem:v55+s15+$0x0], $0xffff  }
0x110: {  	v61 =	vadd.s32 s26, v3;
	[tilespmem:s25+$0x8300] =	vst v56;
	v11 =	vld.idx.msk [tilespmem:v57+s15+$0x0], $0xffff  }
0x111: {  	s24 =	sor.u32 $0x70, s13;
	[tilespmem:s0+$0x20] =	vst v7;
	v9 =	vld.idx.msk [tilespmem:v59+s15+$0x0], $0xffff  }
0x112: {  	v62 =	vld.idx.msk [tilespmem:v58+s15+$0x0], $0xffff;
	[tilespmem:s24+$0x8300] =	vst v12  }
0x113: {  	v5 =	vld.idx.msk [tilespmem:v5+s15+$0x0], $0xffff;
	[tilespmem:s0+$0xA0] =	vst v10  }
0x114: {  	s26 =	sor.u32 $0x70, s30;
	v63 =	vld.idx.msk [tilespmem:v60+s15+$0x0], $0xffff;
	[tilespmem:s0+$0xFFFFFF70] =	vst v4  }
0x115: {  	s28 =	sor.u32 $0x70, s20;
	v4 =	vld.idx.msk [tilespmem:v61+s15+$0x0], $0xffff;
	[tilespmem:s26+$0x8300] =	vst v11  }
0x116: {  	[tilespmem:s28+$0x8300] =	vst v9  }
0x117: {  	[tilespmem:s0+$0x30] =	vst v62  }
0x118: {  	[tilespmem:s0+$0xFFFFFFB0] =	vst v5  }
0x119: {  	s29 =	sshll.u32 s23, $0xA;
	[tilespmem:s0+$0xB0] =	vst v63  }
0x11a: {  	s30 =	sadd.s32 s5, s29;
	s31 =	simm.s32 $0x0;
	s3 =	simm.s32 $0x8300;
	[tilespmem:s0+$0xFFFFFF30] =	vst v4  }
0x11b: {  	[hbm4b:s30+s31] =	stream.linear.scatter [tilespmem:s3], [sflag:$0x3], $0x2000, $0x38;
	[tilespmem:$0xC300] =	vst v63  }
.LBB2_8:
0x11c: {  	s0 =	sadd.s32 s8, s22  }
0x11d: {  	p2 =	sgt.u32 s0, $0x1E84  }
0x11e: {  	s23 =	sor.u32 $0x20, s23;
	s0 =	sshll.u32 @!p2 s0, $0x7;
	s1 =	simm.s32 @!p2 $0x400  }
0x11f: {  	s6 =	simm.s32 @!p2 $0x7A1400;
	s7 =	simm.s32 @!p2 $0x0;
	s0 =	sadd.s32 @!p2 s2, s0  }
0x120: {  	[tilespmem:s7], [sflag:$0x1] =	stream.strided.gather @!p2 [hbm4b:s0+s1], $0x2000, s6, s1, $0x38;
	[tilespmem:$0xC300] =	vst v63  }
0x121: {  	p2 =	sgt.u32 s23, $0x1E84  }
.Ltmp7:
0x122: {  	_ = 	snop;
	(pc) =	sbr.rel @p2 .LBB2_14-.Ltmp7, $1  }
0x123: {  	_ =	sdelay $0x3  }
0x124: {  	_ =	swait.ge [sflag:s17], $0x2000  }
0x125: {  	[sflag:s17] =	ssyncset.done $0x0  }
0x126: {  	s0 =	simm.s32 @!p1 $0x4;
	[sflag:s17] =	ssyncadd.s32 $0xFFFFE000  }
0x127: {  	_ =	swait.ge @!p1 [sflag:s0], $0x2000  }
0x128: {  	[sflag:s0] =	ssyncset.done @!p1 $0x0  }
0x129: {  	s31 =	simm.s32 $0x2200;
	[sflag:s0] =	ssyncadd.s32 @!p1 $0xFFFFE000  }
0x12a: {  	v4 =	vld [tilespmem:s31+$0x180]  }
0x12b: {  	v5 =	vld [tilespmem:s31+$0xFFFFFE80]  }
0x12c: {  	v6 =	vld [tilespmem:s31+$0xFFFFFF00]  }
0x12d: {  	v7 =	vld [tilespmem:s31+$0xFFFFFF80]  }
0x12e: {  	s26 =	simm.s32 $0x6394;
	v8 =	vld [tilespmem:s31+$0x0]  }
0x12f: {  	v9 =	vld [tilespmem:s31+$0x80];
	[tilespmem:s26+$0x18F] =	vst v4  }
0x130: {  	[tilespmem:s26+$0xFFFFFE71] =	vst v5;
	v5 =	vld [tilespmem:s31+$0x100]  }
0x131: {  	[tilespmem:s26+$0xFFFFFEF6] =	vst v6;
	v6 =	vld [tilespmem:s31+$0xFFFFFE00]  }
0x132: {  	[tilespmem:s26+$0xFFFFFF7B] =	vst v7;
	v4 =	vld [tilespmem:s31+$0x190]  }
0x133: {  	[tilespmem:s26+$0x0] =	vst v8;
	v7 =	vld [tilespmem:s31+$0xFFFFFE90]  }
0x134: {  	[tilespmem:s26+$0x85] =	vst v9;
	v8 =	vld [tilespmem:s31+$0xFFFFFF10]  }
0x135: {  	v9 =	vld [tilespmem:s31+$0xFFFFFF90];
	[tilespmem:s26+$0x10A] =	vst v5  }
0x136: {  	[tilespmem:s26+$0xFFFFFDEC] =	vst v6;
	v5 =	vld [tilespmem:s31+$0x10]  }
0x137: {  	[tilespmem:s26+$0x19F] =	vst v4;
	v6 =	vld [tilespmem:s31+$0xFFFFFE10]  }
0x138: {  	[tilespmem:s26+$0xFFFFFE81] =	vst v7;
	v7 =	vld [tilespmem:s31+$0x90]  }
0x139: {  	[tilespmem:s26+$0xFFFFFF06] =	vst v8;
	v4 =	vld [tilespmem:s31+$0x1A0]  }
0x13a: {  	[tilespmem:s26+$0xFFFFFF8B] =	vst v9;
	v8 =	vld [tilespmem:s31+$0x110]  }
0x13b: {  	v9 =	vld [tilespmem:s31+$0xFFFFFEA0];
	[tilespmem:s26+$0x10] =	vst v5  }
0x13c: {  	v5 =	vld [tilespmem:s31+$0xFFFFFF20];
	[tilespmem:s26+$0xFFFFFDFC] =	vst v6  }
0x13d: {  	[tilespmem:s26+$0x95] =	vst v7;
	v7 =	vld [tilespmem:s31+$0xFFFFFFA0]  }
0x13e: {  	[tilespmem:s26+$0x1AF] =	vst v4;
	v6 =	vld [tilespmem:s31+$0xFFFFFE20]  }
0x13f: {  	[tilespmem:s26+$0x11A] =	vst v8;
	v4 =	vld [tilespmem:s31+$0x1B0]  }
0x140: {  	v8 =	vld [tilespmem:s31+$0x20];
	[tilespmem:s26+$0xFFFFFE91] =	vst v9  }
0x141: {  	v9 =	vld [tilespmem:s31+$0xA0];
	[tilespmem:s26+$0xFFFFFF16] =	vst v5  }
0x142: {  	v5 =	vld [tilespmem:s31+$0x120];
	[tilespmem:s26+$0xFFFFFF9B] =	vst v7  }
0x143: {  	v7 =	vld [tilespmem:s31+$0xFFFFFEB0];
	[tilespmem:s26+$0xFFFFFE0C] =	vst v6  }
0x144: {  	[tilespmem:s26+$0x1BF] =	vst v4;
	v6 =	vld [tilespmem:s31+$0xFFFFFE30]  }
0x145: {  	[tilespmem:s26+$0x20] =	vst v8;
	v4 =	vld [tilespmem:s31+$0x1C0]  }
0x146: {  	v8 =	vld [tilespmem:s31+$0xFFFFFF30];
	[tilespmem:s26+$0xA5] =	vst v9  }
0x147: {  	v9 =	vld [tilespmem:s31+$0xFFFFFFB0];
	[tilespmem:s26+$0x12A] =	vst v5  }
0x148: {  	v5 =	vld [tilespmem:s31+$0x30];
	[tilespmem:s26+$0xFFFFFEA1] =	vst v7  }
0x149: {  	v7 =	vld [tilespmem:s31+$0x130];
	[tilespmem:s26+$0xFFFFFE1C] =	vst v6  }
0x14a: {  	v6 =	vld [tilespmem:s31+$0xB0];
	[tilespmem:s26+$0x1CF] =	vst v4  }
0x14b: {  	[tilespmem:s26+$0xFFFFFF26] =	vst v8;
	v4 =	vld [tilespmem:s31+$0x1D0]  }
0x14c: {  	[tilespmem:s26+$0xFFFFFFAB] =	vst v9;
	v9 =	vld [tilespmem:s31+$0xFFFFFEC0]  }
0x14d: {  	v8 =	vld [tilespmem:s31+$0xFFFFFE40];
	[tilespmem:s26+$0x30] =	vst v5  }
0x14e: {  	v5 =	vld [tilespmem:s31+$0xFFFFFF40];
	[tilespmem:s26+$0x13A] =	vst v7  }
0x14f: {  	v7 =	vld [tilespmem:s31+$0x40];
	[tilespmem:s26+$0xB5] =	vst v6  }
0x150: {  	v6 =	vld [tilespmem:s31+$0xFFFFFFC0];
	[tilespmem:s26+$0x1DF] =	vst v4  }
0x151: {  	[tilespmem:s26+$0xFFFFFEB1] =	vst v9;
	v4 =	vld [tilespmem:s31+$0x1E0]  }
0x152: {  	v9 =	vld [tilespmem:s31+$0x140];
	[tilespmem:s26+$0xFFFFFE2C] =	vst v8  }
0x153: {  	v8 =	vld [tilespmem:s31+$0xC0];
	[tilespmem:s26+$0xFFFFFF36] =	vst v5  }
0x154: {  	v5 =	vld [tilespmem:s31+$0xFFFFFE50];
	[tilespmem:s26+$0x40] =	vst v7  }
0x155: {  	v7 =	vld [tilespmem:s31+$0xFFFFFF50];
	[tilespmem:s26+$0xFFFFFFBB] =	vst v6  }
0x156: {  	v6 =	vld [tilespmem:s31+$0xFFFFFED0];
	[tilespmem:s26+$0x1EF] =	vst v4  }
0x157: {  	[tilespmem:s26+$0x14A] =	vst v9;
	v4 =	vld [tilespmem:s31+$0x1F0]  }
0x158: {  	v9 =	vld [tilespmem:s31+$0x50];
	[tilespmem:s26+$0xC5] =	vst v8  }
0x159: {  	v8 =	vld [tilespmem:s31+$0xFFFFFFD0];
	[tilespmem:s26+$0xFFFFFE3C] =	vst v5  }
0x15a: {  	v5 =	vld [tilespmem:s31+$0x150];
	[tilespmem:s26+$0xFFFFFF46] =	vst v7  }
0x15b: {  	[tilespmem:s26+$0xFFFFFEC1] =	vst v6;
	v6 =	vld [tilespmem:s31+$0xFFFFFE60]  }
0x15c: {  	[tilespmem:s26+$0x1FF] =	vst v4;
	v4 =	vld [tilespmem:s31+$0xD0]  }
0x15d: {  	[tilespmem:s26+$0x50] =	vst v9;
	v7 =	vld [tilespmem:s31+$0xFFFFFEE0]  }
0x15e: {  	[tilespmem:s26+$0xFFFFFFCB] =	vst v8;
	v8 =	vld [tilespmem:s31+$0xFFFFFF60]  }
0x15f: {  	v9 =	vld [tilespmem:s31+$0xFFFFFFE0];
	[tilespmem:s26+$0x15A] =	vst v5  }
0x160: {  	v10 =	vld [tilespmem:s31+$0x160];
	[tilespmem:s26+$0xFFFFFE4C] =	vst v6  }
0x161: {  	[tilespmem:s26+$0xD5] =	vst v4;
	v4 =	vld [tilespmem:s31+$0x60]  }
0x162: {  	[tilespmem:s26+$0xFFFFFED1] =	vst v7;
	v6 =	vld [tilespmem:s31+$0xE0]  }
0x163: {  	v11 =	vld [tilespmem:s31+$0xFFFFFE70];
	[tilespmem:s26+$0xFFFFFF56] =	vst v8  }
0x164: {  	v8 =	vld [tilespmem:s31+$0xFFFFFEF0];
	[tilespmem:s26+$0xFFFFFFDB] =	vst v9  }
0x165: {  	v7 =	vld [tilespmem:s31+$0xFFFFFF70];
	[tilespmem:s26+$0x16A] =	vst v10  }
0x166: {  	v5 =	vld [tilespmem:s31+$0xFFFFFFF0];
	[tilespmem:s26+$0x60] =	vst v4  }
0x167: {  	[tilespmem:s26+$0xE5] =	vst v6;
	v4 =	vld [tilespmem:s31+$0x70]  }
0x168: {  	s28 =	simm.s32 $0x0;
	[tilespmem:s26+$0xFFFFFE5C] =	vst v11;
	v6 =	vld [tilespmem:s31+$0xF0]  }
0x169: {  	s24 =	simm.s32 $0x1C0;
	s25 =	simm.s32 $0xA400;
	s29 =	simm.s32 $0x2600;
	[tilespmem:s26+$0xFFFFFEE1] =	vst v8;
	v8 =	vld [tilespmem:s31+$0x170]  }
.LBB2_10:
0x16a: {  	v9 =	vld [tilespmem:s29+$0x180];
	s28 =	sadd.s32 $0x8, s28;
	[tilespmem:s26+$0xFFFFFF66] =	vst v7  }
0x16b: {  	v7 =	vld [tilespmem:s29+$0xFFFFFE80];
	p1 =	slt.u32 s28, $0x38;
	[tilespmem:s26+$0xFFFFFFEB] =	vst v5  }
0x16c: {  	v5 =	vld [tilespmem:s29+$0xFFFFFF00];
	[tilespmem:s26+$0x70] =	vst v4  }
0x16d: {  	v4 =	vld [tilespmem:s29+$0xFFFFFF80];
	[tilespmem:s26+$0xF5] =	vst v6  }
0x16e: {  	v6 =	vld [tilespmem:s29+$0x0];
	[tilespmem:s26+$0x17A] =	vst v8;
	s26 =	sadd.s32 $0x428, s26  }
0x16f: {  	v8 =	vld [tilespmem:s29+$0x80];
	[tilespmem:s26+$0x18F] =	vst v9  }
0x170: {  	[tilespmem:s26+$0xFFFFFE71] =	vst v7;
	v7 =	vld [tilespmem:s29+$0x190]  }
0x171: {  	[tilespmem:s26+$0xFFFFFEF6] =	vst v5;
	v5 =	vld [tilespmem:s29+$0x100]  }
0x172: {  	v9 =	vld [tilespmem:s29+$0xFFFFFE00];
	[tilespmem:s26+$0xFFFFFF7B] =	vst v4  }
0x173: {  	v4 =	vld [tilespmem:s29+$0xFFFFFE90];
	[tilespmem:s26+$0x0] =	vst v6  }
0x174: {  	v6 =	vld [tilespmem:s29+$0xFFFFFF10];
	[tilespmem:s26+$0x85] =	vst v8  }
0x175: {  	v8 =	vld [tilespmem:s29+$0xFFFFFF90];
	[tilespmem:s26+$0x19F] =	vst v7  }
0x176: {  	[tilespmem:s26+$0x10A] =	vst v5;
	v5 =	vld [tilespmem:s29+$0x1A0]  }
0x177: {  	[tilespmem:s26+$0xFFFFFDEC] =	vst v9;
	v7 =	vld [tilespmem:s29+$0x10]  }
0x178: {  	v9 =	vld [tilespmem:s29+$0xFFFFFE10];
	[tilespmem:s26+$0xFFFFFE81] =	vst v4  }
0x179: {  	[tilespmem:s26+$0xFFFFFF06] =	vst v6;
	v4 =	vld [tilespmem:s29+$0x90]  }
0x17a: {  	[tilespmem:s26+$0xFFFFFF8B] =	vst v8;
	v6 =	vld [tilespmem:s29+$0x110]  }
0x17b: {  	v8 =	vld [tilespmem:s29+$0xFFFFFEA0];
	[tilespmem:s26+$0x1AF] =	vst v5  }
0x17c: {  	[tilespmem:s26+$0x10] =	vst v7;
	v5 =	vld [tilespmem:s29+$0x1B0]  }
0x17d: {  	[tilespmem:s26+$0xFFFFFDFC] =	vst v9;
	v7 =	vld [tilespmem:s29+$0xFFFFFF20]  }
0x17e: {  	v9 =	vld [tilespmem:s29+$0xFFFFFE20];
	[tilespmem:s26+$0x95] =	vst v4  }
0x17f: {  	v4 =	vld [tilespmem:s29+$0xFFFFFFA0];
	[tilespmem:s26+$0x11A] =	vst v6  }
0x180: {  	[tilespmem:s26+$0xFFFFFE91] =	vst v8;
	v6 =	vld [tilespmem:s29+$0x20]  }
0x181: {  	v8 =	vld [tilespmem:s29+$0xA0];
	[tilespmem:s26+$0x1BF] =	vst v5  }
0x182: {  	[tilespmem:s26+$0xFFFFFF16] =	vst v7;
	v5 =	vld [tilespmem:s29+$0x1C0]  }
0x183: {  	[tilespmem:s26+$0xFFFFFE0C] =	vst v9;
	v7 =	vld [tilespmem:s29+$0x120]  }
0x184: {  	v9 =	vld [tilespmem:s29+$0xFFFFFE30];
	[tilespmem:s26+$0xFFFFFF9B] =	vst v4  }
0x185: {  	v4 =	vld [tilespmem:s29+$0xFFFFFEB0];
	[tilespmem:s26+$0x20] =	vst v6  }
0x186: {  	v6 =	vld [tilespmem:s29+$0xFFFFFF30];
	[tilespmem:s26+$0xA5] =	vst v8  }
0x187: {  	v8 =	vld [tilespmem:s29+$0xFFFFFFB0];
	[tilespmem:s26+$0x1CF] =	vst v5  }
0x188: {  	[tilespmem:s26+$0x12A] =	vst v7;
	v5 =	vld [tilespmem:s29+$0x1D0]  }
0x189: {  	[tilespmem:s26+$0xFFFFFE1C] =	vst v9;
	v7 =	vld [tilespmem:s29+$0x30]  }
0x18a: {  	[tilespmem:s26+$0xFFFFFEA1] =	vst v4;
	v4 =	vld [tilespmem:s29+$0xB0]  }
0x18b: {  	[tilespmem:s26+$0xFFFFFF26] =	vst v6;
	v6 =	vld [tilespmem:s29+$0x130]  }
0x18c: {  	v9 =	vld [tilespmem:s29+$0xFFFFFE40];
	[tilespmem:s26+$0xFFFFFFAB] =	vst v8  }
0x18d: {  	v8 =	vld [tilespmem:s29+$0xFFFFFEC0];
	[tilespmem:s26+$0x1DF] =	vst v5  }
0x18e: {  	[tilespmem:s26+$0x30] =	vst v7;
	v5 =	vld [tilespmem:s29+$0x1E0]  }
0x18f: {  	v7 =	vld [tilespmem:s29+$0xFFFFFF40];
	[tilespmem:s26+$0xB5] =	vst v4  }
0x190: {  	v4 =	vld [tilespmem:s29+$0xFFFFFFC0];
	[tilespmem:s26+$0x13A] =	vst v6  }
0x191: {  	[tilespmem:s26+$0xFFFFFE2C] =	vst v9;
	v6 =	vld [tilespmem:s29+$0x40]  }
0x192: {  	[tilespmem:s26+$0xFFFFFEB1] =	vst v8;
	v8 =	vld [tilespmem:s29+$0xC0]  }
0x193: {  	v9 =	vld [tilespmem:s29+$0x140];
	[tilespmem:s26+$0x1EF] =	vst v5  }
0x194: {  	[tilespmem:s26+$0xFFFFFF36] =	vst v7;
	v5 =	vld [tilespmem:s29+$0x1F0]  }
0x195: {  	v7 =	vld [tilespmem:s29+$0xFFFFFE50];
	[tilespmem:s26+$0xFFFFFFBB] =	vst v4  }
0x196: {  	v4 =	vld [tilespmem:s29+$0xFFFFFED0];
	[tilespmem:s26+$0x40] =	vst v6  }
0x197: {  	v6 =	vld [tilespmem:s29+$0xFFFFFF50];
	[tilespmem:s26+$0xC5] =	vst v8  }
0x198: {  	v8 =	vld [tilespmem:s29+$0xFFFFFFD0];
	[tilespmem:s26+$0x14A] =	vst v9  }
0x199: {  	s30 =	simm.s32 $0x0;
	v9 =	vld [tilespmem:s29+$0x50];
	[tilespmem:s26+$0x1FF] =	vst v5  }
0x19a: {  	[tilespmem:s26+$0xFFFFFE3C] =	vst v7;
	v5 =	vld [tilespmem:s29+$0xD0]  }
0x19b: {  	[tilespmem:s26+$0xFFFFFEC1] =	vst v4;
	v4 =	vld [tilespmem:s29+$0x150]  }
0x19c: {  	v7 =	vld [tilespmem:s29+$0xFFFFFE60];
	[tilespmem:s26+$0xFFFFFF46] =	vst v6  }
0x19d: {  	v6 =	vld [tilespmem:s29+$0xFFFFFEE0];
	[tilespmem:s26+$0xFFFFFFCB] =	vst v8  }
0x19e: {  	v8 =	vld [tilespmem:s29+$0xFFFFFF60];
	[tilespmem:s26+$0x50] =	vst v9  }
0x19f: {  	v9 =	vld [tilespmem:s29+$0xFFFFFFE0];
	[tilespmem:s26+$0xD5] =	vst v5  }
0x1a0: {  	v5 =	vld [tilespmem:s29+$0x60];
	[tilespmem:s26+$0x15A] =	vst v4  }
0x1a1: {  	[tilespmem:s26+$0xFFFFFE4C] =	vst v7;
	v4 =	vld [tilespmem:s29+$0xE0]  }
0x1a2: {  	[tilespmem:s26+$0xFFFFFED1] =	vst v6;
	v6 =	vld [tilespmem:s29+$0x160]  }
0x1a3: {  	v10 =	vld [tilespmem:s29+$0xFFFFFE70];
	[tilespmem:s26+$0xFFFFFF56] =	vst v8  }
0x1a4: {  	v8 =	vld [tilespmem:s29+$0xFFFFFEF0];
	[tilespmem:s26+$0xFFFFFFDB] =	vst v9  }
.Ltmp8:
0x1a5: {  	v7 =	vld [tilespmem:s29+$0xFFFFFF70];
	[tilespmem:s26+$0x60] =	vst v5;
	(pc) =	sbr.rel @p1 .LBB2_10-.Ltmp8, $4  }
0x1a6: {  	v5 =	vld [tilespmem:s29+$0xFFFFFFF0];
	[tilespmem:s26+$0xE5] =	vst v4  }
0x1a7: {  	v4 =	vld [tilespmem:s29+$0x70];
	[tilespmem:s26+$0x16A] =	vst v6  }
0x1a8: {  	[tilespmem:s26+$0xFFFFFE5C] =	vst v10;
	v6 =	vld [tilespmem:s29+$0xF0]  }
0x1a9: {  	[tilespmem:s26+$0xFFFFFEE1] =	vst v8;
	v8 =	vld [tilespmem:s29+$0x170];
	s29 =	sadd.s32 $0x400, s29  }
0x1aa: {  	[tilespmem:s26+$0xFFFFFF66] =	vst v7;
	v7 =	vadd.s32 s30, v0;
	s12 =	simm.s32 $0x7  }
0x1ab: {  	s0 =	simm.s32 $0x4;
	[tilespmem:s26+$0xFFFFFFEB] =	vst v5;
	v5 =	vadd.s32 s12, v0  }
0x1ac: {  	s6 =	simm.s32 $0x1;
	v9 =	vadd.s32 s0, v0;
	[tilespmem:s26+$0x70] =	vst v4  }
0x1ad: {  	s10 =	simm.s32 $0x2;
	v4 =	vadd.s32 s6, v0;
	[tilespmem:s26+$0xF5] =	vst v6  }
0x1ae: {  	s11 =	simm.s32 $0x3;
	v6 =	vadd.s32 s10, v0;
	[tilespmem:s26+$0x17A] =	vst v8  }
0x1af: {  	s7 =	simm.s32 $0x5;
	v8 =	vadd.s32 s11, v0;
	v7 =	vld.idx.msk [tilespmem:v7+s18+$0x0], $0xffff  }
0x1b0: {  	s1 =	simm.s32 $0x6;
	v10 =	vadd.s32 s7, v0;
	v5 =	vld.idx.msk [tilespmem:v5+s18+$0x0], $0xffff  }
0x1b1: {  	v11 =	vadd.s32 s1, v0;
	v9 =	vld.idx.msk [tilespmem:v9+s18+$0x0], $0xffff  }
0x1b2: {  	v12 =	vadd.s32 s12, v1;
	v4 =	vld.idx.msk [tilespmem:v4+s18+$0x0], $0xffff  }
0x1b3: {  	v16 =	vadd.s32 s0, v1;
	v6 =	vld.idx.msk [tilespmem:v6+s18+$0x0], $0xffff  }
0x1b4: {  	v13 =	vadd.s32 s6, v1;
	v8 =	vld.idx.msk [tilespmem:v8+s18+$0x0], $0xffff  }
0x1b5: {  	v14 =	vadd.s32 s10, v1;
	v10 =	vld.idx.msk [tilespmem:v10+s18+$0x0], $0xffff;
	[tilespmem:s25+$0xC0] =	vst v5  }
0x1b6: {  	v15 =	vadd.s32 s11, v1;
	v11 =	vld.idx.msk [tilespmem:v11+s18+$0x0], $0xffff;
	[tilespmem:s25+$0x0] =	vst v9  }
0x1b7: {  	[tilespmem:s25+$0xFFFFFF40] =	vst v4;
	v4 =	vadd.s32 s7, v1;
	v5 =	vld.idx.msk [tilespmem:v12+s18+$0x0], $0xffff  }
0x1b8: {  	v16 =	vld.idx.msk [tilespmem:v16+s18+$0x0], $0xffff;
	[tilespmem:s25+$0xFFFFFF80] =	vst v6;
	v6 =	vadd.s32 s1, v1  }
0x1b9: {  	v12 =	vld.idx.msk [tilespmem:v13+s18+$0x0], $0xffff;
	[tilespmem:s25+$0xFFFFFFC0] =	vst v8;
	v8 =	vadd.s32 s12, v2  }
0x1ba: {  	v13 =	vld.idx.msk [tilespmem:v14+s18+$0x0], $0xffff;
	v14 =	vadd.s32 s30, v1  }
0x1bb: {  	v9 =	vadd.s32 s6, v2;
	[tilespmem:s25+$0x40] =	vst v10;
	v15 =	vld.idx.msk [tilespmem:v15+s18+$0x0], $0xffff  }
0x1bc: {  	s13 =	sor.u32 $0x50, s24;
	v10 =	vadd.s32 s10, v2;
	[tilespmem:s25+$0x80] =	vst v11;
	v4 =	vld.idx.msk [tilespmem:v4+s18+$0x0], $0xffff  }
0x1bd: {  	v11 =	vadd.s32 s11, v2;
	[tilespmem:s13+$0xA300] =	vst v5;
	v17 =	vld.idx.msk [tilespmem:v6+s18+$0x0], $0xffff  }
0x1be: {  	[tilespmem:s25+$0xFFFFFF00] =	vst v7;
	v5 =	vadd.s32 s0, v2;
	v7 =	vld.idx.msk [tilespmem:v8+s18+$0x0], $0xffff  }
0x1bf: {  	s13 =	simm.s32 $0xC0;
	[tilespmem:s25+$0xFFFFFF50] =	vst v12;
	v6 =	vadd.s32 s7, v2;
	v8 =	vld.idx.msk [tilespmem:v14+s18+$0x0], $0xffff  }
0x1c0: {  	s16 =	sor.u32 $0x50, s13;
	v12 =	vld.idx.msk [tilespmem:v9+s18+$0x0], $0xffff;
	[tilespmem:s25+$0xFFFFFF90] =	vst v13;
	v9 =	vadd.s32 s12, v3  }
0x1c1: {  	s12 =	simm.s32 $0x140;
	v13 =	vadd.s32 s1, v2;
	v10 =	vld.idx.msk [tilespmem:v10+s18+$0x0], $0xffff;
	[tilespmem:s16+$0xA300] =	vst v15  }
0x1c2: {  	[tilespmem:s25+$0x10] =	vst v16;
	v14 =	vadd.s32 s30, v2;
	s3 =	sor.u32 $0x50, s12;
	v18 =	vld.idx.msk [tilespmem:v11+s18+$0x0], $0xffff  }
0x1c3: {  	s19 =	sor.u32 $0x60, s24;
	v16 =	vadd.s32 s6, v3;
	v19 =	vld.idx.msk [tilespmem:v5+s18+$0x0], $0xffff;
	[tilespmem:s3+$0xA300] =	vst v4  }
0x1c4: {  	v20 =	vadd.s32 s10, v3;
	v6 =	vld.idx.msk [tilespmem:v6+s18+$0x0], $0xffff;
	[tilespmem:s19+$0xA300] =	vst v7  }
0x1c5: {  	v21 =	vadd.s32 s11, v3;
	[tilespmem:s25+$0x90] =	vst v17;
	v11 =	vld.idx.msk [tilespmem:v9+s18+$0x0], $0xffff  }
0x1c6: {  	s26 =	simm.s32 $0x8;
	v15 =	vadd.s32 s0, v3;
	[tilespmem:s25+$0xFFFFFF10] =	vst v8;
	v9 =	vld.idx.msk [tilespmem:v13+s18+$0x0], $0xffff  }
0x1c7: {  	v4 =	vadd.s32 s26, v0;
	[tilespmem:s25+$0xFFFFFF60] =	vst v12;
	v7 =	vld.idx.msk [tilespmem:v14+s18+$0x0], $0xffff  }
0x1c8: {  	s20 =	sor.u32 $0x60, s13;
	v5 =	vld.idx.msk [tilespmem:v16+s18+$0x0], $0xffff;
	[tilespmem:s25+$0xFFFFFFA0] =	vst v10;
	v14 =	vadd.s32 s7, v3  }
0x1c9: {  	s28 =	simm.s32 $0xF;
	s29 =	simm.s32 $0x10;
	s0 =	sor.u32 $0x70, s13;
	v13 =	vadd.s32 s1, v3;
	v8 =	vld.idx.msk [tilespmem:v20+s18+$0x0], $0xffff;
	[tilespmem:s20+$0xA300] =	vst v18  }
0x1ca: {  	s6 =	sor.u32 $0x60, s12;
	s31 =	sor.u32 $0x70, s12;
	v12 =	vadd.s32 s30, v3;
	s7 =	sor.u32 $0x70, s24;
	v10 =	vld.idx.msk [tilespmem:v21+s18+$0x0], $0xffff;
	[tilespmem:s25+$0x20] =	vst v19  }
.LBB2_12:
0x1cb: {  	p1 =	slt.u32 s29, $0x78;
	s1 =	sadd.s32 $0x1, s26;
	v16 =	vadd.s32 s28, v0;
	v15 =	vld.idx.msk [tilespmem:v15+s18+$0x0], $0xffff;
	[tilespmem:s7+$0xA300] =	vst v11;
	s30 =	smov.u32 s26  }
0x1cc: {  	s26 =	smov.u32 s29;
	v4 =	vld.idx.msk [tilespmem:v4+s18+$0x0], $0xffff;
	v11 =	vadd.s32 s1, v0;
	s12 =	sadd.s32 $0x2, s30;
	[tilespmem:s6+$0xA300] =	vst v6  }
0x1cd: {  	s7 =	sadd.s32 $0x3, s30;
	v6 =	vadd.s32 s12, v0;
	v14 =	vld.idx.msk [tilespmem:v14+s18+$0x0], $0xffff;
	[tilespmem:s25+$0xA0] =	vst v9  }
0x1ce: {  	s10 =	sadd.s32 $0x4, s30;
	v9 =	vadd.s32 s7, v0;
	[tilespmem:s25+$0xFFFFFF20] =	vst v7;
	v7 =	vld.idx.msk [tilespmem:v13+s18+$0x0], $0xffff  }
0x1cf: {  	s13 =	sadd.s32 $0x5, s30;
	v13 =	vadd.s32 s10, v0;
	v12 =	vld.idx.msk [tilespmem:v12+s18+$0x0], $0xffff;
	[tilespmem:s25+$0xFFFFFF70] =	vst v5  }
0x1d0: {  	s11 =	sadd.s32 $0x6, s30;
	v5 =	vadd.s32 s13, v0;
	v16 =	vld.idx.msk [tilespmem:v16+s18+$0x0], $0xffff;
	[tilespmem:s25+$0xFFFFFFB0] =	vst v8  }
0x1d1: {  	v8 =	vld.idx.msk [tilespmem:v11+s18+$0x0], $0xffff;
	v11 =	vadd.s32 s11, v0;
	[tilespmem:s0+$0xA300] =	vst v10  }
0x1d2: {  	v10 =	vadd.s32 s28, v1;
	v6 =	vld.idx.msk [tilespmem:v6+s18+$0x0], $0xffff;
	[tilespmem:s25+$0x30] =	vst v15  }
0x1d3: {  	v15 =	vadd.s32 s1, v1;
	v9 =	vld.idx.msk [tilespmem:v9+s18+$0x0], $0xffff;
	[tilespmem:s31+$0xA300] =	vst v14  }
0x1d4: {  	v14 =	vadd.s32 s12, v1;
	v13 =	vld.idx.msk [tilespmem:v13+s18+$0x0], $0xffff;
	[tilespmem:s25+$0xB0] =	vst v7  }
0x1d5: {  	v7 =	vadd.s32 s7, v1;
	v5 =	vld.idx.msk [tilespmem:v5+s18+$0x0], $0xffff;
	[tilespmem:s25+$0xFFFFFF30] =	vst v12;
	s25 =	sadd.s32 $0x200, s25  }
0x1d6: {  	v12 =	vadd.s32 s10, v1;
	v11 =	vld.idx.msk [tilespmem:v11+s18+$0x0], $0xffff;
	[tilespmem:s25+$0xC0] =	vst v16  }
0x1d7: {  	[tilespmem:s25+$0xFFFFFF40] =	vst v8;
	v8 =	vadd.s32 s13, v1;
	v10 =	vld.idx.msk [tilespmem:v10+s18+$0x0], $0xffff  }
0x1d8: {  	v15 =	vld.idx.msk [tilespmem:v15+s18+$0x0], $0xffff;
	[tilespmem:s25+$0xFFFFFF80] =	vst v6;
	v6 =	vadd.s32 s11, v1  }
0x1d9: {  	v14 =	vld.idx.msk [tilespmem:v14+s18+$0x0], $0xffff;
	[tilespmem:s25+$0xFFFFFFC0] =	vst v9;
	v9 =	vadd.s32 s28, v2  }
0x1da: {  	v16 =	vadd.s32 s30, v1;
	v7 =	vld.idx.msk [tilespmem:v7+s18+$0x0], $0xffff;
	[tilespmem:s25+$0x0] =	vst v13  }
0x1db: {  	s24 =	sadd.s32 $0x200, s24;
	v13 =	vadd.s32 s1, v2;
	v12 =	vld.idx.msk [tilespmem:v12+s18+$0x0], $0xffff;
	[tilespmem:s25+$0x40] =	vst v5  }
0x1dc: {  	s16 =	sadd.s32 $0xFFFFFF80, s24;
	s6 =	sor.u32 $0x50, s24;
	s0 =	sadd.s32 $0xFFFFFF00, s24;
	v5 =	vadd.s32 s12, v2;
	v8 =	vld.idx.msk [tilespmem:v8+s18+$0x0], $0xffff;
	[tilespmem:s25+$0x80] =	vst v11  }
0x1dd: {  	s3 =	sor.u32 $0x50, s16;
	s19 =	sor.u32 $0x50, s0;
	s20 =	sor.u32 $0x60, s0;
	v11 =	vadd.s32 s7, v2;
	v17 =	vld.idx.msk [tilespmem:v6+s18+$0x0], $0xffff;
	[tilespmem:s6+$0xA300] =	vst v10  }
0x1de: {  	s0 =	sor.u32 $0x70, s0;
	s31 =	sor.u32 $0x70, s16;
	s6 =	sor.u32 $0x60, s16;
	[tilespmem:s25+$0xFFFFFF00] =	vst v4;
	v4 =	vadd.s32 s10, v2;
	v9 =	vld.idx.msk [tilespmem:v9+s18+$0x0], $0xffff  }
0x1df: {  	v6 =	vadd.s32 s13, v2;
	v10 =	vld.idx.msk [tilespmem:v16+s18+$0x0], $0xffff;
	[tilespmem:s25+$0xFFFFFF50] =	vst v15  }
0x1e0: {  	v13 =	vld.idx.msk [tilespmem:v13+s18+$0x0], $0xffff;
	[tilespmem:s25+$0xFFFFFF90] =	vst v14;
	v14 =	vadd.s32 s28, v3  }
0x1e1: {  	v16 =	vld.idx.msk [tilespmem:v5+s18+$0x0], $0xffff;
	[tilespmem:s19+$0xA300] =	vst v7;
	v5 =	vadd.s32 s11, v2  }
0x1e2: {  	v7 =	vadd.s32 s30, v2;
	v18 =	vld.idx.msk [tilespmem:v11+s18+$0x0], $0xffff;
	[tilespmem:s25+$0x10] =	vst v12  }
0x1e3: {  	v12 =	vadd.s32 s1, v3;
	s1 =	sor.u32 $0x60, s24;
	v19 =	vld.idx.msk [tilespmem:v4+s18+$0x0], $0xffff;
	[tilespmem:s3+$0xA300] =	vst v8  }
0x1e4: {  	v8 =	vadd.s32 s12, v3;
	v6 =	vld.idx.msk [tilespmem:v6+s18+$0x0], $0xffff;
	[tilespmem:s1+$0xA300] =	vst v9  }
0x1e5: {  	v20 =	vadd.s32 s7, v3;
	[tilespmem:s25+$0x90] =	vst v17;
	v11 =	vld.idx.msk [tilespmem:v14+s18+$0x0], $0xffff  }
.Ltmp9:
0x1e6: {  	v15 =	vadd.s32 s10, v3;
	[tilespmem:s25+$0xFFFFFF10] =	vst v10;
	v9 =	vld.idx.msk [tilespmem:v5+s18+$0x0], $0xffff;
	(pc) =	sbr.rel @p1 .LBB2_12-.Ltmp9, $4  }
0x1e7: {  	v4 =	vadd.s32 s29, v0;
	v7 =	vld.idx.msk [tilespmem:v7+s18+$0x0], $0xffff;
	[tilespmem:s25+$0xFFFFFF60] =	vst v13  }
0x1e8: {  	v14 =	vadd.s32 s13, v3;
	v5 =	vld.idx.msk [tilespmem:v12+s18+$0x0], $0xffff;
	[tilespmem:s25+$0xFFFFFFA0] =	vst v16  }
0x1e9: {  	v13 =	vadd.s32 s11, v3;
	v8 =	vld.idx.msk [tilespmem:v8+s18+$0x0], $0xffff;
	[tilespmem:s20+$0xA300] =	vst v18  }
0x1ea: {  	s7 =	sor.u32 $0x70, s24;
	s28 =	sadd.s32 $0x7, s26;
	s29 =	sadd.s32 $0x8, s29;
	v12 =	vadd.s32 s30, v3;
	v10 =	vld.idx.msk [tilespmem:v20+s18+$0x0], $0xffff;
	[tilespmem:s25+$0x20] =	vst v19  }
0x1eb: {  	_ =	sdelay $0x1  }
0x1ec: {  	[tilespmem:s7+$0xA300] =	vst v11  }
0x1ed: {  	[tilespmem:s6+$0xA300] =	vst v6  }
0x1ee: {  	s1 =	sadd.s32 $0x1, s26;
	v29 =	vadd.s32 s28, v0;
	v30 =	vld.idx.msk [tilespmem:v15+s18+$0x0], $0xffff;
	[tilespmem:s25+$0xA0] =	vst v9  }
0x1ef: {  	s7 =	sadd.s32 $0x2, s26;
	v4 =	vld.idx.msk [tilespmem:v4+s18+$0x0], $0xffff;
	v31 =	vadd.s32 s1, v0;
	[tilespmem:s25+$0xFFFFFF20] =	vst v7  }
0x1f0: {  	s11 =	sadd.s32 $0x5, s26;
	v32 =	vadd.s32 s7, v0;
	v14 =	vld.idx.msk [tilespmem:v14+s18+$0x0], $0xffff;
	[tilespmem:s25+$0xFFFFFF70] =	vst v5  }
0x1f1: {  	s20 =	sadd.s32 $0x3, s26;
	v13 =	vld.idx.msk [tilespmem:v13+s18+$0x0], $0xffff;
	v34 =	vadd.s32 s11, v0;
	[tilespmem:s25+$0xFFFFFFB0] =	vst v8  }
0x1f2: {  	s10 =	sadd.s32 $0x4, s26;
	v33 =	vadd.s32 s20, v0;
	v12 =	vld.idx.msk [tilespmem:v12+s18+$0x0], $0xffff;
	[tilespmem:s0+$0xA300] =	vst v10  }
0x1f3: {  	s12 =	sadd.s32 $0x6, s26;
	v5 =	vadd.s32 s10, v0;
	s0 =	sadd.s32 $0x200, s25;
	v11 =	vld.idx.msk [tilespmem:v29+s18+$0x0], $0xffff;
	[tilespmem:s25+$0x30] =	vst v30  }
0x1f4: {  	v36 =	vadd.s32 s12, v0;
	[tilespmem:s0+$0xFFFFFF00] =	vst v4;
	v35 =	vld.idx.msk [tilespmem:v31+s18+$0x0], $0xffff  }
0x1f5: {  	v38 =	vadd.s32 s28, v1;
	v37 =	vld.idx.msk [tilespmem:v32+s18+$0x0], $0xffff;
	[tilespmem:s31+$0xA300] =	vst v14  }
0x1f6: {  	v47 =	vadd.s32 s26, v1;
	[tilespmem:s25+$0xB0] =	vst v13;
	v8 =	vld.idx.msk [tilespmem:v34+s18+$0x0], $0xffff  }
0x1f7: {  	v39 =	vadd.s32 s1, v1;
	v7 =	vld.idx.msk [tilespmem:v33+s18+$0x0], $0xffff;
	[tilespmem:s25+$0xFFFFFF30] =	vst v12  }
0x1f8: {  	v40 =	vadd.s32 s7, v1;
	v5 =	vld.idx.msk [tilespmem:v5+s18+$0x0], $0xffff;
	[tilespmem:s0+$0xC0] =	vst v11  }
0x1f9: {  	v44 =	vadd.s32 s11, v1;
	v42 =	vld.idx.msk [tilespmem:v36+s18+$0x0], $0xffff;
	[tilespmem:s0+$0xFFFFFF40] =	vst v35  }
0x1fa: {  	v41 =	vadd.s32 s20, v1;
	v9 =	vld.idx.msk [tilespmem:v38+s18+$0x0], $0xffff;
	[tilespmem:s0+$0xFFFFFF80] =	vst v37  }
0x1fb: {  	v43 =	vadd.s32 s10, v1;
	[tilespmem:s0+$0x40] =	vst v8;
	v8 =	vld.idx.msk [tilespmem:v47+s18+$0x0], $0xffff  }
0x1fc: {  	v46 =	vadd.s32 s28, v2;
	[tilespmem:s0+$0xFFFFFFC0] =	vst v7;
	v45 =	vld.idx.msk [tilespmem:v39+s18+$0x0], $0xffff  }
0x1fd: {  	s3 =	sadd.s32 $0x200, s24;
	[tilespmem:s0+$0x0] =	vst v5;
	v5 =	vadd.s32 s12, v1;
	v12 =	vld.idx.msk [tilespmem:v40+s18+$0x0], $0xffff  }
0x1fe: {  	v54 =	vadd.s32 s26, v2;
	s13 =	sor.u32 $0x50, s3;
	[tilespmem:s0+$0x80] =	vst v42;
	v6 =	vld.idx.msk [tilespmem:v44+s18+$0x0], $0xffff  }
0x1ff: {  	v48 =	vadd.s32 s1, v2;
	v11 =	vld.idx.msk [tilespmem:v41+s18+$0x0], $0xffff;
	[tilespmem:s13+$0xA300] =	vst v9  }
0x200: {  	v49 =	vadd.s32 s7, v2;
	v10 =	vld.idx.msk [tilespmem:v43+s18+$0x0], $0xffff;
	[tilespmem:s0+$0xFFFFFF10] =	vst v8  }
0x201: {  	s19 =	sadd.s32 $0xFFFFFF80, s3;
	v4 =	vadd.s32 s20, v2;
	v13 =	vld.idx.msk [tilespmem:v46+s18+$0x0], $0xffff;
	[tilespmem:s0+$0xFFFFFF50] =	vst v45  }
0x202: {  	s29 =	sadd.s32 $0xFFFFFF00, s3;
	v52 =	vadd.s32 s11, v2;
	s30 =	sor.u32 $0x50, s19;
	v5 =	vld.idx.msk [tilespmem:v5+s18+$0x0], $0xffff;
	[tilespmem:s0+$0xFFFFFF90] =	vst v12  }
0x203: {  	v50 =	vadd.s32 s10, v2;
	s16 =	sor.u32 $0x50, s29;
	[tilespmem:s30+$0xA300] =	vst v6;
	v6 =	vld.idx.msk [tilespmem:v54+s18+$0x0], $0xffff  }
0x204: {  	v51 =	vadd.s32 s28, v3;
	[tilespmem:s16+$0xA300] =	vst v11;
	v14 =	vld.idx.msk [tilespmem:v48+s18+$0x0], $0xffff  }
0x205: {  	v53 =	vadd.s32 s12, v2;
	s31 =	sor.u32 $0x60, s3;
	[tilespmem:s0+$0x10] =	vst v10;
	v9 =	vld.idx.msk [tilespmem:v49+s18+$0x0], $0xffff  }
0x206: {  	v55 =	vadd.s32 s1, v3;
	v4 =	vld.idx.msk [tilespmem:v4+s18+$0x0], $0xffff;
	[tilespmem:s31+$0xA300] =	vst v13  }
0x207: {  	v57 =	vadd.s32 s20, v3;
	v56 =	vld.idx.msk [tilespmem:v52+s18+$0x0], $0xffff;
	[tilespmem:s0+$0x90] =	vst v5  }
0x208: {  	v59 =	vadd.s32 s11, v3;
	v7 =	vld.idx.msk [tilespmem:v50+s18+$0x0], $0xffff;
	[tilespmem:s0+$0xFFFFFF20] =	vst v6  }
0x209: {  	v58 =	vadd.s32 s10, v3;
	v12 =	vld.idx.msk [tilespmem:v51+s18+$0x0], $0xffff;
	[tilespmem:s0+$0xFFFFFF60] =	vst v14  }
0x20a: {  	s16 =	sor.u32 $0x60, s29;
	v5 =	vadd.s32 s7, v3;
	v10 =	vld.idx.msk [tilespmem:v53+s18+$0x0], $0xffff;
	[tilespmem:s0+$0xFFFFFFA0] =	vst v9  }
0x20b: {  	v60 =	vadd.s32 s12, v3;
	s24 =	sor.u32 $0x60, s19;
	[tilespmem:s16+$0xA300] =	vst v4;
	v4 =	vld.idx.msk [tilespmem:v55+s18+$0x0], $0xffff  }
0x20c: {  	v61 =	vadd.s32 s26, v3;
	[tilespmem:s24+$0xA300] =	vst v56;
	v11 =	vld.idx.msk [tilespmem:v57+s18+$0x0], $0xffff  }
0x20d: {  	s20 =	sor.u32 $0x70, s3;
	[tilespmem:s0+$0x20] =	vst v7;
	v9 =	vld.idx.msk [tilespmem:v59+s18+$0x0], $0xffff  }
0x20e: {  	v62 =	vld.idx.msk [tilespmem:v58+s18+$0x0], $0xffff;
	[tilespmem:s20+$0xA300] =	vst v12  }
0x20f: {  	v5 =	vld.idx.msk [tilespmem:v5+s18+$0x0], $0xffff;
	[tilespmem:s0+$0xA0] =	vst v10  }
0x210: {  	s25 =	sor.u32 $0x70, s29;
	v63 =	vld.idx.msk [tilespmem:v60+s18+$0x0], $0xffff;
	[tilespmem:s0+$0xFFFFFF70] =	vst v4  }
0x211: {  	s26 =	sor.u32 $0x70, s19;
	v4 =	vld.idx.msk [tilespmem:v61+s18+$0x0], $0xffff;
	[tilespmem:s25+$0xA300] =	vst v11  }
0x212: {  	[tilespmem:s26+$0xA300] =	vst v9  }
.Ltmp10:
0x213: {  	[tilespmem:s0+$0x30] =	vst v62;
	(pc) =	sbr.rel .LBB2_14-.Ltmp10, $4  }
0x214: {  	[tilespmem:s0+$0xFFFFFFB0] =	vst v5  }
0x215: {  	s28 =	sshll.u32 s23, $0xA;
	[tilespmem:s0+$0xB0] =	vst v63  }
0x216: {  	s29 =	sadd.s32 s5, s28;
	s30 =	simm.s32 $0x0;
	s31 =	simm.s32 $0xA300;
	[tilespmem:s0+$0xFFFFFF30] =	vst v4  }
0x217: {  	[hbm4b:s29+s30] =	stream.linear.scatter [tilespmem:s31], [sflag:$0x4], $0x2000, $0x38;
	[tilespmem:$0xC300] =	vst v63  }
.LBB2_16:
0x218: {  	_ =	sfence.sel $0x180000  }
0x219: {  	[bflag:$0x0] =	sbarrier.arrive $0xFFFF  }
0x21a: {  	_ =	strace $0x90000047  }
0x21b: {  	s0 =	stileid.u32;
	[bflag:$0x2] =	sbarrier.arrive $0xFFFF  }
0x21c: {  	p0 =	sne.s32 s0, $0x0;
	s0 =	rddreg [dreg:$0x2]  }
0x21d: {  	s0 =	sadd.s32 @!p0 $0x100000, s0  }
0x21e: {  	[sflag:s0] =	ssyncadd.tile.s32 @!p0 $0x1;
	_ =	shalt  }
.Lfunc_end2:
_tile_overlayer_lowered:
.L_overlay_start_2:
0x21f: {  	(tag) =	ssettag $0x2  }
0x220: {  	s0 =	rddreg [dreg:$0x0];
	s2 =	stileid.u32  }
0x221: {  	s1 =	rddreg [dreg:$0x1];
	p0 =	sne.s32 s2, $0x0  }
0x222: {  	s3 =	rddreg [dreg:$0x2];
	[bflag:$0x3] =	sbarrier.arrive $0xFFFF;
	s2 =	simm.s32 @!p0 $0x1C05  }
0x223: {  	[timem:s3], [sflag:s2] =	dma.local @!p0 [hbm:s0], s1  }
0x224: {  	s0 =	simm.s32 @!p0 $0x5  }
0x225: {  	_ =	swait.ge @!p0 [sflag:s0], s1  }
0x226: {  	s1 =	ssub.s32 @!p0 $0x0, s1;
	[sflag:s0] =	ssyncset.done @!p0 $0x0  }
0x227: {  	[sflag:s0] =	ssyncadd.s32 @!p0 s1  }
0x228: {  	[bflag:$0x3] =	sbarrier.arrive $0xFFFF  }
0x229: {  	_ =	shalt  }

// kernel: kernel.7.cloned.1.call-start
scs
__scs_entry_jumppad:
0x0: {  	(pc) =	sbr.rel $0x88, $3  }
0x1: {  	(tag) =	ssettag $0x0;
	lr =	simm.s32 $0x1  }
0x2: {  	[smem:$0x3F9F] =	sst lr;
	_ =	strace $0xD0000000  }
0x3: {  	_ = 	snop  }
0x4: {  	_ = 	snop  }
0x5: {  	_ = 	snop  }
0x6: {  	_ = 	snop  }
0x7: {  	_ = 	snop  }
__scs_overlays_trampoline_lowered:
0x8: {  	[smem:$0x3FAE] =	sst s0  }
0x9: {  	[smem:$0x3FAF] =	sst s1  }
0xa: {  	[smem:$0x3FB0] =	sst s2  }
0xb: {  	[smem:$0x3FB1] =	sst s3  }
0xc: {  	[smem:$0x3FB2] =	sst s4  }
0xd: {  	[smem:$0x3FB3] =	sst s5  }
0xe: {  	[smem:$0x3FB4] =	sst s6  }
0xf: {  	[smem:$0x3FB5] =	sst s7  }
0x10: {  	[smem:$0x3FB6] =	sst s8  }
0x11: {  	[smem:$0x3FB7] =	sst s9;
	s0 =	simm.s32 @!p0 $0x0  }
0x12: {  	s1 =	sld [smem:$0x3F9D];
	s0 =	simm.s32 @p0 $0x1  }
0x13: {  	[smem:$0x3FB8] =	sst s0;
	s0 =	simm.s32 @!p1 $0x0  }
0x14: {  	s2 =	sld [smem:$0x3F9C];
	s0 =	simm.s32 @p1 $0x1  }
0x15: {  	[smem:$0x3FB9] =	sst s0;
	s0 =	simm.s32 @!p2 $0x0  }
0x16: {  	s3 =	sld [smem:$0x3FDB];
	s0 =	simm.s32 @p2 $0x1  }
0x17: {  	s4 =	simm.s32 $0x1BF5;
	[smem:$0x3FBB] =	sst s0  }
0x18: {  	s0 =	sld [smem:$0x3F9E];
	_ =	swait.ge [sflag:s4], $0x0  }
0x19: {  	s7 =	sld [smem:$0x3F9F]  }
0x1a: {  	s8 =	sadd.s32 $0xFFFFE003, lr  }
0x1b: {  	s9 =	sadd.s32 $0xFFFFFEF7, lr;
	s5 =	simm.s32 $0xFFFFFFFF;
	p2 =	slt.u32 s8, $0xFFFFF086  }
0x1c: {  	p1 =	slt.u32 s9, $0xF7A;
	s5 =	simm.s32 @!p2 $0x0  }
0x1d: {  	s5 =	simm.s32 @p1 $0x1;
	p0 =	seq.s32 s7, s2  }
0x1e: {  	s7 =	smul.u32 @!p0 $0xF7A, s2;
	p2 =	seq.s32 @!p0 s5, $0x0  }
0x1f: {  	s9 =	smul.u32 $0xF7A, s1;
	s8 =	simm.s32 @!p0 $0x1BF5;
	p2 =	por !p2, p0  }
0x20: {  	[sflag:s8] =	ssyncset.s32 @!p0 $0xFFFFF086;
	s6 =	sadd.s32 @!p0 s3, s7;
	s7 =	simm.s32 @!p0 $0x108  }
0x21: {  	s3 =	sadd.s32 s3, s9;
	s6 =	sadd.s32 @!p0 $0x88, s6;
	s7 =	simm.s32 @p2 $0x1082  }
0x22: {  	[simem:s7], [sflag:s8] =	dma.local @!p0 [hbm:s6], $0xF7A  }
0x23: {  	s9 =	sor.u32 $0xD0000000, s2;
	s6 =	simm.s32 $0x108;
	_ =	swait.ge @!p0 [sflag:s8], $0x0  }
0x24: {  	s3 =	sadd.s32 $0x88, s3;
	s6 =	simm.s32 @!p1 $0x1082;
	[sflag:s4] =	ssyncset.s32 $0xFFFFF086  }
0x25: {  	[simem:s6], [sflag:s4] =	dma.local [hbm:s3], $0xF7A  }
0x26: {  	[smem:$0x3F9F] =	sst s1;
	(tag) =	ssettag s2;
	_ =	strace s9  }
0x27: {  	s1 =	sld [smem:$0x3FAF]  }
0x28: {  	s2 =	sld [smem:$0x3FB0]  }
0x29: {  	s4 =	sld [smem:$0x3FB2]  }
0x2a: {  	p0 =	seq.s32 s5, $0x0;
	s5 =	sld [smem:$0x3FB3]  }
0x2b: {  	s6 =	sld [smem:$0x3FB4]  }
0x2c: {  	s7 =	sld [smem:$0x3FB5]  }
0x2d: {  	s3 =	simm.s32 $0x108;
	s8 =	sld [smem:$0x3FB6]  }
0x2e: {  	s3 =	simm.s32 @!p0 $0x1082;
	s9 =	sld [smem:$0x3FB7]  }
0x2f: {  	lr =	sadd.s32 s0, s3;
	s0 =	sld [smem:$0x3FAE]  }
0x30: {  	s3 =	sld [smem:$0x3FB1]  }
0x31: {  	[smem:$0x3FBA] =	sst s10  }
0x32: {  	s10 =	sld [smem:$0x3FB8];
	_ =	sdelay $0x3  }
0x33: {  	p0 =	seq.s32 s10, $0x1;
	s10 =	sld [smem:$0x3FBA];
	_ =	sdelay $0x3  }
0x34: {  	[smem:$0x3FBA] =	sst s10  }
0x35: {  	s10 =	sld [smem:$0x3FB9];
	_ =	sdelay $0x3  }
0x36: {  	p1 =	seq.s32 s10, $0x1;
	s10 =	sld [smem:$0x3FBA];
	_ =	sdelay $0x3  }
0x37: {  	[smem:$0x3FBA] =	sst s10  }
0x38: {  	s10 =	sld [smem:$0x3FBB]  }
0x39: {  	_ = 	snop;
	(pc) =	sbr.ind lr, $3  }
0x3a: {  	_ = 	snop  }
0x3b: {  	_ = 	snop  }
0x3c: {  	p2 =	seq.s32 s10, $0x1;
	s10 =	sld [smem:$0x3FBA]  }
0x3d: {  	_ =	shalt  }
0x3e: {  	_ =	shalt  }
0x3f: {  	_ =	shalt  }
0x40: {  	_ =	shalt  }
0x41: {  	_ =	shalt  }
0x42: {  	_ =	shalt  }
0x43: {  	_ =	shalt  }
0x44: {  	_ =	shalt  }
0x45: {  	_ =	shalt  }
0x46: {  	_ =	shalt  }
0x47: {  	_ =	shalt  }
0x48: {  	_ =	shalt  }
0x49: {  	_ =	shalt  }
0x4a: {  	_ =	shalt  }
0x4b: {  	_ =	shalt  }
0x4c: {  	_ =	shalt  }
0x4d: {  	_ =	shalt  }
0x4e: {  	_ =	shalt  }
0x4f: {  	_ =	shalt  }
0x50: {  	_ =	shalt  }
0x51: {  	_ =	shalt  }
0x52: {  	_ =	shalt  }
0x53: {  	_ =	shalt  }
0x54: {  	_ =	shalt  }
0x55: {  	_ =	shalt  }
0x56: {  	_ =	shalt  }
0x57: {  	_ =	shalt  }
0x58: {  	_ =	shalt  }
0x59: {  	_ =	shalt  }
0x5a: {  	_ =	shalt  }
0x5b: {  	_ =	shalt  }
0x5c: {  	_ =	shalt  }
0x5d: {  	_ =	shalt  }
0x5e: {  	_ =	shalt  }
0x5f: {  	_ =	shalt  }
0x60: {  	_ =	shalt  }
0x61: {  	_ =	shalt  }
0x62: {  	_ =	shalt  }
0x63: {  	_ =	shalt  }
0x64: {  	_ =	shalt  }
0x65: {  	_ =	shalt  }
0x66: {  	_ =	shalt  }
0x67: {  	_ =	shalt  }
0x68: {  	_ =	shalt  }
0x69: {  	_ =	shalt  }
0x6a: {  	_ =	shalt  }
0x6b: {  	_ =	shalt  }
0x6c: {  	_ =	shalt  }
0x6d: {  	_ =	shalt  }
0x6e: {  	_ =	shalt  }
0x6f: {  	_ =	shalt  }
0x70: {  	_ =	shalt  }
0x71: {  	_ =	shalt  }
0x72: {  	_ =	shalt  }
0x73: {  	_ =	shalt  }
0x74: {  	_ =	shalt  }
0x75: {  	_ =	shalt  }
0x76: {  	_ =	shalt  }
0x77: {  	_ =	shalt  }
0x78: {  	_ =	shalt  }
0x79: {  	_ =	shalt  }
0x7a: {  	_ =	shalt  }
0x7b: {  	_ =	shalt  }
0x7c: {  	_ =	shalt  }
0x7d: {  	_ =	shalt  }
0x7e: {  	_ =	shalt  }
0x7f: {  	_ =	shalt  }
0x80: {  	_ =	shalt  }
0x81: {  	_ =	shalt  }
0x82: {  	_ =	shalt  }
0x83: {  	_ =	shalt  }
0x84: {  	_ =	shalt  }
0x85: {  	_ =	shalt  }
0x86: {  	_ =	shalt  }
0x87: {  	_ =	shalt  }
.Lfunc_end0:
.L_simem_size_0:
called_computation.1_lowered:
.L_overlay_start_0:
0x88: {  	s2 =	sld [smem:$0x3FD9]  }
0x89: {  	s3 =	sld [smem:$0x3FFE];
	_ =	sdelay $0x1  }
0x8a: {  	s1 =	srdreg.scid  }
0x8b: {  	s0 =	sand.u32 $0x1, s1  }
0x8c: {  	s17 =	sshll.u32 s0, $0xA;
	s2 =	sadd.s32 s3, s2  }
0x8d: {  	s2 =	sadd.s32 s2, s17  }
0x8e: {  	[smem:$0x3FC6] =	sst s2  }
0x8f: {  	_ = 	snop  }
0x90: {  	s2 =	sld [smem:$0x3FD0];
	(tm) =	ssettm $0x1  }
0x91: {  	s18 =	sld [smem:$0x3FFB];
	_ =	sdelay $0x3  }
0x92: {  	_ =	strace s18  }
0x93: {  	s3 =	sld [smem:$0x3FFC];
	_ =	sdelay $0x3  }
0x94: {  	_ =	strace s3  }
0x95: {  	s3 =	sld [smem:$0x3FFD];
	_ =	sdelay $0x3  }
0x96: {  	_ =	strace s3  }
0x97: {  	_ =	strace $0x8FFFFFFF  }
0x98: {  	s19 =	sld [smem:$0x3FDB];
	_ =	sdelay $0x1  }
0x99: {  	s4 =	simm.s32 $_scs_section_size  }
0x9a: {  	s5 =	simm.s32 $_size__tile_overlayer_lowered;
	s6 =	simm.s32 $_tile_overlayer_lowered  }
0x9b: {  	s22 =	simm.s32 $0x1BFF;
	s21 =	sshll.u32 s6, $0x1;
	s3 =	sadd.s32 s4, s19  }
0x9c: {  	s7 =	simm.s32 $0x0;
	s20 =	sshll.u32 s5, $0x1;
	s5 =	sadd.s32 s21, s3  }
0x9d: {  	[timem:s7], [sflag:s22] =	dma.local [hbm:s5], s20  }
0x9e: {  	_ =	swait.ge [sflag:s22], s20  }
0x9f: {  	s4 =	ssub.s32 $0x0, s20;
	[sflag:s22] =	ssyncset.done $0x0  }
0xa0: {  	[sflag:s22] =	ssyncadd.s32 s4;
	_ =	sdelay $0x1  }
0xa1: {  	s23 =	simm.s32 $0x1B8B  }
0xa2: {  	_ =	swait.ge [sflag:s23], $0x1  }
0xa3: {  	[sflag:s23] =	ssyncset.done $0x0  }
0xa4: {  	s25 =	simm.s32 $0x1B8E;
	s24 =	sld [smem:$0x3FFE];
	[sflag:s23] =	ssyncadd.s32 $0xFFFFFFFF  }
0xa5: {  	s26 =	simm.s32 $execute0_lowered;
	[smem:$0x3FD2] =	sst s25  }
0xa6: {  	s5 =	sshll.u32 s26, $0x1;
	_ =	strace $0x80000049;
	[dreg:$0x1] =	wrdreg $0xFFFFFFFF  }
0xa7: {  	s28 =	simm.s32 $_size_execute0_lowered;
	s3 =	sadd.s32 s3, s5;
	[dreg:$0x0] =	wrdreg $0x0  }
0xa8: {  	s5 =	sshll.u32 s28, $0x1;
	[dreg:$0x2] =	wrdreg s3  }
0xa9: {  	[dreg:$0x3] =	wrdreg s5  }
0xaa: {  	[dreg:$0x4] =	wrdreg $0xC0  }
0xab: {  	_ =	task [dreg:s7], $0x5FFFF  }
0xac: {  	[dreg:$0x1] =	wrdreg $0xFFFFFFFF  }
0xad: {  	[dreg:$0x0] =	wrdreg $0x60  }
0xae: {  	[dreg:$0x2] =	wrdreg s24  }
0xaf: {  	[dreg:$0x3] =	wrdreg s2  }
0xb0: {  	[dreg:$0x4] =	wrdreg $0x9  }
0xb1: {  	_ =	task.clear_ibuf [dreg:s7], $0x5FFFF;
	_ =	strace $0x90000049  }
0xb2: {  	s29 =	simm.s32 $0x9;
	_ =	strace $0x8000004B  }
0xb3: {  	_ =	swait.ge [sflag:s29], $0x1  }
0xb4: {  	[sflag:s29] =	ssyncadd.s32 $0xFFFFFFFF  }
0xb5: {  	_ =	strace $0x9000004B  }
0xb6: {  	_ =	sfence  }
0xb7: {  	s30 =	sld [smem:$0x0];
	_ =	sdelay $0x2  }
0xb8: {  	s31 =	sshll.u32 s1, $0xD;
	s1 =	sshrl.u32 s1, $0x2  }
0xb9: {  	s3 =	sand.u32 $0x4000, s31;
	s1 =	sadd.s32 s1, s30  }
0xba: {  	s0 =	sor.u32 s3, s0;
	s1 =	sshll.u32 s1, $0x11  }
0xbb: {  	s0 =	sor.u32 s1, s0  }
0xbc: {  	s0 =	sadd.s32 $0x8F2B, s0  }
0xbd: {  	[sflag:s0] =	ssyncadd.remote.s32 $0x1  }
0xbe: {  	_ =	sfence.sel $0xFFFF  }
0xbf: {  	[dreg:$0x0] =	wrdreg $0xFFFFFFFF;
	(pc) =	sbr.abs _section_cstart, $3  }
0xc0: {  	[dreg:$0x1] =	wrdreg $0xFFFFFFFF  }
0xc1: {  	_ =	task.clear_ibuf [dreg:s7], $0x2FFFF;
	_ =	strace $0x9FFFFFFF  }
0xc2: {  	(tm) =	ssettm $0x7FFFFFFF  }
0xc3: {  	_ =	shalt  }
tec
execute0_lowered:
.L_overlay_start_1:
0x0: {  	(tag) =	ssettag $0x1  }
0x1: {  	v0 =	vlaneseq.u32  }
0x2: {  	v0 =	vmul.u32 $0x88, v0  }
0x3: {  	v1 =	vimm.s32 $0x0;
	vm0 =	vcmask $0x300  }
0x4: {  	s4 =	rddreg [dreg:$0x0];
	s1 =	srdreg.scid;
	v1 =	vsel vm0, $0x3, v1;
	v2 =	vadd.s32 $0x880, v0  }
0x5: {  	s0 =	stileid.u32;
	s2 =	rddreg [dreg:$0x1];
	v3 =	vadd.s32 $0x1100, v0;
	v4 =	vadd.s32 $0x1980, v0;
	v5 =	vor.u32 $0x1, v0  }
0x6: {  	s3 =	simm.s32 $0x0;
	s9 =	simm.s32 $0x80;
	s10 =	simm.s32 $0x6400;
	v6 =	vadd.s32 $0x881, v0;
	v7 =	vadd.s32 $0x1101, v0;
	v8 =	vadd.s32 $0x1981, v0  }
0x7: {  	s11 =	simm.s32 $0x8400;
	s12 =	simm.s32 $0x1;
	s13 =	simm.s32 $0xA400;
	v9 =	vor.u32 $0x2, v0;
	v10 =	vadd.s32 $0x882, v0;
	v11 =	vadd.s32 $0x1102, v0  }
0x8: {  	s14 =	simm.s32 $0x2;
	s15 =	simm.s32 $0xC600;
	s16 =	simm.s32 $0x3;
	v12 =	vadd.s32 $0x1982, v0;
	v13 =	vor.u32 $0x3, v0;
	v14 =	vadd.s32 $0x883, v0  }
0x9: {  	s17 =	simm.s32 $0x4;
	s5 =	sand.u32 $0x1, s1;
	s6 =	sshll.u32 s0, $0x1;
	v15 =	vadd.s32 $0x1103, v0;
	v16 =	vadd.s32 $0x1983, v0;
	v17 =	vor.u32 $0x4, v0  }
0xa: {  	s18 =	simm.s32 $0x0;
	s6 =	sor.u32 s5, s6;
	s5 =	ssub.s32 $0x2, s5;
	v18 =	vadd.s32 $0x884, v0;
	v19 =	vadd.s32 $0x1104, v0;
	v20 =	vadd.s32 $0x1984, v0  }
0xb: {  	[smem:$0x7FF] =	sst s3;
	s7 =	smul.u32 $0xC80, s6;
	s8 =	sshrl.u32 s5, $0x1;
	v21 =	vor.u32 $0x5, v0;
	v22 =	vadd.s32 $0x885, v0;
	v23 =	vadd.s32 $0x1105, v0  }
0xc: {  	s1 =	rddreg [dreg:$0x2];
	_ =	strace $0x8000004A;
	v24 =	vadd.s32 $0x1985, v0;
	v25 =	vor.u32 $0x6, v0;
	v26 =	vadd.s32 $0x886, v0;
	s8 =	ssub.s32 s5, s8  }
0xd: {  	v27 =	vadd.s32 $0x1106, v0;
	v28 =	vadd.s32 $0x1986, v0;
	v29 =	vor.u32 $0x7, v0;
	s5 =	smul.u32 $0xC8, s6;
	s7 =	sadd.s32 s7, s4;
	s4 =	sadd.s32 $0xA00, s4  }
0xe: {  	v30 =	vadd.s32 $0x887, v0;
	v31 =	vadd.s32 $0x1107, v0;
	v32 =	vadd.s32 $0x1987, v0;
	s6 =	sadd.s32 $0x7A1E00, s7;
	s7 =	smax.u32 s8, $0x1;
	s8 =	simm.s32 $0x5  }
.LBB2_1:
0xf: {  	[tilespmem:s3], [sflag:$0x5] =	stream.linear.gather [hbm4b:s6+s3], $0x6400, $0x38;
	[tilespmem:$0xE800] =	vst v63  }
0x10: {  	_ =	swait.ge [sflag:s8], $0x6400  }
0x11: {  	[sflag:s8] =	ssyncset.done $0x0  }
0x12: {  	[sflag:s8] =	ssyncadd.s32 $0xFFFF9C00  }
0x13: {  	[tilespmem:s10], [sflag:$0x1] =	stream.indirect.gather [hbm4b:s4+s9], $0x40, s3, s9, $0xb8;
	[tilespmem:$0xE800] =	vst v63  }
0x14: {  	s19 =	simm.s32 $0x0  }
0x15: {  	[tilespmem:s11], [sflag:$0x2] =	stream.indirect.gather [hbm4b:s4+s9], $0x40, s9, s9, $0xb8;
	[tilespmem:$0xE800] =	vst v63  }
.LBB2_2:
0x16: {  	s20 =	simm.s32 $0x0;
	s28 =	simm.s32 $0x1;
	s21 =	simm.s32 $0x2  }
0x17: {  	s29 =	simm.s32 $0x3;
	s30 =	simm.s32 $0x4;
	s22 =	simm.s32 $0x7;
	v33 =	vmov s20;
	v34 =	vmov s28;
	v35 =	vmov s21  }
0x18: {  	_ =	swait.ge [sflag:s12], $0x2000;
	s31 =	simm.s32 $0x5;
	s23 =	simm.s32 $0x6;
	v36 =	vmov s29;
	v37 =	vmov s30;
	v38 =	vmov s22  }
0x19: {  	p0 =	seq.s32 s19, $0x0;
	[sflag:s12] =	ssyncset.done $0x0;
	v39 =	vmov s31;
	v40 =	vmov s23;
	v33 =	vshrl.u32 v33, $0x3  }
0x1a: {  	s21 =	simm.s32 @!p0 $0x3;
	[sflag:s12] =	ssyncadd.s32 $0xFFFFE000;
	v38 =	vshrl.u32 v38, $0x3;
	v34 =	vshrl.u32 v34, $0x3;
	v35 =	vshrl.u32 v35, $0x3  }
0x1b: {  	v36 =	vshrl.u32 v36, $0x3;
	v37 =	vshrl.u32 v37, $0x3;
	_ =	swait.ge @!p0 [sflag:s21], $0x2000;
	v38 =	vshll.u32 v38, v1  }
0x1c: {  	v55 =	vshrl.u32 v39, $0x3;
	v33 =	vshll.u32 v33, v1;
	[sflag:s21] =	ssyncset.done @!p0 $0x0;
	v38 =	vbroadcast v38, $0x0  }
0x1d: {  	v40 =	vshrl.u32 v40, $0x3;
	v34 =	vshll.u32 v34, v1;
	v33 =	vbroadcast v33, $0x0;
	[sflag:s21] =	ssyncadd.s32 @!p0 $0xFFFFE000;
	s21 =	simm.s32 $0x6500  }
0x1e: {  	v51 =	vshll.u32 v35, v1;
	v47 =	vbroadcast v34, $0x0;
	v41 =	vld [tilespmem:s21+$0xC0];
	v42 =	vadd.s32 v29, v38  }
0x1f: {  	v52 =	vshll.u32 v36, v1;
	v53 =	vbroadcast v51, $0x0;
	v43 =	vld [tilespmem:s21+$0xFFFFFF00];
	v44 =	vadd.s32 v0, v33  }
0x20: {  	v54 =	vshll.u32 v37, v1;
	v35 =	vbroadcast v52, $0x0;
	v45 =	vld [tilespmem:s21+$0xFFFFFF40];
	v46 =	vadd.s32 v5, v47  }
0x21: {  	v36 =	vshll.u32 v55, v1;
	v34 =	vbroadcast v54, $0x0;
	v48 =	vld [tilespmem:s21+$0xFFFFFF80];
	v49 =	vadd.s32 v9, v53  }
0x22: {  	v56 =	vshll.u32 v40, v1;
	v37 =	vbroadcast v36, $0x0;
	v39 =	vld [tilespmem:s21+$0xFFFFFFC0];
	v50 =	vadd.s32 v13, v35  }
0x23: {  	v36 =	vbroadcast v56, $0x0;
	v51 =	vld [tilespmem:s21+$0x0];
	v52 =	vadd.s32 v17, v34;
	[tilespmem:v42+s13+$0x0] =	vst.idx.msk $0xffff, v41  }
0x24: {  	v59 =	vld [tilespmem:s21+$0x40];
	v60 =	vadd.s32 v21, v37;
	[tilespmem:v44+s13+$0x0] =	vst.idx.msk $0xffff, v43  }
0x25: {  	v61 =	vld [tilespmem:s21+$0x80];
	v62 =	vadd.s32 v25, v36;
	[tilespmem:v46+s13+$0x0] =	vst.idx.msk $0xffff, v45  }
0x26: {  	v58 =	vadd.s32 v30, v38;
	[tilespmem:v49+s13+$0x0] =	vst.idx.msk $0xffff, v48;
	v57 =	vld [tilespmem:s21+$0xD0]  }
0x27: {  	v63 =	vadd.s32 v6, v47;
	[tilespmem:v50+s13+$0x0] =	vst.idx.msk $0xffff, v39;
	v46 =	vld [tilespmem:s21+$0xFFFFFF50]  }
0x28: {  	v55 =	vadd.s32 v10, v53;
	[tilespmem:v52+s13+$0x0] =	vst.idx.msk $0xffff, v51;
	v54 =	vld [tilespmem:s21+$0xFFFFFF90]  }
0x29: {  	v56 =	vadd.s32 v14, v35;
	[tilespmem:v60+s13+$0x0] =	vst.idx.msk $0xffff, v59;
	v50 =	vld [tilespmem:s21+$0xFFFFFFD0]  }
0x2a: {  	[tilespmem:v62+s13+$0x0] =	vst.idx.msk $0xffff, v61;
	v45 =	vadd.s32 v22, v37;
	v44 =	vld [tilespmem:s21+$0x50]  }
0x2b: {  	v59 =	vadd.s32 v18, v34;
	[tilespmem:v58+s13+$0x0] =	vst.idx.msk $0xffff, v57;
	v58 =	vld [tilespmem:s21+$0x10]  }
0x2c: {  	v57 =	vadd.s32 v31, v38;
	[tilespmem:v63+s13+$0x0] =	vst.idx.msk $0xffff, v46;
	v40 =	vld [tilespmem:s21+$0xE0]  }
0x2d: {  	v60 =	vadd.s32 v26, v36;
	[tilespmem:v55+s13+$0x0] =	vst.idx.msk $0xffff, v54;
	v63 =	vld [tilespmem:s21+$0x90]  }
0x2e: {  	v62 =	vadd.s32 v2, v33;
	v61 =	vld [tilespmem:s21+$0xFFFFFF10];
	[tilespmem:v56+s13+$0x0] =	vst.idx.msk $0xffff, v50  }
0x2f: {  	v51 =	vadd.s32 v7, v47;
	[tilespmem:v45+s13+$0x0] =	vst.idx.msk $0xffff, v44;
	v50 =	vld [tilespmem:s21+$0xFFFFFF60]  }
0x30: {  	v56 =	vadd.s32 v11, v53;
	v55 =	vld [tilespmem:s21+$0xFFFFFFA0];
	[tilespmem:v59+s13+$0x0] =	vst.idx.msk $0xffff, v58  }
0x31: {  	v58 =	vadd.s32 v15, v35;
	[tilespmem:v57+s13+$0x0] =	vst.idx.msk $0xffff, v40;
	v57 =	vld [tilespmem:s21+$0xFFFFFFE0]  }
0x32: {  	[tilespmem:v60+s13+$0x0] =	vst.idx.msk $0xffff, v63;
	v60 =	vadd.s32 v19, v34;
	v59 =	vld [tilespmem:s21+$0x20]  }
0x33: {  	s25 =	simm.s32 $0x9;
	v38 =	vadd.s32 v32, v38;
	[tilespmem:v62+s13+$0x0] =	vst.idx.msk $0xffff, v61;
	v54 =	vld [tilespmem:s21+$0xF0]  }
0x34: {  	s24 =	simm.s32 $0x8;
	v41 =	vadd.s32 v23, v37;
	v52 =	vmov s25;
	[tilespmem:v51+s13+$0x0] =	vst.idx.msk $0xffff, v50;
	v40 =	vld [tilespmem:s21+$0x60]  }
0x35: {  	s28 =	simm.s32 $0xB;
	s29 =	simm.s32 $0xC;
	v43 =	vadd.s32 v27, v36;
	v48 =	vadd.s32 v3, v33;
	v63 =	vmov s24;
	v42 =	vld [tilespmem:s21+$0xA0];
	[tilespmem:v56+s13+$0x0] =	vst.idx.msk $0xffff, v55  }
0x36: {  	s31 =	simm.s32 $0xE;
	v44 =	vmov s28;
	v46 =	vmov s29;
	v45 =	vld [tilespmem:s21+$0xFFFFFF20];
	v39 =	vshrl.u32 v63, $0x3;
	[tilespmem:v58+s13+$0x0] =	vst.idx.msk $0xffff, v57  }
0x37: {  	s26 =	simm.s32 $0xA;
	s30 =	simm.s32 $0xD;
	v51 =	vadd.s32 v8, v47;
	v49 =	vld [tilespmem:s21+$0xFFFFFF70];
	v47 =	vshll.u32 v39, v1;
	v39 =	vmov s31;
	[tilespmem:v60+s13+$0x0] =	vst.idx.msk $0xffff, v59  }
0x38: {  	s20 =	sshll.u32 s19, $0x1;
	s23 =	simm.s32 $0xF;
	s22 =	simm.s32 $0x10;
	v53 =	vadd.s32 v12, v53;
	v50 =	vld [tilespmem:s21+$0xFFFFFFB0];
	[tilespmem:v38+s13+$0x0] =	vst.idx.msk $0xffff, v54;
	v54 =	vmov s26;
	v38 =	vmov s30  }
.LBB2_3:
0x39: {  	p1 =	slt.u32 s22, $0x78;
	v52 =	vshrl.u32 v52, $0x3;
	v55 =	vmov s23;
	v56 =	vld [tilespmem:s21+$0xFFFFFFF0];
	v35 =	vadd.s32 v16, v35;
	[tilespmem:v41+s13+$0x0] =	vst.idx.msk $0xffff, v40  }
0x3a: {  	v40 =	vshrl.u32 v54, $0x3;
	v34 =	vadd.s32 v20, v34;
	v41 =	vshrl.u32 v55, $0x3;
	v54 =	vld [tilespmem:s21+$0x30];
	[tilespmem:v43+s13+$0x0] =	vst.idx.msk $0xffff, v42  }
0x3b: {  	v37 =	vadd.s32 v24, v37;
	v42 =	vshrl.u32 v44, $0x3;
	v41 =	vshll.u32 v41, v1;
	[tilespmem:v48+s13+$0x0] =	vst.idx.msk $0xffff, v45;
	v43 =	vld [tilespmem:s21+$0x70]  }
0x3c: {  	v36 =	vadd.s32 v28, v36;
	v44 =	vshrl.u32 v46, $0x3;
	v41 =	vbroadcast v41, $0x0;
	[tilespmem:v51+s13+$0x0] =	vst.idx.msk $0xffff, v49;
	v45 =	vld [tilespmem:s21+$0xB0]  }
0x3d: {  	v46 =	vshll.u32 v52, v1;
	v49 =	vadd.s32 v4, v33;
	v33 =	vbroadcast v47, $0x0;
	v48 =	vld [tilespmem:s21+$0xFFFFFF30];
	[tilespmem:v53+s13+$0x0] =	vst.idx.msk $0xffff, v50;
	s21 =	sadd.s32 $0x200, s21  }
0x3e: {  	v40 =	vshll.u32 v40, v1;
	v47 =	vbroadcast v46, $0x0;
	v46 =	vld [tilespmem:s21+$0xC0];
	v50 =	vadd.s32 v29, v41;
	[tilespmem:v35+s13+$0x0] =	vst.idx.msk $0xffff, v56  }
0x3f: {  	v53 =	vbroadcast v40, $0x0;
	v52 =	vadd.s32 v0, v33;
	v35 =	vshll.u32 v42, v1;
	v51 =	vld [tilespmem:s21+$0xFFFFFF00];
	[tilespmem:v34+s13+$0x0] =	vst.idx.msk $0xffff, v54  }
0x40: {  	v42 =	vadd.s32 v5, v47;
	v35 =	vbroadcast v35, $0x0;
	v34 =	vshll.u32 v44, v1;
	v40 =	vld [tilespmem:s21+$0xFFFFFF40];
	[tilespmem:v37+s13+$0x0] =	vst.idx.msk $0xffff, v43  }
0x41: {  	v44 =	vadd.s32 v9, v53;
	v34 =	vbroadcast v34, $0x0;
	v37 =	vshrl.u32 v38, $0x3;
	v43 =	vld [tilespmem:s21+$0xFFFFFF80];
	[tilespmem:v36+s13+$0x0] =	vst.idx.msk $0xffff, v45  }
0x42: {  	v39 =	vshrl.u32 v39, $0x3;
	v45 =	vadd.s32 v13, v35;
	v36 =	vshll.u32 v37, v1;
	v38 =	vld [tilespmem:s21+$0xFFFFFFC0];
	[tilespmem:v49+s13+$0x0] =	vst.idx.msk $0xffff, v48  }
0x43: {  	v49 =	vadd.s32 v17, v34;
	v37 =	vbroadcast v36, $0x0;
	v36 =	vshll.u32 v39, v1;
	v48 =	vld [tilespmem:s21+$0x0];
	[tilespmem:v50+s13+$0x0] =	vst.idx.msk $0xffff, v46  }
0x44: {  	v36 =	vbroadcast v36, $0x0;
	v46 =	vadd.s32 v30, v41;
	[tilespmem:v52+s13+$0x0] =	vst.idx.msk $0xffff, v51;
	v39 =	vld [tilespmem:s21+$0xD0]  }
0x45: {  	[tilespmem:v42+s13+$0x0] =	vst.idx.msk $0xffff, v40;
	v40 =	vld [tilespmem:s21+$0x40];
	v42 =	vadd.s32 v21, v37  }
0x46: {  	[tilespmem:v44+s13+$0x0] =	vst.idx.msk $0xffff, v43;
	v43 =	vld [tilespmem:s21+$0x80];
	v44 =	vadd.s32 v25, v36  }
0x47: {  	v51 =	vadd.s32 v6, v47;
	v50 =	vld [tilespmem:s21+$0xFFFFFF50];
	[tilespmem:v45+s13+$0x0] =	vst.idx.msk $0xffff, v38  }
0x48: {  	v45 =	vadd.s32 v10, v53;
	v38 =	vld [tilespmem:s21+$0xFFFFFF90];
	[tilespmem:v49+s13+$0x0] =	vst.idx.msk $0xffff, v48  }
0x49: {  	v49 =	vadd.s32 v14, v35;
	v48 =	vld [tilespmem:s21+$0xFFFFFFD0];
	[tilespmem:v46+s13+$0x0] =	vst.idx.msk $0xffff, v39  }
0x4a: {  	[tilespmem:v42+s13+$0x0] =	vst.idx.msk $0xffff, v40;
	v39 =	vld [tilespmem:s21+$0xE0];
	v40 =	vadd.s32 v31, v41  }
0x4b: {  	v46 =	vadd.s32 v18, v34;
	v42 =	vld [tilespmem:s21+$0x10];
	[tilespmem:v44+s13+$0x0] =	vst.idx.msk $0xffff, v43  }
0x4c: {  	v44 =	vadd.s32 v22, v37;
	[tilespmem:v51+s13+$0x0] =	vst.idx.msk $0xffff, v50;
	v43 =	vld [tilespmem:s21+$0x50]  }
0x4d: {  	[tilespmem:v45+s13+$0x0] =	vst.idx.msk $0xffff, v38;
	v38 =	vld [tilespmem:s21+$0x90];
	v45 =	vadd.s32 v26, v36  }
0x4e: {  	v51 =	vadd.s32 v2, v33;
	v50 =	vld [tilespmem:s21+$0xFFFFFF10];
	[tilespmem:v49+s13+$0x0] =	vst.idx.msk $0xffff, v48  }
0x4f: {  	v49 =	vadd.s32 v7, v47;
	v48 =	vld [tilespmem:s21+$0xFFFFFF60];
	[tilespmem:v40+s13+$0x0] =	vst.idx.msk $0xffff, v39  }
0x50: {  	[tilespmem:v46+s13+$0x0] =	vst.idx.msk $0xffff, v42;
	v39 =	vld [tilespmem:s21+$0xF0];
	v46 =	vadd.s32 v32, v41  }
0x51: {  	v56 =	vadd.s32 v11, v53;
	v55 =	vld [tilespmem:s21+$0xFFFFFFA0];
	[tilespmem:v44+s13+$0x0] =	vst.idx.msk $0xffff, v43  }
0x52: {  	v58 =	vadd.s32 v15, v35;
	v57 =	vld [tilespmem:s21+$0xFFFFFFE0];
	[tilespmem:v45+s13+$0x0] =	vst.idx.msk $0xffff, v38  }
0x53: {  	v60 =	vadd.s32 v19, v34;
	[tilespmem:v51+s13+$0x0] =	vst.idx.msk $0xffff, v50;
	v59 =	vld [tilespmem:s21+$0x20]  }
.Ltmp0:
0x54: {  	s23 =	sadd.s32 $0x1, s22;
	v41 =	vadd.s32 v23, v37;
	v38 =	vmov s22;
	[tilespmem:v49+s13+$0x0] =	vst.idx.msk $0xffff, v48;
	v40 =	vld [tilespmem:s21+$0x60];
	(pc) =	sbr.rel @p1 .LBB2_3-.Ltmp0, $4  }
0x55: {  	s24 =	sadd.s32 $0x3, s22;
	v52 =	vmov s23;
	s23 =	sadd.s32 $0x2, s22;
	v43 =	vadd.s32 v27, v36;
	v50 =	vshrl.u32 v38, $0x3;
	v42 =	vld [tilespmem:s21+$0xA0];
	[tilespmem:v46+s13+$0x0] =	vst.idx.msk $0xffff, v39  }
0x56: {  	v54 =	vmov s23;
	s23 =	sadd.s32 $0x4, s22;
	v44 =	vmov s24;
	s24 =	sadd.s32 $0x5, s22;
	v48 =	vadd.s32 v3, v33;
	v45 =	vld [tilespmem:s21+$0xFFFFFF20];
	[tilespmem:v56+s13+$0x0] =	vst.idx.msk $0xffff, v55  }
0x57: {  	v38 =	vmov s24;
	v51 =	vadd.s32 v8, v47;
	v46 =	vmov s23;
	s23 =	sadd.s32 $0x6, s22;
	v49 =	vld [tilespmem:s21+$0xFFFFFF70];
	[tilespmem:v58+s13+$0x0] =	vst.idx.msk $0xffff, v57  }
0x58: {  	v53 =	vadd.s32 v12, v53;
	v47 =	vshll.u32 v50, v1;
	v39 =	vmov s23;
	s23 =	sadd.s32 $0x7, s22;
	s22 =	sadd.s32 $0x8, s22;
	v50 =	vld [tilespmem:s21+$0xFFFFFFB0];
	[tilespmem:v60+s13+$0x0] =	vst.idx.msk $0xffff, v59  }
0x59: {  	_ =	sdelay $0x2  }
0x5a: {  	v52 =	vshrl.u32 v52, $0x3  }
0x5b: {  	v55 =	vmov s23;
	v56 =	vld [tilespmem:s21+$0xFFFFFFF0];
	v35 =	vadd.s32 v16, v35;
	[tilespmem:v41+s13+$0x0] =	vst.idx.msk $0xffff, v40;
	v57 =	vshrl.u32 v54, $0x3  }
0x5c: {  	v59 =	vld [tilespmem:s21+$0x30];
	v34 =	vadd.s32 v20, v34;
	v60 =	vshrl.u32 v44, $0x3;
	v58 =	vshrl.u32 v55, $0x3;
	[tilespmem:v43+s13+$0x0] =	vst.idx.msk $0xffff, v42  }
0x5d: {  	v37 =	vadd.s32 v24, v37;
	v62 =	vshrl.u32 v46, $0x3;
	v61 =	vld [tilespmem:s21+$0x70];
	v41 =	vshll.u32 v58, v1;
	[tilespmem:v48+s13+$0x0] =	vst.idx.msk $0xffff, v45  }
0x5e: {  	v36 =	vadd.s32 v28, v36;
	v46 =	vbroadcast v47, $0x0;
	v63 =	vld [tilespmem:s21+$0xB0];
	v41 =	vbroadcast v41, $0x0;
	[tilespmem:v51+s13+$0x0] =	vst.idx.msk $0xffff, v49  }
0x5f: {  	v33 =	vadd.s32 v4, v33;
	s29 =	sadd.s32 $0x200, s21;
	v38 =	vshrl.u32 v38, $0x3;
	v55 =	vshll.u32 v52, v1;
	v48 =	vld [tilespmem:s21+$0xFFFFFF30];
	[tilespmem:v53+s13+$0x0] =	vst.idx.msk $0xffff, v50  }
0x60: {  	v40 =	vshll.u32 v57, v1;
	v47 =	vbroadcast v55, $0x0;
	v49 =	vld [tilespmem:s29+$0xC0];
	v50 =	vadd.s32 v29, v41;
	[tilespmem:v35+s13+$0x0] =	vst.idx.msk $0xffff, v56  }
0x61: {  	v42 =	vshll.u32 v60, v1;
	v40 =	vbroadcast v40, $0x0;
	v35 =	vld [tilespmem:s29+$0xFFFFFF00];
	v56 =	vadd.s32 v0, v46;
	[tilespmem:v34+s13+$0x0] =	vst.idx.msk $0xffff, v59  }
0x62: {  	v57 =	vld [tilespmem:s29+$0xFFFFFF40];
	v44 =	vshll.u32 v62, v1;
	v42 =	vbroadcast v42, $0x0;
	v58 =	vadd.s32 v5, v47;
	[tilespmem:v37+s13+$0x0] =	vst.idx.msk $0xffff, v61  }
0x63: {  	v38 =	vshll.u32 v38, v1;
	v44 =	vbroadcast v44, $0x0;
	v60 =	vadd.s32 v9, v40;
	v59 =	vld [tilespmem:s29+$0xFFFFFF80];
	[tilespmem:v36+s13+$0x0] =	vst.idx.msk $0xffff, v63  }
0x64: {  	v38 =	vbroadcast v38, $0x0;
	v62 =	vadd.s32 v13, v42;
	v61 =	vld [tilespmem:s29+$0xFFFFFFC0];
	[tilespmem:v33+s13+$0x0] =	vst.idx.msk $0xffff, v48  }
0x65: {  	v39 =	vshrl.u32 v39, $0x3;
	v63 =	vadd.s32 v17, v44;
	v33 =	vld [tilespmem:s29+$0x0];
	[tilespmem:v50+s13+$0x0] =	vst.idx.msk $0xffff, v49  }
0x66: {  	v39 =	vshll.u32 v39, v1;
	v34 =	vld [tilespmem:s29+$0x40];
	[tilespmem:v56+s13+$0x0] =	vst.idx.msk $0xffff, v35;
	v56 =	vadd.s32 v21, v38  }
0x67: {  	[tilespmem:v58+s13+$0x0] =	vst.idx.msk $0xffff, v57;
	v35 =	vbroadcast v39, $0x0;
	v49 =	vadd.s32 v30, v41;
	v39 =	vld [tilespmem:s29+$0xD0]  }
0x68: {  	[tilespmem:v60+s13+$0x0] =	vst.idx.msk $0xffff, v59;
	v59 =	vld [tilespmem:s29+$0xFFFFFF50];
	v60 =	vadd.s32 v6, v47  }
0x69: {  	v57 =	vld [tilespmem:s29+$0x80];
	[tilespmem:v62+s13+$0x0] =	vst.idx.msk $0xffff, v61;
	v58 =	vadd.s32 v25, v35  }
0x6a: {  	v61 =	vld [tilespmem:s29+$0xFFFFFF90];
	v62 =	vadd.s32 v10, v40;
	[tilespmem:v63+s13+$0x0] =	vst.idx.msk $0xffff, v33  }
0x6b: {  	v33 =	vld [tilespmem:s29+$0xFFFFFFD0];
	v63 =	vadd.s32 v14, v42;
	[tilespmem:v56+s13+$0x0] =	vst.idx.msk $0xffff, v34  }
0x6c: {  	v56 =	vadd.s32 v18, v44;
	[tilespmem:v49+s13+$0x0] =	vst.idx.msk $0xffff, v39;
	v49 =	vld [tilespmem:s29+$0x10]  }
0x6d: {  	[tilespmem:v60+s13+$0x0] =	vst.idx.msk $0xffff, v59;
	v39 =	vadd.s32 v31, v41;
	v34 =	vld [tilespmem:s29+$0xE0]  }
0x6e: {  	[tilespmem:v58+s13+$0x0] =	vst.idx.msk $0xffff, v57;
	v57 =	vld [tilespmem:s29+$0x50];
	v58 =	vadd.s32 v22, v38  }
0x6f: {  	[tilespmem:v62+s13+$0x0] =	vst.idx.msk $0xffff, v61;
	v61 =	vld [tilespmem:s29+$0xFFFFFF10];
	v62 =	vadd.s32 v2, v46  }
0x70: {  	v60 =	vadd.s32 v26, v35;
	v59 =	vld [tilespmem:s29+$0x90];
	[tilespmem:v63+s13+$0x0] =	vst.idx.msk $0xffff, v33  }
0x71: {  	v55 =	vadd.s32 v11, v40;
	v54 =	vadd.s32 v32, v41;
	v41 =	vld [tilespmem:s29+$0xFFFFFFA0];
	[tilespmem:v56+s13+$0x0] =	vst.idx.msk $0xffff, v49  }
0x72: {  	v53 =	vadd.s32 v7, v47;
	v63 =	vld [tilespmem:s29+$0xFFFFFF60];
	[tilespmem:v39+s13+$0x0] =	vst.idx.msk $0xffff, v34  }
0x73: {  	v56 =	vld [tilespmem:s29+$0xFFFFFFE0];
	[tilespmem:v58+s13+$0x0] =	vst.idx.msk $0xffff, v57;
	v57 =	vadd.s32 v15, v42  }
0x74: {  	[tilespmem:v62+s13+$0x0] =	vst.idx.msk $0xffff, v61;
	v34 =	vld [tilespmem:s29+$0xF0]  }
0x75: {  	v58 =	vld [tilespmem:s29+$0x20];
	[tilespmem:v60+s13+$0x0] =	vst.idx.msk $0xffff, v59;
	v59 =	vadd.s32 v19, v44  }
0x76: {  	v61 =	vadd.s32 v23, v38;
	[tilespmem:v55+s13+$0x0] =	vst.idx.msk $0xffff, v41;
	v60 =	vld [tilespmem:s29+$0x60]  }
0x77: {  	[tilespmem:v53+s13+$0x0] =	vst.idx.msk $0xffff, v63;
	v63 =	vadd.s32 v27, v35;
	v62 =	vld [tilespmem:s29+$0xA0]  }
0x78: {  	v47 =	vadd.s32 v8, v47;
	v55 =	vld [tilespmem:s29+$0xFFFFFF70];
	[tilespmem:v57+s13+$0x0] =	vst.idx.msk $0xffff, v56  }
0x79: {  	v53 =	vld [tilespmem:s29+$0xFFFFFF20];
	[tilespmem:v54+s13+$0x0] =	vst.idx.msk $0xffff, v34;
	v54 =	vadd.s32 v3, v46  }
0x7a: {  	v40 =	vadd.s32 v12, v40;
	v56 =	vld [tilespmem:s29+$0xFFFFFFB0];
	[tilespmem:v59+s13+$0x0] =	vst.idx.msk $0xffff, v58  }
0x7b: {  	v42 =	vadd.s32 v16, v42;
	v57 =	vld [tilespmem:s29+$0xFFFFFFF0];
	[tilespmem:v61+s13+$0x0] =	vst.idx.msk $0xffff, v60  }
0x7c: {  	v59 =	vadd.s32 v20, v44;
	v58 =	vld [tilespmem:s29+$0x30];
	[tilespmem:v63+s13+$0x0] =	vst.idx.msk $0xffff, v62  }
0x7d: {  	v38 =	vadd.s32 v24, v38;
	v60 =	vld [tilespmem:s29+$0x70];
	[tilespmem:v47+s13+$0x0] =	vst.idx.msk $0xffff, v55  }
0x7e: {  	v35 =	vadd.s32 v28, v35;
	v61 =	vld [tilespmem:s29+$0xB0];
	[tilespmem:v54+s13+$0x0] =	vst.idx.msk $0xffff, v53  }
0x7f: {  	v63 =	vadd.s32 v4, v46;
	[tilespmem:v40+s13+$0x0] =	vst.idx.msk $0xffff, v56;
	v62 =	vld [tilespmem:s29+$0xFFFFFF30]  }
0x80: {  	[tilespmem:v42+s13+$0x0] =	vst.idx.msk $0xffff, v57  }
0x81: {  	p1 =	seq.s32 s19, $0x63;
	[tilespmem:v59+s13+$0x0] =	vst.idx.msk $0xffff, v58  }
0x82: {  	s21 =	sshll.u32 @!p1 s19, $0x8;
	[tilespmem:v38+s13+$0x0] =	vst.idx.msk $0xffff, v60  }
0x83: {  	s30 =	sadd.s32 s5, s20;
	s23 =	simm.s32 @!p1 $0x80;
	s21 =	sand.u32 @!p1 $0x3FFFFF00, s21;
	[tilespmem:v35+s13+$0x0] =	vst.idx.msk $0xffff, v61  }
0x84: {  	s24 =	simm.s32 @!p1 $0x6400;
	s31 =	sshll.u32 s30, $0x7;
	s22 =	sadd.s32 @!p1 $0x100, s21;
	[tilespmem:v63+s13+$0x0] =	vst.idx.msk $0xffff, v62  }
0x85: {  	[tilespmem:s24], [sflag:$0x1] =	stream.indirect.gather @!p1 [hbm4b:s4+s23], $0x40, s22, s23, $0xb8;
	[tilespmem:$0xE800] =	vst v63  }
0x86: {  	s22 =	sshll.u32 s30, $0xA;
	s23 =	sand.u32 $0x3F00, s31  }
0x87: {  	s22 =	sand.u32 $0xFFE0000, s22;
	s23 =	sadd.s32 s2, s23  }
0x88: {  	s24 =	simm.s32 $0xA400;
	s23 =	sadd.s32 s22, s23  }
0x89: {  	[hbm4b:s23+s3] =	stream.linear.scatter [tilespmem:s24], [sflag:$0x3], $0x80, $0x38;
	[tilespmem:$0xE800] =	vst v63  }
0x8a: {  	s25 =	simm.s32 $0xA488;
	s26 =	sadd.s32 $0x10, s23  }
0x8b: {  	[hbm4b:s26+s3] =	stream.linear.scatter [tilespmem:s25], [sflag:$0x3], $0x80, $0x38;
	[tilespmem:$0xE800] =	vst v63  }
0x8c: {  	s28 =	simm.s32 $0xA510;
	s30 =	simm.s32 $0xA598;
	s29 =	sadd.s32 $0x20, s23  }
0x8d: {  	[hbm4b:s29+s3] =	stream.linear.scatter [tilespmem:s28], [sflag:$0x3], $0x80, $0x38;
	[tilespmem:$0xE800] =	vst v63  }
0x8e: {  	s22 =	simm.s32 $0x440;
	s31 =	sadd.s32 $0x30, s23;
	s24 =	simm.s32 $0x2200  }
0x8f: {  	[hbm4b:s31+s3] =	stream.linear.scatter [tilespmem:s30], [sflag:$0x3], $0x80, $0x38;
	[tilespmem:$0xE800] =	vst v63  }
0x90: {  	s25 =	simm.s32 $0xA620;
	s26 =	sadd.s32 $0x40, s23;
	s28 =	simm.s32 $0xA6A8  }
0x91: {  	[hbm4b:s26+s3] =	stream.linear.scatter [tilespmem:s25], [sflag:$0x3], $0x80, $0x38;
	[tilespmem:$0xE800] =	vst v63  }
0x92: {  	s29 =	sadd.s32 $0x50, s23;
	s30 =	simm.s32 $0xA730;
	s31 =	sadd.s32 $0x60, s23  }
0x93: {  	[hbm4b:s29+s3] =	stream.linear.scatter [tilespmem:s28], [sflag:$0x3], $0x80, $0x38;
	[tilespmem:$0xE800] =	vst v63  }
0x94: {  	s25 =	simm.s32 $0xA7B8;
	s26 =	sadd.s32 $0x70, s23;
	s23 =	sadd.s32 $0x4000, s23  }
0x95: {  	[hbm4b:s31+s3] =	stream.linear.scatter [tilespmem:s30], [sflag:$0x3], $0x80, $0x38;
	[tilespmem:$0xE800] =	vst v63  }
.LBB2_5:
0x96: {  	[hbm4b:s26+s3] =	stream.linear.scatter [tilespmem:s25], [sflag:$0x3], $0x80, $0x38;
	[tilespmem:$0xE800] =	vst v63  }
0x97: {  	s25 =	smov.u32 s22;
	s22 =	smov.u32 s24  }
0x98: {  	s28 =	sadd.s32 $0x1100, s24;
	s22 =	sshra.s32 s22, $0x2;
	s26 =	sadd.s32 $0xA400, s25  }
0x99: {  	[hbm4b:s23+s3] =	stream.linear.scatter [tilespmem:s26], [sflag:$0x3], $0x80, $0x38;
	[tilespmem:$0xE800] =	vst v63  }
0x9a: {  	p2 =	sne.s32 s24, $0x7700;
	s24 =	sadd.s32 $0xA488, s25;
	s26 =	sadd.s32 $0x10, s23  }
0x9b: {  	[hbm4b:s26+s3] =	stream.linear.scatter [tilespmem:s24], [sflag:$0x3], $0x80, $0x38;
	[tilespmem:$0xE800] =	vst v63  }
0x9c: {  	s24 =	sadd.s32 $0xA510, s25;
	s26 =	sadd.s32 $0x20, s23  }
0x9d: {  	[hbm4b:s26+s3] =	stream.linear.scatter [tilespmem:s24], [sflag:$0x3], $0x80, $0x38;
	[tilespmem:$0xE800] =	vst v63  }
0x9e: {  	s24 =	sadd.s32 $0xA598, s25;
	s26 =	sadd.s32 $0x30, s23  }
0x9f: {  	[hbm4b:s26+s3] =	stream.linear.scatter [tilespmem:s24], [sflag:$0x3], $0x80, $0x38;
	[tilespmem:$0xE800] =	vst v63  }
0xa0: {  	s24 =	sadd.s32 $0xA620, s25;
	s26 =	sadd.s32 $0x40, s23  }
0xa1: {  	[hbm4b:s26+s3] =	stream.linear.scatter [tilespmem:s24], [sflag:$0x3], $0x80, $0x38;
	[tilespmem:$0xE800] =	vst v63  }
.Ltmp1:
0xa2: {  	s24 =	sadd.s32 $0xA6A8, s25;
	s26 =	sadd.s32 $0x50, s23;
	(pc) =	sbr.rel @p2 .LBB2_5-.Ltmp1, $4  }
0xa3: {  	[hbm4b:s26+s3] =	stream.linear.scatter [tilespmem:s24], [sflag:$0x3], $0x80, $0x38;
	[tilespmem:$0xE800] =	vst v63  }
0xa4: {  	s24 =	sadd.s32 $0xA730, s25;
	s26 =	sadd.s32 $0x60, s23;
	s25 =	sadd.s32 $0xA7B8, s25  }
0xa5: {  	[hbm4b:s26+s3] =	stream.linear.scatter [tilespmem:s24], [sflag:$0x3], $0x80, $0x38;
	[tilespmem:$0xE800] =	vst v63  }
0xa6: {  	s26 =	sadd.s32 $0x70, s23;
	s23 =	sadd.s32 $0x4000, s23;
	s24 =	smov.u32 s28  }
0xa7: {  	[hbm4b:s26+s3] =	stream.linear.scatter [tilespmem:s25], [sflag:$0x3], $0x80, $0x38;
	[tilespmem:$0xE800] =	vst v63  }
0xa8: {  	s24 =	sadd.s32 $0xA400, s22  }
0xa9: {  	[hbm4b:s23+s3] =	stream.linear.scatter [tilespmem:s24], [sflag:$0x3], $0x80, $0x38;
	[tilespmem:$0xE800] =	vst v63  }
0xaa: {  	s30 =	sadd.s32 $0xA488, s22;
	s31 =	sadd.s32 $0x10, s23  }
0xab: {  	[hbm4b:s31+s3] =	stream.linear.scatter [tilespmem:s30], [sflag:$0x3], $0x80, $0x38;
	[tilespmem:$0xE800] =	vst v63  }
0xac: {  	s25 =	sadd.s32 $0xA510, s22;
	s26 =	sadd.s32 $0x20, s23  }
0xad: {  	[hbm4b:s26+s3] =	stream.linear.scatter [tilespmem:s25], [sflag:$0x3], $0x80, $0x38;
	[tilespmem:$0xE800] =	vst v63  }
0xae: {  	s28 =	sadd.s32 $0xA598, s22;
	s29 =	sadd.s32 $0x30, s23  }
0xaf: {  	[hbm4b:s29+s3] =	stream.linear.scatter [tilespmem:s28], [sflag:$0x3], $0x80, $0x38;
	[tilespmem:$0xE800] =	vst v63  }
0xb0: {  	s30 =	sadd.s32 $0xA620, s22;
	s31 =	sadd.s32 $0x40, s23  }
0xb1: {  	[hbm4b:s31+s3] =	stream.linear.scatter [tilespmem:s30], [sflag:$0x3], $0x80, $0x38;
	[tilespmem:$0xE800] =	vst v63  }
0xb2: {  	s24 =	simm.s32 $0x1;
	s25 =	sadd.s32 $0xA6A8, s22;
	s26 =	sadd.s32 $0x50, s23  }
0xb3: {  	v34 =	vmov s24;
	[hbm4b:s26+s3] =	stream.linear.scatter [tilespmem:s25], [sflag:$0x3], $0x80, $0x38;
	[tilespmem:$0xE800] =	vst v63  }
0xb4: {  	v34 =	vshrl.u32 v34, $0x3;
	s28 =	sadd.s32 $0xA730, s22;
	s29 =	sadd.s32 $0x60, s23  }
0xb5: {  	v34 =	vshll.u32 v34, v1;
	[hbm4b:s29+s3] =	stream.linear.scatter [tilespmem:s28], [sflag:$0x3], $0x80, $0x38;
	[tilespmem:$0xE800] =	vst v63  }
0xb6: {  	v47 =	vbroadcast v34, $0x0;
	s30 =	sadd.s32 $0xA7B8, s22;
	s31 =	sadd.s32 $0x70, s23;
	s23 =	simm.s32 $0x0  }
0xb7: {  	[hbm4b:s31+s3] =	stream.linear.scatter [tilespmem:s30], [sflag:$0x3], $0x80, $0x38;
	[tilespmem:$0xE800] =	vst v63  }
0xb8: {  	v46 =	vadd.s32 v5, v47;
	v33 =	vmov s23;
	s25 =	simm.s32 $0x2;
	s29 =	simm.s32 $0x7;
	_ =	swait.ge [sflag:s14], $0x2000  }
0xb9: {  	v33 =	vshrl.u32 v33, $0x3;
	s26 =	simm.s32 $0x3;
	v35 =	vmov s25;
	v38 =	vmov s29;
	[sflag:s14] =	ssyncset.done $0x0  }
0xba: {  	s23 =	simm.s32 @!p0 $0x4;
	v36 =	vmov s26;
	v33 =	vshll.u32 v33, v1;
	v38 =	vshrl.u32 v38, $0x3;
	[sflag:s14] =	ssyncadd.s32 $0xFFFFE000  }
0xbb: {  	s28 =	simm.s32 $0x4;
	v35 =	vshrl.u32 v35, $0x3;
	v36 =	vshrl.u32 v36, $0x3;
	v38 =	vshll.u32 v38, v1;
	_ =	swait.ge @!p0 [sflag:s23], $0x2000  }
0xbc: {  	v33 =	vbroadcast v33, $0x0;
	v37 =	vmov s28;
	v38 =	vbroadcast v38, $0x0;
	[sflag:s23] =	ssyncset.done @!p0 $0x0  }
0xbd: {  	s22 =	simm.s32 $0x85F0;
	v51 =	vshll.u32 v35, v1;
	v52 =	vshll.u32 v36, v1;
	v37 =	vshrl.u32 v37, $0x3;
	[sflag:s23] =	ssyncadd.s32 @!p0 $0xFFFFE000  }
0xbe: {  	s30 =	simm.s32 $0x5;
	s31 =	simm.s32 $0x6;
	v44 =	vadd.s32 v0, v33;
	v53 =	vbroadcast v51, $0x0;
	v42 =	vadd.s32 v29, v38;
	v41 =	vld [tilespmem:s22+$0xFFFFFFD0]  }
0xbf: {  	v35 =	vbroadcast v52, $0x0;
	v39 =	vmov s30;
	v40 =	vmov s31;
	v43 =	vld [tilespmem:s22+$0xFFFFFE10]  }
0xc0: {  	v54 =	vshll.u32 v37, v1;
	v49 =	vadd.s32 v9, v53;
	v55 =	vshrl.u32 v39, $0x3;
	v45 =	vld [tilespmem:s22+$0xFFFFFE50]  }
0xc1: {  	v34 =	vbroadcast v54, $0x0;
	v40 =	vshrl.u32 v40, $0x3;
	v36 =	vshll.u32 v55, v1;
	v48 =	vld [tilespmem:s22+$0xFFFFFE90]  }
0xc2: {  	v50 =	vadd.s32 v13, v35;
	v56 =	vshll.u32 v40, v1;
	v37 =	vbroadcast v36, $0x0;
	v39 =	vld [tilespmem:s22+$0xFFFFFED0]  }
0xc3: {  	v52 =	vadd.s32 v17, v34;
	v36 =	vbroadcast v56, $0x0;
	v51 =	vld [tilespmem:s22+$0xFFFFFF10];
	[tilespmem:v42+s15+$0x0] =	vst.idx.msk $0xffff, v41  }
0xc4: {  	v60 =	vadd.s32 v21, v37;
	v59 =	vld [tilespmem:s22+$0xFFFFFF50];
	[tilespmem:v44+s15+$0x0] =	vst.idx.msk $0xffff, v43  }
0xc5: {  	v62 =	vadd.s32 v25, v36;
	v61 =	vld [tilespmem:s22+$0xFFFFFF90];
	[tilespmem:v46+s15+$0x0] =	vst.idx.msk $0xffff, v45  }
0xc6: {  	v58 =	vadd.s32 v30, v38;
	[tilespmem:v49+s15+$0x0] =	vst.idx.msk $0xffff, v48;
	v57 =	vld [tilespmem:s22+$0xFFFFFFE0]  }
0xc7: {  	v63 =	vadd.s32 v6, v47;
	[tilespmem:v50+s15+$0x0] =	vst.idx.msk $0xffff, v39;
	v46 =	vld [tilespmem:s22+$0xFFFFFE60]  }
0xc8: {  	v55 =	vadd.s32 v10, v53;
	[tilespmem:v52+s15+$0x0] =	vst.idx.msk $0xffff, v51;
	v54 =	vld [tilespmem:s22+$0xFFFFFEA0]  }
0xc9: {  	v56 =	vadd.s32 v14, v35;
	[tilespmem:v60+s15+$0x0] =	vst.idx.msk $0xffff, v59;
	v50 =	vld [tilespmem:s22+$0xFFFFFEE0]  }
0xca: {  	[tilespmem:v62+s15+$0x0] =	vst.idx.msk $0xffff, v61;
	v45 =	vadd.s32 v22, v37;
	v44 =	vld [tilespmem:s22+$0xFFFFFF60]  }
0xcb: {  	v59 =	vadd.s32 v18, v34;
	[tilespmem:v58+s15+$0x0] =	vst.idx.msk $0xffff, v57;
	v58 =	vld [tilespmem:s22+$0xFFFFFF20]  }
0xcc: {  	v57 =	vadd.s32 v31, v38;
	[tilespmem:v63+s15+$0x0] =	vst.idx.msk $0xffff, v46;
	v40 =	vld [tilespmem:s22+$0xFFFFFFF0]  }
0xcd: {  	v60 =	vadd.s32 v26, v36;
	[tilespmem:v55+s15+$0x0] =	vst.idx.msk $0xffff, v54;
	v63 =	vld [tilespmem:s22+$0xFFFFFFA0]  }
0xce: {  	v62 =	vadd.s32 v2, v33;
	v61 =	vld [tilespmem:s22+$0xFFFFFE20];
	[tilespmem:v56+s15+$0x0] =	vst.idx.msk $0xffff, v50  }
0xcf: {  	v51 =	vadd.s32 v7, v47;
	[tilespmem:v45+s15+$0x0] =	vst.idx.msk $0xffff, v44;
	v50 =	vld [tilespmem:s22+$0xFFFFFE70]  }
0xd0: {  	v56 =	vadd.s32 v11, v53;
	v55 =	vld [tilespmem:s22+$0xFFFFFEB0];
	[tilespmem:v59+s15+$0x0] =	vst.idx.msk $0xffff, v58  }
0xd1: {  	v58 =	vadd.s32 v15, v35;
	[tilespmem:v57+s15+$0x0] =	vst.idx.msk $0xffff, v40;
	v57 =	vld [tilespmem:s22+$0xFFFFFEF0]  }
0xd2: {  	[tilespmem:v60+s15+$0x0] =	vst.idx.msk $0xffff, v63;
	v60 =	vadd.s32 v19, v34;
	v59 =	vld [tilespmem:s22+$0xFFFFFF30]  }
0xd3: {  	s25 =	simm.s32 $0x9;
	v38 =	vadd.s32 v32, v38;
	[tilespmem:v62+s15+$0x0] =	vst.idx.msk $0xffff, v61;
	v54 =	vld [tilespmem:s22+$0x0]  }
0xd4: {  	s24 =	simm.s32 $0x8;
	v41 =	vadd.s32 v23, v37;
	v52 =	vmov s25;
	[tilespmem:v51+s15+$0x0] =	vst.idx.msk $0xffff, v50;
	v40 =	vld [tilespmem:s22+$0xFFFFFF70]  }
0xd5: {  	s28 =	simm.s32 $0xB;
	s29 =	simm.s32 $0xC;
	v43 =	vadd.s32 v27, v36;
	v48 =	vadd.s32 v3, v33;
	v63 =	vmov s24;
	v42 =	vld [tilespmem:s22+$0xFFFFFFB0];
	[tilespmem:v56+s15+$0x0] =	vst.idx.msk $0xffff, v55  }
0xd6: {  	s31 =	simm.s32 $0xE;
	v44 =	vmov s28;
	v46 =	vmov s29;
	v45 =	vld [tilespmem:s22+$0xFFFFFE30];
	v39 =	vshrl.u32 v63, $0x3;
	[tilespmem:v58+s15+$0x0] =	vst.idx.msk $0xffff, v57  }
0xd7: {  	s26 =	simm.s32 $0xA;
	s30 =	simm.s32 $0xD;
	v51 =	vadd.s32 v8, v47;
	v49 =	vld [tilespmem:s22+$0xFFFFFE80];
	v47 =	vshll.u32 v39, v1;
	v39 =	vmov s31;
	[tilespmem:v60+s15+$0x0] =	vst.idx.msk $0xffff, v59  }
0xd8: {  	s20 =	sor.u32 $0x1, s20;
	s23 =	simm.s32 $0x10;
	v53 =	vadd.s32 v12, v53;
	s24 =	simm.s32 $0xF;
	v50 =	vld [tilespmem:s22+$0xFFFFFEC0];
	[tilespmem:v38+s15+$0x0] =	vst.idx.msk $0xffff, v54;
	v54 =	vmov s26;
	v38 =	vmov s30  }
.LBB2_7:
0xd9: {  	p0 =	slt.u32 s23, $0x78;
	v52 =	vshrl.u32 v52, $0x3;
	v55 =	vmov s24;
	v56 =	vld [tilespmem:s22+$0xFFFFFF00];
	v35 =	vadd.s32 v16, v35;
	[tilespmem:v41+s15+$0x0] =	vst.idx.msk $0xffff, v40  }
0xda: {  	v40 =	vshrl.u32 v54, $0x3;
	v34 =	vadd.s32 v20, v34;
	v41 =	vshrl.u32 v55, $0x3;
	v54 =	vld [tilespmem:s22+$0xFFFFFF40];
	[tilespmem:v43+s15+$0x0] =	vst.idx.msk $0xffff, v42  }
0xdb: {  	v37 =	vadd.s32 v24, v37;
	v42 =	vshrl.u32 v44, $0x3;
	v41 =	vshll.u32 v41, v1;
	[tilespmem:v48+s15+$0x0] =	vst.idx.msk $0xffff, v45;
	v43 =	vld [tilespmem:s22+$0xFFFFFF80]  }
0xdc: {  	v36 =	vadd.s32 v28, v36;
	v44 =	vshrl.u32 v46, $0x3;
	v41 =	vbroadcast v41, $0x0;
	[tilespmem:v51+s15+$0x0] =	vst.idx.msk $0xffff, v49;
	v45 =	vld [tilespmem:s22+$0xFFFFFFC0]  }
0xdd: {  	v46 =	vshll.u32 v52, v1;
	v49 =	vadd.s32 v4, v33;
	v33 =	vbroadcast v47, $0x0;
	v48 =	vld [tilespmem:s22+$0xFFFFFE40];
	[tilespmem:v53+s15+$0x0] =	vst.idx.msk $0xffff, v50;
	s22 =	sadd.s32 $0x200, s22  }
0xde: {  	v40 =	vshll.u32 v40, v1;
	v47 =	vbroadcast v46, $0x0;
	v46 =	vld [tilespmem:s22+$0xFFFFFFD0];
	v50 =	vadd.s32 v29, v41;
	[tilespmem:v35+s15+$0x0] =	vst.idx.msk $0xffff, v56  }
0xdf: {  	v53 =	vbroadcast v40, $0x0;
	v52 =	vadd.s32 v0, v33;
	v35 =	vshll.u32 v42, v1;
	v51 =	vld [tilespmem:s22+$0xFFFFFE10];
	[tilespmem:v34+s15+$0x0] =	vst.idx.msk $0xffff, v54  }
0xe0: {  	v42 =	vadd.s32 v5, v47;
	v35 =	vbroadcast v35, $0x0;
	v34 =	vshll.u32 v44, v1;
	v40 =	vld [tilespmem:s22+$0xFFFFFE50];
	[tilespmem:v37+s15+$0x0] =	vst.idx.msk $0xffff, v43  }
0xe1: {  	v44 =	vadd.s32 v9, v53;
	v34 =	vbroadcast v34, $0x0;
	v37 =	vshrl.u32 v38, $0x3;
	v43 =	vld [tilespmem:s22+$0xFFFFFE90];
	[tilespmem:v36+s15+$0x0] =	vst.idx.msk $0xffff, v45  }
0xe2: {  	v39 =	vshrl.u32 v39, $0x3;
	v45 =	vadd.s32 v13, v35;
	v36 =	vshll.u32 v37, v1;
	v38 =	vld [tilespmem:s22+$0xFFFFFED0];
	[tilespmem:v49+s15+$0x0] =	vst.idx.msk $0xffff, v48  }
0xe3: {  	v49 =	vadd.s32 v17, v34;
	v37 =	vbroadcast v36, $0x0;
	v36 =	vshll.u32 v39, v1;
	v48 =	vld [tilespmem:s22+$0xFFFFFF10];
	[tilespmem:v50+s15+$0x0] =	vst.idx.msk $0xffff, v46  }
0xe4: {  	v36 =	vbroadcast v36, $0x0;
	v46 =	vadd.s32 v30, v41;
	[tilespmem:v52+s15+$0x0] =	vst.idx.msk $0xffff, v51;
	v39 =	vld [tilespmem:s22+$0xFFFFFFE0]  }
0xe5: {  	[tilespmem:v42+s15+$0x0] =	vst.idx.msk $0xffff, v40;
	v40 =	vld [tilespmem:s22+$0xFFFFFF50];
	v42 =	vadd.s32 v21, v37  }
0xe6: {  	[tilespmem:v44+s15+$0x0] =	vst.idx.msk $0xffff, v43;
	v43 =	vld [tilespmem:s22+$0xFFFFFF90];
	v44 =	vadd.s32 v25, v36  }
0xe7: {  	v51 =	vadd.s32 v6, v47;
	v50 =	vld [tilespmem:s22+$0xFFFFFE60];
	[tilespmem:v45+s15+$0x0] =	vst.idx.msk $0xffff, v38  }
0xe8: {  	v45 =	vadd.s32 v10, v53;
	v38 =	vld [tilespmem:s22+$0xFFFFFEA0];
	[tilespmem:v49+s15+$0x0] =	vst.idx.msk $0xffff, v48  }
0xe9: {  	v49 =	vadd.s32 v14, v35;
	v48 =	vld [tilespmem:s22+$0xFFFFFEE0];
	[tilespmem:v46+s15+$0x0] =	vst.idx.msk $0xffff, v39  }
0xea: {  	[tilespmem:v42+s15+$0x0] =	vst.idx.msk $0xffff, v40;
	v39 =	vld [tilespmem:s22+$0xFFFFFFF0];
	v40 =	vadd.s32 v31, v41  }
0xeb: {  	v46 =	vadd.s32 v18, v34;
	v42 =	vld [tilespmem:s22+$0xFFFFFF20];
	[tilespmem:v44+s15+$0x0] =	vst.idx.msk $0xffff, v43  }
0xec: {  	v44 =	vadd.s32 v22, v37;
	[tilespmem:v51+s15+$0x0] =	vst.idx.msk $0xffff, v50;
	v43 =	vld [tilespmem:s22+$0xFFFFFF60]  }
0xed: {  	[tilespmem:v45+s15+$0x0] =	vst.idx.msk $0xffff, v38;
	v38 =	vld [tilespmem:s22+$0xFFFFFFA0];
	v45 =	vadd.s32 v26, v36  }
0xee: {  	v51 =	vadd.s32 v2, v33;
	v50 =	vld [tilespmem:s22+$0xFFFFFE20];
	[tilespmem:v49+s15+$0x0] =	vst.idx.msk $0xffff, v48  }
0xef: {  	v49 =	vadd.s32 v7, v47;
	v48 =	vld [tilespmem:s22+$0xFFFFFE70];
	[tilespmem:v40+s15+$0x0] =	vst.idx.msk $0xffff, v39  }
0xf0: {  	[tilespmem:v46+s15+$0x0] =	vst.idx.msk $0xffff, v42;
	v39 =	vld [tilespmem:s22+$0x0];
	v46 =	vadd.s32 v32, v41  }
0xf1: {  	v56 =	vadd.s32 v11, v53;
	v55 =	vld [tilespmem:s22+$0xFFFFFEB0];
	[tilespmem:v44+s15+$0x0] =	vst.idx.msk $0xffff, v43  }
0xf2: {  	v58 =	vadd.s32 v15, v35;
	v57 =	vld [tilespmem:s22+$0xFFFFFEF0];
	[tilespmem:v45+s15+$0x0] =	vst.idx.msk $0xffff, v38  }
0xf3: {  	v60 =	vadd.s32 v19, v34;
	[tilespmem:v51+s15+$0x0] =	vst.idx.msk $0xffff, v50;
	v59 =	vld [tilespmem:s22+$0xFFFFFF30]  }
.Ltmp2:
0xf4: {  	s24 =	sadd.s32 $0x1, s23;
	v41 =	vadd.s32 v23, v37;
	v38 =	vmov s23;
	[tilespmem:v49+s15+$0x0] =	vst.idx.msk $0xffff, v48;
	v40 =	vld [tilespmem:s22+$0xFFFFFF70];
	(pc) =	sbr.rel @p0 .LBB2_7-.Ltmp2, $4  }
0xf5: {  	s25 =	sadd.s32 $0x3, s23;
	v52 =	vmov s24;
	s24 =	sadd.s32 $0x2, s23;
	v43 =	vadd.s32 v27, v36;
	v50 =	vshrl.u32 v38, $0x3;
	v42 =	vld [tilespmem:s22+$0xFFFFFFB0];
	[tilespmem:v46+s15+$0x0] =	vst.idx.msk $0xffff, v39  }
0xf6: {  	v54 =	vmov s24;
	s24 =	sadd.s32 $0x4, s23;
	v44 =	vmov s25;
	s25 =	sadd.s32 $0x5, s23;
	v48 =	vadd.s32 v3, v33;
	v45 =	vld [tilespmem:s22+$0xFFFFFE30];
	[tilespmem:v56+s15+$0x0] =	vst.idx.msk $0xffff, v55  }
0xf7: {  	v38 =	vmov s25;
	v51 =	vadd.s32 v8, v47;
	v46 =	vmov s24;
	s24 =	sadd.s32 $0x6, s23;
	v49 =	vld [tilespmem:s22+$0xFFFFFE80];
	[tilespmem:v58+s15+$0x0] =	vst.idx.msk $0xffff, v57  }
0xf8: {  	v53 =	vadd.s32 v12, v53;
	v47 =	vshll.u32 v50, v1;
	v39 =	vmov s24;
	s24 =	sadd.s32 $0x7, s23;
	s23 =	sadd.s32 $0x8, s23;
	v50 =	vld [tilespmem:s22+$0xFFFFFEC0];
	[tilespmem:v60+s15+$0x0] =	vst.idx.msk $0xffff, v59  }
0xf9: {  	_ =	sdelay $0x2  }
0xfa: {  	v52 =	vshrl.u32 v52, $0x3  }
0xfb: {  	v55 =	vmov s24;
	v56 =	vld [tilespmem:s22+$0xFFFFFF00];
	v35 =	vadd.s32 v16, v35;
	[tilespmem:v41+s15+$0x0] =	vst.idx.msk $0xffff, v40;
	v57 =	vshrl.u32 v54, $0x3  }
0xfc: {  	v59 =	vld [tilespmem:s22+$0xFFFFFF40];
	v34 =	vadd.s32 v20, v34;
	v60 =	vshrl.u32 v44, $0x3;
	v58 =	vshrl.u32 v55, $0x3;
	[tilespmem:v43+s15+$0x0] =	vst.idx.msk $0xffff, v42  }
0xfd: {  	v37 =	vadd.s32 v24, v37;
	v62 =	vshrl.u32 v46, $0x3;
	v61 =	vld [tilespmem:s22+$0xFFFFFF80];
	v41 =	vshll.u32 v58, v1;
	[tilespmem:v48+s15+$0x0] =	vst.idx.msk $0xffff, v45  }
0xfe: {  	v36 =	vadd.s32 v28, v36;
	v46 =	vbroadcast v47, $0x0;
	v63 =	vld [tilespmem:s22+$0xFFFFFFC0];
	v41 =	vbroadcast v41, $0x0;
	[tilespmem:v51+s15+$0x0] =	vst.idx.msk $0xffff, v49  }
0xff: {  	v33 =	vadd.s32 v4, v33;
	s24 =	sadd.s32 $0x200, s22;
	v38 =	vshrl.u32 v38, $0x3;
	v55 =	vshll.u32 v52, v1;
	v48 =	vld [tilespmem:s22+$0xFFFFFE40];
	[tilespmem:v53+s15+$0x0] =	vst.idx.msk $0xffff, v50  }
0x100: {  	v40 =	vshll.u32 v57, v1;
	v47 =	vbroadcast v55, $0x0;
	v49 =	vld [tilespmem:s24+$0xFFFFFFD0];
	v50 =	vadd.s32 v29, v41;
	[tilespmem:v35+s15+$0x0] =	vst.idx.msk $0xffff, v56  }
0x101: {  	v42 =	vshll.u32 v60, v1;
	v40 =	vbroadcast v40, $0x0;
	v35 =	vld [tilespmem:s24+$0xFFFFFE10];
	v56 =	vadd.s32 v0, v46;
	[tilespmem:v34+s15+$0x0] =	vst.idx.msk $0xffff, v59  }
0x102: {  	v57 =	vld [tilespmem:s24+$0xFFFFFE50];
	v44 =	vshll.u32 v62, v1;
	v42 =	vbroadcast v42, $0x0;
	v58 =	vadd.s32 v5, v47;
	[tilespmem:v37+s15+$0x0] =	vst.idx.msk $0xffff, v61  }
0x103: {  	v38 =	vshll.u32 v38, v1;
	v44 =	vbroadcast v44, $0x0;
	v60 =	vadd.s32 v9, v40;
	v59 =	vld [tilespmem:s24+$0xFFFFFE90];
	[tilespmem:v36+s15+$0x0] =	vst.idx.msk $0xffff, v63  }
0x104: {  	v38 =	vbroadcast v38, $0x0;
	v62 =	vadd.s32 v13, v42;
	v61 =	vld [tilespmem:s24+$0xFFFFFED0];
	[tilespmem:v33+s15+$0x0] =	vst.idx.msk $0xffff, v48  }
0x105: {  	v39 =	vshrl.u32 v39, $0x3;
	v63 =	vadd.s32 v17, v44;
	v33 =	vld [tilespmem:s24+$0xFFFFFF10];
	[tilespmem:v50+s15+$0x0] =	vst.idx.msk $0xffff, v49  }
0x106: {  	v39 =	vshll.u32 v39, v1;
	v34 =	vld [tilespmem:s24+$0xFFFFFF50];
	[tilespmem:v56+s15+$0x0] =	vst.idx.msk $0xffff, v35;
	v56 =	vadd.s32 v21, v38  }
0x107: {  	[tilespmem:v58+s15+$0x0] =	vst.idx.msk $0xffff, v57;
	v35 =	vbroadcast v39, $0x0;
	v49 =	vadd.s32 v30, v41;
	v39 =	vld [tilespmem:s24+$0xFFFFFFE0]  }
0x108: {  	[tilespmem:v60+s15+$0x0] =	vst.idx.msk $0xffff, v59;
	v59 =	vld [tilespmem:s24+$0xFFFFFE60];
	v60 =	vadd.s32 v6, v47  }
0x109: {  	v57 =	vld [tilespmem:s24+$0xFFFFFF90];
	[tilespmem:v62+s15+$0x0] =	vst.idx.msk $0xffff, v61;
	v58 =	vadd.s32 v25, v35  }
0x10a: {  	v61 =	vld [tilespmem:s24+$0xFFFFFEA0];
	v62 =	vadd.s32 v10, v40;
	[tilespmem:v63+s15+$0x0] =	vst.idx.msk $0xffff, v33  }
0x10b: {  	v33 =	vld [tilespmem:s24+$0xFFFFFEE0];
	v63 =	vadd.s32 v14, v42;
	[tilespmem:v56+s15+$0x0] =	vst.idx.msk $0xffff, v34  }
0x10c: {  	v56 =	vadd.s32 v18, v44;
	[tilespmem:v49+s15+$0x0] =	vst.idx.msk $0xffff, v39;
	v49 =	vld [tilespmem:s24+$0xFFFFFF20]  }
0x10d: {  	[tilespmem:v60+s15+$0x0] =	vst.idx.msk $0xffff, v59;
	v39 =	vadd.s32 v31, v41;
	v34 =	vld [tilespmem:s24+$0xFFFFFFF0]  }
0x10e: {  	[tilespmem:v58+s15+$0x0] =	vst.idx.msk $0xffff, v57;
	v57 =	vld [tilespmem:s24+$0xFFFFFF60];
	v58 =	vadd.s32 v22, v38  }
0x10f: {  	[tilespmem:v62+s15+$0x0] =	vst.idx.msk $0xffff, v61;
	v61 =	vld [tilespmem:s24+$0xFFFFFE20];
	v62 =	vadd.s32 v2, v46  }
0x110: {  	v60 =	vadd.s32 v26, v35;
	v59 =	vld [tilespmem:s24+$0xFFFFFFA0];
	[tilespmem:v63+s15+$0x0] =	vst.idx.msk $0xffff, v33  }
0x111: {  	v55 =	vadd.s32 v11, v40;
	v54 =	vadd.s32 v32, v41;
	v41 =	vld [tilespmem:s24+$0xFFFFFEB0];
	[tilespmem:v56+s15+$0x0] =	vst.idx.msk $0xffff, v49  }
0x112: {  	v53 =	vadd.s32 v7, v47;
	v63 =	vld [tilespmem:s24+$0xFFFFFE70];
	[tilespmem:v39+s15+$0x0] =	vst.idx.msk $0xffff, v34  }
0x113: {  	v56 =	vld [tilespmem:s24+$0xFFFFFEF0];
	[tilespmem:v58+s15+$0x0] =	vst.idx.msk $0xffff, v57;
	v57 =	vadd.s32 v15, v42  }
0x114: {  	[tilespmem:v62+s15+$0x0] =	vst.idx.msk $0xffff, v61;
	v34 =	vld [tilespmem:s24+$0x0]  }
0x115: {  	v58 =	vld [tilespmem:s24+$0xFFFFFF30];
	[tilespmem:v60+s15+$0x0] =	vst.idx.msk $0xffff, v59;
	v59 =	vadd.s32 v19, v44  }
0x116: {  	v61 =	vadd.s32 v23, v38;
	[tilespmem:v55+s15+$0x0] =	vst.idx.msk $0xffff, v41;
	v60 =	vld [tilespmem:s24+$0xFFFFFF70]  }
0x117: {  	[tilespmem:v53+s15+$0x0] =	vst.idx.msk $0xffff, v63;
	v63 =	vadd.s32 v27, v35;
	v62 =	vld [tilespmem:s24+$0xFFFFFFB0]  }
0x118: {  	v47 =	vadd.s32 v8, v47;
	v55 =	vld [tilespmem:s24+$0xFFFFFE80];
	[tilespmem:v57+s15+$0x0] =	vst.idx.msk $0xffff, v56  }
0x119: {  	v53 =	vld [tilespmem:s24+$0xFFFFFE30];
	[tilespmem:v54+s15+$0x0] =	vst.idx.msk $0xffff, v34;
	v54 =	vadd.s32 v3, v46  }
0x11a: {  	v40 =	vadd.s32 v12, v40;
	v56 =	vld [tilespmem:s24+$0xFFFFFEC0];
	[tilespmem:v59+s15+$0x0] =	vst.idx.msk $0xffff, v58  }
0x11b: {  	v42 =	vadd.s32 v16, v42;
	v57 =	vld [tilespmem:s24+$0xFFFFFF00];
	[tilespmem:v61+s15+$0x0] =	vst.idx.msk $0xffff, v60  }
0x11c: {  	v59 =	vadd.s32 v20, v44;
	v58 =	vld [tilespmem:s24+$0xFFFFFF40];
	[tilespmem:v63+s15+$0x0] =	vst.idx.msk $0xffff, v62  }
0x11d: {  	v38 =	vadd.s32 v24, v38;
	v60 =	vld [tilespmem:s24+$0xFFFFFF80];
	[tilespmem:v47+s15+$0x0] =	vst.idx.msk $0xffff, v55  }
0x11e: {  	v35 =	vadd.s32 v28, v35;
	v61 =	vld [tilespmem:s24+$0xFFFFFFC0];
	[tilespmem:v54+s15+$0x0] =	vst.idx.msk $0xffff, v53  }
0x11f: {  	v63 =	vadd.s32 v4, v46;
	[tilespmem:v40+s15+$0x0] =	vst.idx.msk $0xffff, v56;
	v62 =	vld [tilespmem:s24+$0xFFFFFE40]  }
0x120: {  	[tilespmem:v42+s15+$0x0] =	vst.idx.msk $0xffff, v57  }
0x121: {  	[tilespmem:v59+s15+$0x0] =	vst.idx.msk $0xffff, v58  }
0x122: {  	[tilespmem:v38+s15+$0x0] =	vst.idx.msk $0xffff, v60  }
0x123: {  	s21 =	sadd.s32 @!p1 $0x180, s21;
	s20 =	sadd.s32 s5, s20;
	[tilespmem:v35+s15+$0x0] =	vst.idx.msk $0xffff, v61  }
0x124: {  	s23 =	simm.s32 @!p1 $0x8400;
	s25 =	sshll.u32 s20, $0x7;
	s22 =	simm.s32 @!p1 $0x80;
	[tilespmem:v63+s15+$0x0] =	vst.idx.msk $0xffff, v62  }
0x125: {  	[tilespmem:s23], [sflag:$0x2] =	stream.indirect.gather @!p1 [hbm4b:s4+s22], $0x40, s21, s22, $0xb8;
	[tilespmem:$0xE800] =	vst v63  }
0x126: {  	s20 =	sshll.u32 s20, $0xA;
	s21 =	sand.u32 $0x3F80, s25  }
0x127: {  	s20 =	sand.u32 $0xFFE0000, s20;
	s21 =	sadd.s32 s2, s21  }
0x128: {  	s26 =	simm.s32 $0xC600;
	s21 =	sadd.s32 s20, s21  }
0x129: {  	[hbm4b:s21+s3] =	stream.linear.scatter [tilespmem:s26], [sflag:$0x4], $0x80, $0x38;
	[tilespmem:$0xE800] =	vst v63  }
0x12a: {  	s28 =	simm.s32 $0xC688;
	s29 =	sadd.s32 $0x10, s21  }
0x12b: {  	[hbm4b:s29+s3] =	stream.linear.scatter [tilespmem:s28], [sflag:$0x4], $0x80, $0x38;
	[tilespmem:$0xE800] =	vst v63  }
0x12c: {  	s30 =	simm.s32 $0xC710;
	s23 =	simm.s32 $0xC798;
	s31 =	sadd.s32 $0x20, s21  }
0x12d: {  	[hbm4b:s31+s3] =	stream.linear.scatter [tilespmem:s30], [sflag:$0x4], $0x80, $0x38;
	[tilespmem:$0xE800] =	vst v63  }
0x12e: {  	s25 =	simm.s32 $0xC820;
	s22 =	simm.s32 $0x2200;
	s24 =	sadd.s32 $0x30, s21  }
0x12f: {  	[hbm4b:s24+s3] =	stream.linear.scatter [tilespmem:s23], [sflag:$0x4], $0x80, $0x38;
	[tilespmem:$0xE800] =	vst v63  }
0x130: {  	s20 =	simm.s32 $0x440;
	s26 =	sadd.s32 $0x40, s21;
	s28 =	simm.s32 $0xC8A8  }
0x131: {  	[hbm4b:s26+s3] =	stream.linear.scatter [tilespmem:s25], [sflag:$0x4], $0x80, $0x38;
	[tilespmem:$0xE800] =	vst v63  }
0x132: {  	s29 =	sadd.s32 $0x50, s21;
	s30 =	simm.s32 $0xC930;
	s31 =	sadd.s32 $0x60, s21  }
0x133: {  	[hbm4b:s29+s3] =	stream.linear.scatter [tilespmem:s28], [sflag:$0x4], $0x80, $0x38;
	[tilespmem:$0xE800] =	vst v63  }
0x134: {  	s23 =	simm.s32 $0xC9B8;
	s24 =	sadd.s32 $0x70, s21;
	s21 =	sadd.s32 $0x4000, s21  }
0x135: {  	[hbm4b:s31+s3] =	stream.linear.scatter [tilespmem:s30], [sflag:$0x4], $0x80, $0x38;
	[tilespmem:$0xE800] =	vst v63  }
.LBB2_9:
0x136: {  	[hbm4b:s24+s3] =	stream.linear.scatter [tilespmem:s23], [sflag:$0x4], $0x80, $0x38;
	[tilespmem:$0xE800] =	vst v63  }
0x137: {  	s23 =	smov.u32 s20;
	s20 =	smov.u32 s22  }
0x138: {  	s25 =	sadd.s32 $0x1100, s22;
	s20 =	sshra.s32 s20, $0x2;
	s24 =	sadd.s32 $0xC600, s23  }
0x139: {  	[hbm4b:s21+s3] =	stream.linear.scatter [tilespmem:s24], [sflag:$0x4], $0x80, $0x38;
	[tilespmem:$0xE800] =	vst v63  }
0x13a: {  	p0 =	sne.s32 s22, $0x7700;
	s22 =	sadd.s32 $0xC688, s23;
	s24 =	sadd.s32 $0x10, s21  }
0x13b: {  	[hbm4b:s24+s3] =	stream.linear.scatter [tilespmem:s22], [sflag:$0x4], $0x80, $0x38;
	[tilespmem:$0xE800] =	vst v63  }
0x13c: {  	s22 =	sadd.s32 $0xC710, s23;
	s24 =	sadd.s32 $0x20, s21  }
0x13d: {  	[hbm4b:s24+s3] =	stream.linear.scatter [tilespmem:s22], [sflag:$0x4], $0x80, $0x38;
	[tilespmem:$0xE800] =	vst v63  }
0x13e: {  	s22 =	sadd.s32 $0xC798, s23;
	s24 =	sadd.s32 $0x30, s21  }
0x13f: {  	[hbm4b:s24+s3] =	stream.linear.scatter [tilespmem:s22], [sflag:$0x4], $0x80, $0x38;
	[tilespmem:$0xE800] =	vst v63  }
0x140: {  	s22 =	sadd.s32 $0xC820, s23;
	s24 =	sadd.s32 $0x40, s21  }
0x141: {  	[hbm4b:s24+s3] =	stream.linear.scatter [tilespmem:s22], [sflag:$0x4], $0x80, $0x38;
	[tilespmem:$0xE800] =	vst v63  }
.Ltmp3:
0x142: {  	s22 =	sadd.s32 $0xC8A8, s23;
	s24 =	sadd.s32 $0x50, s21;
	(pc) =	sbr.rel @p0 .LBB2_9-.Ltmp3, $4  }
0x143: {  	[hbm4b:s24+s3] =	stream.linear.scatter [tilespmem:s22], [sflag:$0x4], $0x80, $0x38;
	[tilespmem:$0xE800] =	vst v63  }
0x144: {  	s22 =	sadd.s32 $0xC930, s23;
	s24 =	sadd.s32 $0x60, s21;
	s23 =	sadd.s32 $0xC9B8, s23  }
0x145: {  	[hbm4b:s24+s3] =	stream.linear.scatter [tilespmem:s22], [sflag:$0x4], $0x80, $0x38;
	[tilespmem:$0xE800] =	vst v63  }
0x146: {  	s24 =	sadd.s32 $0x70, s21;
	s21 =	sadd.s32 $0x4000, s21;
	s22 =	smov.u32 s25  }
0x147: {  	[hbm4b:s24+s3] =	stream.linear.scatter [tilespmem:s23], [sflag:$0x4], $0x80, $0x38;
	[tilespmem:$0xE800] =	vst v63  }
0x148: {  	s22 =	sadd.s32 $0xC600, s20  }
0x149: {  	[hbm4b:s21+s3] =	stream.linear.scatter [tilespmem:s22], [sflag:$0x4], $0x80, $0x38;
	[tilespmem:$0xE800] =	vst v63  }
0x14a: {  	s25 =	sadd.s32 $0xC688, s20;
	s26 =	sadd.s32 $0x10, s21  }
0x14b: {  	[hbm4b:s26+s3] =	stream.linear.scatter [tilespmem:s25], [sflag:$0x4], $0x80, $0x38;
	[tilespmem:$0xE800] =	vst v63  }
0x14c: {  	s28 =	sadd.s32 $0xC710, s20;
	s29 =	sadd.s32 $0x20, s21  }
0x14d: {  	[hbm4b:s29+s3] =	stream.linear.scatter [tilespmem:s28], [sflag:$0x4], $0x80, $0x38;
	[tilespmem:$0xE800] =	vst v63  }
0x14e: {  	s30 =	sadd.s32 $0xC798, s20;
	s31 =	sadd.s32 $0x30, s21  }
0x14f: {  	[hbm4b:s31+s3] =	stream.linear.scatter [tilespmem:s30], [sflag:$0x4], $0x80, $0x38;
	[tilespmem:$0xE800] =	vst v63  }
0x150: {  	s23 =	sadd.s32 $0xC820, s20;
	s24 =	sadd.s32 $0x40, s21;
	s19 =	sadd.s32 $0x1, s19  }
0x151: {  	[hbm4b:s24+s3] =	stream.linear.scatter [tilespmem:s23], [sflag:$0x4], $0x80, $0x38;
	[tilespmem:$0xE800] =	vst v63  }
0x152: {  	p0 =	sne.s32 s19, $0x64;
	s25 =	sadd.s32 $0xC8A8, s20;
	s26 =	sadd.s32 $0x50, s21  }
0x153: {  	[hbm4b:s26+s3] =	stream.linear.scatter [tilespmem:s25], [sflag:$0x4], $0x80, $0x38;
	[tilespmem:$0xE800] =	vst v63  }
.Ltmp4:
0x154: {  	_ = 	snop;
	(pc) =	sbr.rel @p0 .LBB2_2-.Ltmp4, $4  }
0x155: {  	s28 =	sadd.s32 $0xC930, s20;
	s29 =	sadd.s32 $0x60, s21  }
0x156: {  	[hbm4b:s29+s3] =	stream.linear.scatter [tilespmem:s28], [sflag:$0x4], $0x80, $0x38;
	[tilespmem:$0xE800] =	vst v63  }
0x157: {  	s30 =	sadd.s32 $0xC9B8, s20;
	s31 =	sadd.s32 $0x70, s21  }
0x158: {  	[hbm4b:s31+s3] =	stream.linear.scatter [tilespmem:s30], [sflag:$0x4], $0x80, $0x38;
	[tilespmem:$0xE800] =	vst v63  }
0x159: {  	s18 =	sadd.s32 $0x1, s18  }
0x15a: {  	_ =	swait.ge [sflag:s16], $0x2000;
	p0 =	sne.s32 s18, s7  }
.Ltmp5:
0x15b: {  	[sflag:s16] =	ssyncset.done $0x0;
	(pc) =	sbr.rel @p0 .LBB2_1-.Ltmp5, $4  }
0x15c: {  	[sflag:s16] =	ssyncadd.s32 $0xFFFFE000  }
0x15d: {  	_ =	swait.ge [sflag:s17], $0x2000  }
0x15e: {  	[sflag:s17] =	ssyncset.done $0x0  }
0x15f: {  	[sflag:s17] =	ssyncadd.s32 $0xFFFFE000  }
0x160: {  	_ =	sfence.sel $0x180000  }
0x161: {  	[bflag:$0x0] =	sbarrier.arrive $0xFFFF  }
0x162: {  	p0 =	sne.s32 s0, $0x0;
	_ =	strace $0x9000004A  }
0x163: {  	s0 =	sadd.s32 @!p0 $0x100000, s1;
	[bflag:$0x2] =	sbarrier.arrive $0xFFFF  }
0x164: {  	[sflag:s0] =	ssyncadd.tile.s32 @!p0 $0x1;
	_ =	shalt  }
.Lfunc_end2:
_tile_overlayer_lowered:
.L_overlay_start_2:
0x165: {  	(tag) =	ssettag $0x2  }
0x166: {  	s0 =	rddreg [dreg:$0x0];
	s2 =	stileid.u32  }
0x167: {  	s1 =	rddreg [dreg:$0x1];
	p0 =	sne.s32 s2, $0x0  }
0x168: {  	s3 =	rddreg [dreg:$0x2];
	[bflag:$0x3] =	sbarrier.arrive $0xFFFF;
	s2 =	simm.s32 @!p0 $0x1C05  }
0x169: {  	[timem:s3], [sflag:s2] =	dma.local @!p0 [hbm:s0], s1  }
0x16a: {  	s0 =	simm.s32 @!p0 $0x5  }
0x16b: {  	_ =	swait.ge @!p0 [sflag:s0], s1  }
0x16c: {  	s1 =	ssub.s32 @!p0 $0x0, s1;
	[sflag:s0] =	ssyncset.done @!p0 $0x0  }
0x16d: {  	[sflag:s0] =	ssyncadd.s32 @!p0 s1  }
0x16e: {  	[bflag:$0x3] =	sbarrier.arrive $0xFFFF  }
0x16f: {  	_ =	shalt  }

</sc_bundles>
